<compile_context>
chip_gen: v7x
topology: tpu7x:2x2x1
jax: 0.10.2.dev20260603
libtpu: 0.0.44.dev20260713+nightly
codegen_flags: <defaults>
</compile_context>

<pallas_src>
import jax
import jax.numpy as jnp
from jax import lax
from jax.experimental import pallas as pl
from jax.experimental.pallas import tpu as pltpu
from jax.experimental.pallas import tpu_sc as plsc

MAX_B = 8
MAX_S = 2048
N_HEADS = 16
HEAD_DIM = 128
Q_LEN = 16

ROWS = MAX_B * N_HEADS * MAX_S
SLABS = MAX_B * N_HEADS
VAL_ROWS = SLABS * Q_LEN
SHAPE4 = (MAX_B, N_HEADS, MAX_S, HEAD_DIM)


_info = plsc.get_sparse_core_info()
NC, NS, L = _info.num_cores, _info.num_subcores, _info.num_lanes
NW = NC * NS
SLABS_PER_W = 1
ACTIVE_W = 16
SC_ROWS = ACTIVE_W * SLABS_PER_W * MAX_S
ROWS_PER_W = SC_ROWS // ACTIVE_W
CHUNK = 256
NCHUNK = ROWS_PER_W // CHUNK
NBUF = 3


def _copy_range(src, dst, base, bufs, sem_r, sem_w):
    nbuf = len(bufs)

    def read(c, buf):
        return pltpu.make_async_copy(src.at[pl.ds(base + c * CHUNK, CHUNK)], buf, sem_r)

    def write(c, buf):
        return pltpu.make_async_copy(buf, dst.at[pl.ds(base + c * CHUNK, CHUNK)], sem_w)

    for b in range(nbuf):
        read(b, bufs[b]).start()

    def body(g):
        for b in range(nbuf):
            c = g + b
            buf = bufs[b]
            read(c, buf).wait()
            write(c, buf).start()
        for b in range(nbuf):
            c = g + b
            buf = bufs[b]
            write(c, buf).wait()

            @pl.when(c + nbuf < NCHUNK)
            def _():
                read(c + nbuf, buf).start()

    main = (NCHUNK // nbuf) * nbuf
    pl.loop(0, main, step=nbuf)(body)
    for c in range(main, NCHUNK):
        buf = bufs[c % nbuf]
        read(c, buf).wait()
        write(c, buf).start()
    for c in range(main, NCHUNK):
        write(c, bufs[c % nbuf]).wait()


def _sc_body(cache, pos, val, out,
             buf0, buf1, buf2, valbuf, idxbuf, posbuf, sem_r, sem_w, sem_s):
    wid = lax.axis_index("s") * NC + lax.axis_index("c")

    @pl.when(wid < ACTIVE_W)
    def _():
        base = wid * ROWS_PER_W

        pltpu.sync_copy(pos, posbuf)
        p16 = posbuf[...]
        for s in range(SLABS_PER_W):
            slab = wid * SLABS_PER_W + s
            idxbuf[pl.ds(s * Q_LEN, Q_LEN)] = p16 + slab * MAX_S

        _copy_range(cache, out, base, (buf0, buf1, buf2), sem_r, sem_w)
        pltpu.async_copy(val.at[pl.ds(wid * SLABS_PER_W * Q_LEN,
                                      SLABS_PER_W * Q_LEN)],
                         valbuf, sem_s).wait()
        pltpu.async_copy(valbuf, out.at[idxbuf], sem_s).wait()


def _sc_update_head(cache, input_pos, val):
    mesh = plsc.VectorSubcoreMesh(core_axis_name="c", subcore_axis_name="s")
    run = pl.kernel(
        _sc_body,
        out_type=jax.ShapeDtypeStruct((ROWS, HEAD_DIM), jnp.float32),
        mesh=mesh,
        scratch_types=[
            pltpu.VMEM((CHUNK, HEAD_DIM), jnp.float32),
            pltpu.VMEM((CHUNK, HEAD_DIM), jnp.float32),
            pltpu.VMEM((CHUNK, HEAD_DIM), jnp.float32),
            pltpu.VMEM((SLABS_PER_W * Q_LEN, HEAD_DIM), jnp.float32),
            pltpu.VMEM((SLABS_PER_W * Q_LEN,), jnp.int32),
            pltpu.VMEM((Q_LEN,), jnp.int32),
            pltpu.SemaphoreType.DMA,
            pltpu.SemaphoreType.DMA,
            pltpu.SemaphoreType.DMA,
        ],
    )
    return run(cache.reshape(ROWS, HEAD_DIM), input_pos,
               val.reshape(VAL_ROWS, HEAD_DIM))



BLK = 16384
BLK_SLABS = BLK // MAX_S
SC_BLKS = SC_ROWS // BLK


def _tc_body(pos_ref, cache_ref, val_ref, out_ref):
    out_ref[...] = cache_ref[...]
    for s in range(BLK_SLABS):
        for i in range(Q_LEN):
            p = pos_ref[i]
            out_ref[pl.ds(s * MAX_S + p, 1), :] = val_ref[pl.ds(s * Q_LEN + i, 1), :]


def _tc_update(cache, input_pos, val):
    cache_spec = pl.BlockSpec((BLK, HEAD_DIM), lambda i: (i, 0))
    val_spec = pl.BlockSpec((BLK_SLABS * Q_LEN, HEAD_DIM), lambda i: (i, 0))
    out = pl.pallas_call(
        _tc_body,
        grid=(ROWS // BLK,),
        in_specs=[
            pl.BlockSpec(memory_space=pltpu.SMEM),
            cache_spec,
            val_spec,
        ],
        out_specs=cache_spec,
        out_shape=jax.ShapeDtypeStruct((ROWS, HEAD_DIM), jnp.float32),
    )(input_pos, cache.reshape(ROWS, HEAD_DIM), val.reshape(VAL_ROWS, HEAD_DIM))
    return out.reshape(SHAPE4)


def _tc_body_tail(pos_ref, done_ref, cache_ref, val_ref, out_ref):
    del done_ref
    _tc_body(pos_ref, cache_ref, val_ref, out_ref)


def _tc_update_tail(done, cache, input_pos, val):
    cache_spec = pl.BlockSpec((BLK, HEAD_DIM), lambda i: (i + SC_BLKS, 0))
    val_spec = pl.BlockSpec((BLK_SLABS * Q_LEN, HEAD_DIM), lambda i: (i + SC_BLKS, 0))
    out = pl.pallas_call(
        _tc_body_tail,
        grid=((ROWS - SC_ROWS) // BLK,),
        in_specs=[
            pl.BlockSpec(memory_space=pltpu.SMEM),
            pl.BlockSpec(memory_space=pl.ANY),
            cache_spec,
            val_spec,
        ],
        out_specs=cache_spec,
        out_shape=jax.ShapeDtypeStruct((ROWS, HEAD_DIM), jnp.float32),
        input_output_aliases={1: 0},
    )(input_pos, done, cache.reshape(ROWS, HEAD_DIM), val.reshape(VAL_ROWS, HEAD_DIM))
    return out.reshape(SHAPE4)


def kernel(k_cache, v_cache, input_pos, k_val, v_val):
    v_head = _sc_update_head(v_cache, input_pos, v_val)
    k_out = _tc_update(k_cache, input_pos, k_val)
    v_out = _tc_update_tail(v_head, v_cache, input_pos, v_val)
    return k_out, v_out

# --- scband reference (transcript-rebuilt; emitter-appended) ---
"""Pipeline reference for scband-static-kvcache-54735063220530 (READ-ONLY COPY).

The authoritative reference and input builder live on the scoring server;
editing this copy changes nothing except your own understanding.
"""

import jax, jax.numpy as jnp
import numpy as np

MAX_B = 8
MAX_S = 2048
N_HEADS = 16
HEAD_DIM = 128
Q_LEN = 16


def setup_inputs(seed: int = 0) -> dict:
    key = jax.random.key(seed)
    k1, k2 = jax.random.split(key, 2)
    input_pos = jnp.arange(Q_LEN, dtype=jnp.int32)
    k_val = jax.random.normal(k1, (MAX_B, N_HEADS, Q_LEN, HEAD_DIM), dtype=jnp.float32)
    v_val = jax.random.normal(k2, (MAX_B, N_HEADS, Q_LEN, HEAD_DIM), dtype=jnp.float32)
    # pre-allocated static cache buffers
    k_cache = jnp.zeros((MAX_B, N_HEADS, MAX_S, HEAD_DIM), dtype=jnp.float32)
    v_cache = jnp.zeros((MAX_B, N_HEADS, MAX_S, HEAD_DIM), dtype=jnp.float32)
    return {"k_cache": k_cache, "v_cache": v_cache, "input_pos": input_pos, "k_val": k_val, "v_val": v_val}


def reference(k_cache, v_cache, input_pos, k_val, v_val):
    # StaticKVCache.update: scatter-overwrite along the sequence axis
    # k_out[:, :, input_pos] = k_val ; v_out[:, :, input_pos] = v_val
    k_out = k_cache.at[:, :, input_pos].set(k_val)
    v_out = v_cache.at[:, :, input_pos].set(v_val)
    return (k_out, v_out)

if __name__ == "__main__":
    import jax
    _d = setup_inputs()
    print(jax.jit(kernel)(*tuple(_d.values())))

</pallas_src>

<mosaic_0001>
#map = affine_map<(d0, d1) -> (0, 0)>
#map1 = affine_map<(d0, d1) -> (0)>
module attributes {stable_mosaic.version = 14 : i64} {
  func.func @_sc_body(%arg0: i32, %arg1: i32, %arg2: memref<262144x128xf32, #tpu.memory_space<hbm>>, %arg3: memref<16xi32, #tpu.memory_space<hbm>>, %arg4: memref<2048x128xf32, #tpu.memory_space<hbm>>, %arg5: memref<262144x128xf32, #tpu.memory_space<hbm>>, %arg6: memref<256x128xf32, #tpu.memory_space<vmem>>, %arg7: memref<256x128xf32, #tpu.memory_space<vmem>>, %arg8: memref<256x128xf32, #tpu.memory_space<vmem>>, %arg9: memref<16x128xf32, #tpu.memory_space<vmem>>, %arg10: memref<16xi32, #tpu.memory_space<vmem>>, %arg11: memref<16xi32, #tpu.memory_space<vmem>>, %arg12: memref<!tpu.dma_semaphore, #tpu.memory_space<semaphore_mem>>, %arg13: memref<!tpu.dma_semaphore, #tpu.memory_space<semaphore_mem>>, %arg14: memref<!tpu.dma_semaphore, #tpu.memory_space<semaphore_mem>>) attributes {dimension_semantics = [#tpu.dimension_semantics<core_parallel>, #tpu.dimension_semantics<subcore_parallel>], iteration_bounds = array<i64: 2, 16>, scalar_prefetch = 0 : i64, scratch_operands = 9 : i64, tpu.core_type = #tpu.core_type<sc_vector_subcore>, window_params = [{transform_indices = #map}, {transform_indices = #map1}, {transform_indices = #map}, {transform_indices = #map}]} {
    %mul3A = arith.constant 2 : i32
    %mul3A_0 = arith.muli %arg1, %mul3A : i32
    %add3A = arith.addi %mul3A_0, %arg0 : i32
    %lt3A = arith.constant 16 : i32
    %lt3A_1 = arith.cmpi slt, %add3A, %lt3A : i32
    %convert_element_type3A = arith.extui %lt3A_1 : i1 to i32
    %cond3A = arith.constant 0 : i32
    %cond3A_2 = arith.cmpi ne, %convert_element_type3A, %cond3A : i32
    scf.if %cond3A_2 {
      %mul3A_3 = arith.constant 2048 : i32
      %mul3A_4 = arith.muli %add3A, %mul3A_3 : i32
      "tpu.region"() ({
        %run_scoped3A = tpu.sem_alloc : memref<!tpu.dma_semaphore, #tpu.memory_space<semaphore_mem>>
        tpu.enqueue_dma source(%arg3 : memref<16xi32, #tpu.memory_space<hbm>>) target(%arg11 : memref<16xi32, #tpu.memory_space<vmem>>) target_semaphore(%run_scoped3A : memref<!tpu.dma_semaphore, #tpu.memory_space<semaphore_mem>>)
        tpu.wait_dma2 semaphore(%run_scoped3A : memref<!tpu.dma_semaphore, #tpu.memory_space<semaphore_mem>>) src(%arg3 : memref<16xi32, #tpu.memory_space<hbm>>) dst(%arg11 : memref<16xi32, #tpu.memory_space<vmem>>)
        tpu.yield
      }) : () -> ()
      %get3A = arith.constant 0 : index
      %get3A_5 = tpu.vector_load %arg11[%get3A] {strides = array<i32>} : memref<16xi32, #tpu.memory_space<vmem>>, vector<16xi32>,
      %get3A_6 = vector.shape_cast %get3A_5 : vector<16xi32> to vector<16xi32>
      %mul3A_7 = arith.constant 1 : i32
      %mul3A_8 = arith.muli %add3A, %mul3A_7 : i32
      %add3A_9 = arith.constant 0 : i32
      %add3A_10 = arith.addi %mul3A_8, %add3A_9 : i32
      %mul3A_11 = arith.constant 2048 : i32
      %mul3A_12 = arith.muli %add3A_10, %mul3A_11 : i32
      %add3A_13 = vector.broadcast %mul3A_12 : i32 to vector<16xi32>
      %add3A_14 = arith.addi %get3A_6, %add3A_13 : vector<16xi32>
      %swap3A = arith.constant 0 : index
      %swap3A_15 = tpu.vector_load %arg10[%swap3A] {strides = array<i32>} : memref<16xi32, #tpu.memory_space<vmem>>, vector<16xi32>,
      %swap3A_16 = vector.shape_cast %swap3A_15 : vector<16xi32> to vector<16xi32>
      %swap3A_17 = vector.shape_cast %add3A_14 : vector<16xi32> to vector<16xi32>
      tpu.vector_store %arg10[%swap3A], %swap3A_17 {strides = array<i32>} : memref<16xi32, #tpu.memory_space<vmem>>, vector<16xi32>,
      %add3A_18 = arith.constant 0 : i32
      %add3A_19 = arith.addi %mul3A_4, %add3A_18 : i32
      %dma_start3A = arith.constant 0 : i32
      %dma_start3A_20 = tpu.memref_slice %arg2[%add3A_19, %dma_start3A] : memref<262144x128xf32, #tpu.memory_space<hbm>> -> memref<256x128xf32, #tpu.memory_space<hbm>>
      %dma_start3A_21 = arith.constant 0 : i32
      %dma_start3A_22 = tpu.memref_slice %arg2[%add3A_19, %dma_start3A_21] : memref<262144x128xf32, #tpu.memory_space<hbm>> -> memref<256x128xf32, #tpu.memory_space<hbm>>
      tpu.enqueue_dma source(%dma_start3A_22 : memref<256x128xf32, #tpu.memory_space<hbm>>) target(%arg6 : memref<256x128xf32, #tpu.memory_space<vmem>>) target_semaphore(%arg12 : memref<!tpu.dma_semaphore, #tpu.memory_space<semaphore_mem>>)
      %add3A_23 = arith.constant 256 : i32
      %add3A_24 = arith.addi %mul3A_4, %add3A_23 : i32
      %dma_start3A_25 = arith.constant 0 : i32
      %dma_start3A_26 = tpu.memref_slice %arg2[%add3A_24, %dma_start3A_25] : memref<262144x128xf32, #tpu.memory_space<hbm>> -> memref<256x128xf32, #tpu.memory_space<hbm>>
      %dma_start3A_27 = arith.constant 0 : i32
      %dma_start3A_28 = tpu.memref_slice %arg2[%add3A_24, %dma_start3A_27] : memref<262144x128xf32, #tpu.memory_space<hbm>> -> memref<256x128xf32, #tpu.memory_space<hbm>>
      tpu.enqueue_dma source(%dma_start3A_28 : memref<256x128xf32, #tpu.memory_space<hbm>>) target(%arg7 : memref<256x128xf32, #tpu.memory_space<vmem>>) target_semaphore(%arg12 : memref<!tpu.dma_semaphore, #tpu.memory_space<semaphore_mem>>)
      %add3A_29 = arith.constant 512 : i32
      %add3A_30 = arith.addi %mul3A_4, %add3A_29 : i32
      %dma_start3A_31 = arith.constant 0 : i32
      %dma_start3A_32 = tpu.memref_slice %arg2[%add3A_30, %dma_start3A_31] : memref<262144x128xf32, #tpu.memory_space<hbm>> -> memref<256x128xf32, #tpu.memory_space<hbm>>
      %dma_start3A_33 = arith.constant 0 : i32
      %dma_start3A_34 = tpu.memref_slice %arg2[%add3A_30, %dma_start3A_33] : memref<262144x128xf32, #tpu.memory_space<hbm>> -> memref<256x128xf32, #tpu.memory_space<hbm>>
      tpu.enqueue_dma source(%dma_start3A_34 : memref<256x128xf32, #tpu.memory_space<hbm>>) target(%arg8 : memref<256x128xf32, #tpu.memory_space<vmem>>) target_semaphore(%arg12 : memref<!tpu.dma_semaphore, #tpu.memory_space<semaphore_mem>>)
      %scan3A = arith.constant 0 : i32
      %scan3A_35 = arith.constant 2 : i32
      %scan3A_36 = arith.addi %scan3A, %scan3A_35 : i32
      %scan3A_37 = arith.constant 1 : i32
      scf.for %scan3A_92 = %scan3A to %scan3A_36 step %scan3A_37  : i32 {
        %mul3A_93 = arith.constant 3 : i32
        %mul3A_94 = arith.muli %scan3A_92, %mul3A_93 : i32
        %add3A_95 = arith.constant 0 : i32
        %add3A_96 = arith.addi %add3A_95, %mul3A_94 : i32
        %add3A_97 = arith.constant 0 : i32
        %add3A_98 = arith.addi %add3A_96, %add3A_97 : i32
        %mul3A_99 = arith.constant 256 : i32
        %mul3A_100 = arith.muli %add3A_98, %mul3A_99 : i32
        %add3A_101 = arith.addi %mul3A_4, %mul3A_100 : i32
        %dma_wait3A_102 = arith.constant 0 : i32
        %dma_wait3A_103 = tpu.memref_slice %arg2[%add3A_101, %dma_wait3A_102] : memref<262144x128xf32, #tpu.memory_space<hbm>> -> memref<256x128xf32, #tpu.memory_space<hbm>>
        %dma_wait3A_104 = arith.constant 0 : i32
        %dma_wait3A_105 = tpu.memref_slice %arg2[%add3A_101, %dma_wait3A_104] : memref<262144x128xf32, #tpu.memory_space<hbm>> -> memref<256x128xf32, #tpu.memory_space<hbm>>
        tpu.wait_dma2 semaphore(%arg12 : memref<!tpu.dma_semaphore, #tpu.memory_space<semaphore_mem>>) src(%dma_wait3A_105 : memref<256x128xf32, #tpu.memory_space<hbm>>) dst(%arg6 : memref<256x128xf32, #tpu.memory_space<vmem>>)
        %mul3A_106 = arith.constant 256 : i32
        %mul3A_107 = arith.muli %add3A_98, %mul3A_106 : i32
        %add3A_108 = arith.addi %mul3A_4, %mul3A_107 : i32
        %dma_start3A_109 = arith.constant 0 : i32
        %dma_start3A_110 = tpu.memref_slice %arg5[%add3A_108, %dma_start3A_109] : memref<262144x128xf32, #tpu.memory_space<hbm>> -> memref<256x128xf32, #tpu.memory_space<hbm>>
        %dma_start3A_111 = arith.constant 0 : i32
        %dma_start3A_112 = tpu.memref_slice %arg5[%add3A_108, %dma_start3A_111] : memref<262144x128xf32, #tpu.memory_space<hbm>> -> memref<256x128xf32, #tpu.memory_space<hbm>>
        tpu.enqueue_dma source(%arg6 : memref<256x128xf32, #tpu.memory_space<vmem>>) target(%dma_start3A_112 : memref<256x128xf32, #tpu.memory_space<hbm>>) target_semaphore(%arg13 : memref<!tpu.dma_semaphore, #tpu.memory_space<semaphore_mem>>)
        %add3A_113 = arith.constant 1 : i32
        %add3A_114 = arith.addi %add3A_96, %add3A_113 : i32
        %mul3A_115 = arith.constant 256 : i32
        %mul3A_116 = arith.muli %add3A_114, %mul3A_115 : i32
        %add3A_117 = arith.addi %mul3A_4, %mul3A_116 : i32
        %dma_wait3A_118 = arith.constant 0 : i32
        %dma_wait3A_119 = tpu.memref_slice %arg2[%add3A_117, %dma_wait3A_118] : memref<262144x128xf32, #tpu.memory_space<hbm>> -> memref<256x128xf32, #tpu.memory_space<hbm>>
        %dma_wait3A_120 = arith.constant 0 : i32
        %dma_wait3A_121 = tpu.memref_slice %arg2[%add3A_117, %dma_wait3A_120] : memref<262144x128xf32, #tpu.memory_space<hbm>> -> memref<256x128xf32, #tpu.memory_space<hbm>>
        tpu.wait_dma2 semaphore(%arg12 : memref<!tpu.dma_semaphore, #tpu.memory_space<semaphore_mem>>) src(%dma_wait3A_121 : memref<256x128xf32, #tpu.memory_space<hbm>>) dst(%arg7 : memref<256x128xf32, #tpu.memory_space<vmem>>)
        %mul3A_122 = arith.constant 256 : i32
        %mul3A_123 = arith.muli %add3A_114, %mul3A_122 : i32
        %add3A_124 = arith.addi %mul3A_4, %mul3A_123 : i32
        %dma_start3A_125 = arith.constant 0 : i32
        %dma_start3A_126 = tpu.memref_slice %arg5[%add3A_124, %dma_start3A_125] : memref<262144x128xf32, #tpu.memory_space<hbm>> -> memref<256x128xf32, #tpu.memory_space<hbm>>
        %dma_start3A_127 = arith.constant 0 : i32
        %dma_start3A_128 = tpu.memref_slice %arg5[%add3A_124, %dma_start3A_127] : memref<262144x128xf32, #tpu.memory_space<hbm>> -> memref<256x128xf32, #tpu.memory_space<hbm>>
        tpu.enqueue_dma source(%arg7 : memref<256x128xf32, #tpu.memory_space<vmem>>) target(%dma_start3A_128 : memref<256x128xf32, #tpu.memory_space<hbm>>) target_semaphore(%arg13 : memref<!tpu.dma_semaphore, #tpu.memory_space<semaphore_mem>>)
        %add3A_129 = arith.constant 2 : i32
        %add3A_130 = arith.addi %add3A_96, %add3A_129 : i32
        %mul3A_131 = arith.constant 256 : i32
        %mul3A_132 = arith.muli %add3A_130, %mul3A_131 : i32
        %add3A_133 = arith.addi %mul3A_4, %mul3A_132 : i32
        %dma_wait3A_134 = arith.constant 0 : i32
        %dma_wait3A_135 = tpu.memref_slice %arg2[%add3A_133, %dma_wait3A_134] : memref<262144x128xf32, #tpu.memory_space<hbm>> -> memref<256x128xf32, #tpu.memory_space<hbm>>
        %dma_wait3A_136 = arith.constant 0 : i32
        %dma_wait3A_137 = tpu.memref_slice %arg2[%add3A_133, %dma_wait3A_136] : memref<262144x128xf32, #tpu.memory_space<hbm>> -> memref<256x128xf32, #tpu.memory_space<hbm>>
        tpu.wait_dma2 semaphore(%arg12 : memref<!tpu.dma_semaphore, #tpu.memory_space<semaphore_mem>>) src(%dma_wait3A_137 : memref<256x128xf32, #tpu.memory_space<hbm>>) dst(%arg8 : memref<256x128xf32, #tpu.memory_space<vmem>>)
        %mul3A_138 = arith.constant 256 : i32
        %mul3A_139 = arith.muli %add3A_130, %mul3A_138 : i32
        %add3A_140 = arith.addi %mul3A_4, %mul3A_139 : i32
        %dma_start3A_141 = arith.constant 0 : i32
        %dma_start3A_142 = tpu.memref_slice %arg5[%add3A_140, %dma_start3A_141] : memref<262144x128xf32, #tpu.memory_space<hbm>> -> memref<256x128xf32, #tpu.memory_space<hbm>>
        %dma_start3A_143 = arith.constant 0 : i32
        %dma_start3A_144 = tpu.memref_slice %arg5[%add3A_140, %dma_start3A_143] : memref<262144x128xf32, #tpu.memory_space<hbm>> -> memref<256x128xf32, #tpu.memory_space<hbm>>
        tpu.enqueue_dma source(%arg8 : memref<256x128xf32, #tpu.memory_space<vmem>>) target(%dma_start3A_144 : memref<256x128xf32, #tpu.memory_space<hbm>>) target_semaphore(%arg13 : memref<!tpu.dma_semaphore, #tpu.memory_space<semaphore_mem>>)
        %add3A_145 = arith.constant 0 : i32
        %add3A_146 = arith.addi %add3A_96, %add3A_145 : i32
        %mul3A_147 = arith.constant 256 : i32
        %mul3A_148 = arith.muli %add3A_146, %mul3A_147 : i32
        %add3A_149 = arith.addi %mul3A_4, %mul3A_148 : i32
        %dma_wait3A_150 = arith.constant 0 : i32
        %dma_wait3A_151 = tpu.memref_slice %arg5[%add3A_149, %dma_wait3A_150] : memref<262144x128xf32, #tpu.memory_space<hbm>> -> memref<256x128xf32, #tpu.memory_space<hbm>>
        %dma_wait3A_152 = arith.constant 0 : i32
        %dma_wait3A_153 = tpu.memref_slice %arg5[%add3A_149, %dma_wait3A_152] : memref<262144x128xf32, #tpu.memory_space<hbm>> -> memref<256x128xf32, #tpu.memory_space<hbm>>
        tpu.wait_dma2 semaphore(%arg13 : memref<!tpu.dma_semaphore, #tpu.memory_space<semaphore_mem>>) src(%arg6 : memref<256x128xf32, #tpu.memory_space<vmem>>) dst(%dma_wait3A_153 : memref<256x128xf32, #tpu.memory_space<hbm>>)
        %add3A_154 = arith.constant 3 : i32
        %add3A_155 = arith.addi %add3A_146, %add3A_154 : i32
        %lt3A_156 = arith.constant 8 : i32
        %lt3A_157 = arith.cmpi slt, %add3A_155, %lt3A_156 : i32
        %convert_element_type3A_158 = arith.extui %lt3A_157 : i1 to i32
        %cond3A_159 = arith.constant 0 : i32
        %cond3A_160 = arith.cmpi ne, %convert_element_type3A_158, %cond3A_159 : i32
        scf.if %cond3A_160 {
          %add3A_193 = arith.constant 3 : i32
          %add3A_194 = arith.addi %add3A_146, %add3A_193 : i32
          %mul3A_195 = arith.constant 256 : i32
          %mul3A_196 = arith.muli %add3A_194, %mul3A_195 : i32
          %add3A_197 = arith.addi %mul3A_4, %mul3A_196 : i32
          %dma_start3A_198 = arith.constant 0 : i32
          %dma_start3A_199 = tpu.memref_slice %arg2[%add3A_197, %dma_start3A_198] : memref<262144x128xf32, #tpu.memory_space<hbm>> -> memref<256x128xf32, #tpu.memory_space<hbm>>
          %dma_start3A_200 = arith.constant 0 : i32
          %dma_start3A_201 = tpu.memref_slice %arg2[%add3A_197, %dma_start3A_200] : memref<262144x128xf32, #tpu.memory_space<hbm>> -> memref<256x128xf32, #tpu.memory_space<hbm>>
          tpu.enqueue_dma source(%dma_start3A_201 : memref<256x128xf32, #tpu.memory_space<hbm>>) target(%arg6 : memref<256x128xf32, #tpu.memory_space<vmem>>) target_semaphore(%arg12 : memref<!tpu.dma_semaphore, #tpu.memory_space<semaphore_mem>>)
        } else {
        }
        %add3A_161 = arith.constant 1 : i32
        %add3A_162 = arith.addi %add3A_96, %add3A_161 : i32
        %mul3A_163 = arith.constant 256 : i32
        %mul3A_164 = arith.muli %add3A_162, %mul3A_163 : i32
        %add3A_165 = arith.addi %mul3A_4, %mul3A_164 : i32
        %dma_wait3A_166 = arith.constant 0 : i32
        %dma_wait3A_167 = tpu.memref_slice %arg5[%add3A_165, %dma_wait3A_166] : memref<262144x128xf32, #tpu.memory_space<hbm>> -> memref<256x128xf32, #tpu.memory_space<hbm>>
        %dma_wait3A_168 = arith.constant 0 : i32
        %dma_wait3A_169 = tpu.memref_slice %arg5[%add3A_165, %dma_wait3A_168] : memref<262144x128xf32, #tpu.memory_space<hbm>> -> memref<256x128xf32, #tpu.memory_space<hbm>>
        tpu.wait_dma2 semaphore(%arg13 : memref<!tpu.dma_semaphore, #tpu.memory_space<semaphore_mem>>) src(%arg7 : memref<256x128xf32, #tpu.memory_space<vmem>>) dst(%dma_wait3A_169 : memref<256x128xf32, #tpu.memory_space<hbm>>)
        %add3A_170 = arith.constant 3 : i32
        %add3A_171 = arith.addi %add3A_162, %add3A_170 : i32
        %lt3A_172 = arith.constant 8 : i32
        %lt3A_173 = arith.cmpi slt, %add3A_171, %lt3A_172 : i32
        %convert_element_type3A_174 = arith.extui %lt3A_173 : i1 to i32
        %cond3A_175 = arith.constant 0 : i32
        %cond3A_176 = arith.cmpi ne, %convert_element_type3A_174, %cond3A_175 : i32
        scf.if %cond3A_176 {
          %add3A_193 = arith.constant 3 : i32
          %add3A_194 = arith.addi %add3A_162, %add3A_193 : i32
          %mul3A_195 = arith.constant 256 : i32
          %mul3A_196 = arith.muli %add3A_194, %mul3A_195 : i32
          %add3A_197 = arith.addi %mul3A_4, %mul3A_196 : i32
          %dma_start3A_198 = arith.constant 0 : i32
          %dma_start3A_199 = tpu.memref_slice %arg2[%add3A_197, %dma_start3A_198] : memref<262144x128xf32, #tpu.memory_space<hbm>> -> memref<256x128xf32, #tpu.memory_space<hbm>>
          %dma_start3A_200 = arith.constant 0 : i32
          %dma_start3A_201 = tpu.memref_slice %arg2[%add3A_197, %dma_start3A_200] : memref<262144x128xf32, #tpu.memory_space<hbm>> -> memref<256x128xf32, #tpu.memory_space<hbm>>
          tpu.enqueue_dma source(%dma_start3A_201 : memref<256x128xf32, #tpu.memory_space<hbm>>) target(%arg7 : memref<256x128xf32, #tpu.memory_space<vmem>>) target_semaphore(%arg12 : memref<!tpu.dma_semaphore, #tpu.memory_space<semaphore_mem>>)
        } else {
        }
        %add3A_177 = arith.constant 2 : i32
        %add3A_178 = arith.addi %add3A_96, %add3A_177 : i32
        %mul3A_179 = arith.constant 256 : i32
        %mul3A_180 = arith.muli %add3A_178, %mul3A_179 : i32
        %add3A_181 = arith.addi %mul3A_4, %mul3A_180 : i32
        %dma_wait3A_182 = arith.constant 0 : i32
        %dma_wait3A_183 = tpu.memref_slice %arg5[%add3A_181, %dma_wait3A_182] : memref<262144x128xf32, #tpu.memory_space<hbm>> -> memref<256x128xf32, #tpu.memory_space<hbm>>
        %dma_wait3A_184 = arith.constant 0 : i32
        %dma_wait3A_185 = tpu.memref_slice %arg5[%add3A_181, %dma_wait3A_184] : memref<262144x128xf32, #tpu.memory_space<hbm>> -> memref<256x128xf32, #tpu.memory_space<hbm>>
        tpu.wait_dma2 semaphore(%arg13 : memref<!tpu.dma_semaphore, #tpu.memory_space<semaphore_mem>>) src(%arg8 : memref<256x128xf32, #tpu.memory_space<vmem>>) dst(%dma_wait3A_185 : memref<256x128xf32, #tpu.memory_space<hbm>>)
        %add3A_186 = arith.constant 3 : i32
        %add3A_187 = arith.addi %add3A_178, %add3A_186 : i32
        %lt3A_188 = arith.constant 8 : i32
        %lt3A_189 = arith.cmpi slt, %add3A_187, %lt3A_188 : i32
        %convert_element_type3A_190 = arith.extui %lt3A_189 : i1 to i32
        %cond3A_191 = arith.constant 0 : i32
        %cond3A_192 = arith.cmpi ne, %convert_element_type3A_190, %cond3A_191 : i32
        scf.if %cond3A_192 {
          %add3A_193 = arith.constant 3 : i32
          %add3A_194 = arith.addi %add3A_178, %add3A_193 : i32
          %mul3A_195 = arith.constant 256 : i32
          %mul3A_196 = arith.muli %add3A_194, %mul3A_195 : i32
          %add3A_197 = arith.addi %mul3A_4, %mul3A_196 : i32
          %dma_start3A_198 = arith.constant 0 : i32
          %dma_start3A_199 = tpu.memref_slice %arg2[%add3A_197, %dma_start3A_198] : memref<262144x128xf32, #tpu.memory_space<hbm>> -> memref<256x128xf32, #tpu.memory_space<hbm>>
          %dma_start3A_200 = arith.constant 0 : i32
          %dma_start3A_201 = tpu.memref_slice %arg2[%add3A_197, %dma_start3A_200] : memref<262144x128xf32, #tpu.memory_space<hbm>> -> memref<256x128xf32, #tpu.memory_space<hbm>>
          tpu.enqueue_dma source(%dma_start3A_201 : memref<256x128xf32, #tpu.memory_space<hbm>>) target(%arg8 : memref<256x128xf32, #tpu.memory_space<vmem>>) target_semaphore(%arg12 : memref<!tpu.dma_semaphore, #tpu.memory_space<semaphore_mem>>)
        } else {
        }
      }
      %scan3A_38 = arith.constant 2 : i32
      %add3A_39 = arith.constant 1536 : i32
      %add3A_40 = arith.addi %mul3A_4, %add3A_39 : i32
      %dma_wait3A = arith.constant 0 : i32
      %dma_wait3A_41 = tpu.memref_slice %arg2[%add3A_40, %dma_wait3A] : memref<262144x128xf32, #tpu.memory_space<hbm>> -> memref<256x128xf32, #tpu.memory_space<hbm>>
      %dma_wait3A_42 = arith.constant 0 : i32
      %dma_wait3A_43 = tpu.memref_slice %arg2[%add3A_40, %dma_wait3A_42] : memref<262144x128xf32, #tpu.memory_space<hbm>> -> memref<256x128xf32, #tpu.memory_space<hbm>>
      tpu.wait_dma2 semaphore(%arg12 : memref<!tpu.dma_semaphore, #tpu.memory_space<semaphore_mem>>) src(%dma_wait3A_43 : memref<256x128xf32, #tpu.memory_space<hbm>>) dst(%arg6 : memref<256x128xf32, #tpu.memory_space<vmem>>)
      %add3A_44 = arith.constant 1536 : i32
      %add3A_45 = arith.addi %mul3A_4, %add3A_44 : i32
      %dma_start3A_46 = arith.constant 0 : i32
      %dma_start3A_47 = tpu.memref_slice %arg5[%add3A_45, %dma_start3A_46] : memref<262144x128xf32, #tpu.memory_space<hbm>> -> memref<256x128xf32, #tpu.memory_space<hbm>>
      %dma_start3A_48 = arith.constant 0 : i32
      %dma_start3A_49 = tpu.memref_slice %arg5[%add3A_45, %dma_start3A_48] : memref<262144x128xf32, #tpu.memory_space<hbm>> -> memref<256x128xf32, #tpu.memory_space<hbm>>
      tpu.enqueue_dma source(%arg6 : memref<256x128xf32, #tpu.memory_space<vmem>>) target(%dma_start3A_49 : memref<256x128xf32, #tpu.memory_space<hbm>>) target_semaphore(%arg13 : memref<!tpu.dma_semaphore, #tpu.memory_space<semaphore_mem>>)
      %add3A_50 = arith.constant 1792 : i32
      %add3A_51 = arith.addi %mul3A_4, %add3A_50 : i32
      %dma_wait3A_52 = arith.constant 0 : i32
      %dma_wait3A_53 = tpu.memref_slice %arg2[%add3A_51, %dma_wait3A_52] : memref<262144x128xf32, #tpu.memory_space<hbm>> -> memref<256x128xf32, #tpu.memory_space<hbm>>
      %dma_wait3A_54 = arith.constant 0 : i32
      %dma_wait3A_55 = tpu.memref_slice %arg2[%add3A_51, %dma_wait3A_54] : memref<262144x128xf32, #tpu.memory_space<hbm>> -> memref<256x128xf32, #tpu.memory_space<hbm>>
      tpu.wait_dma2 semaphore(%arg12 : memref<!tpu.dma_semaphore, #tpu.memory_space<semaphore_mem>>) src(%dma_wait3A_55 : memref<256x128xf32, #tpu.memory_space<hbm>>) dst(%arg7 : memref<256x128xf32, #tpu.memory_space<vmem>>)
      %add3A_56 = arith.constant 1792 : i32
      %add3A_57 = arith.addi %mul3A_4, %add3A_56 : i32
      %dma_start3A_58 = arith.constant 0 : i32
      %dma_start3A_59 = tpu.memref_slice %arg5[%add3A_57, %dma_start3A_58] : memref<262144x128xf32, #tpu.memory_space<hbm>> -> memref<256x128xf32, #tpu.memory_space<hbm>>
      %dma_start3A_60 = arith.constant 0 : i32
      %dma_start3A_61 = tpu.memref_slice %arg5[%add3A_57, %dma_start3A_60] : memref<262144x128xf32, #tpu.memory_space<hbm>> -> memref<256x128xf32, #tpu.memory_space<hbm>>
      tpu.enqueue_dma source(%arg7 : memref<256x128xf32, #tpu.memory_space<vmem>>) target(%dma_start3A_61 : memref<256x128xf32, #tpu.memory_space<hbm>>) target_semaphore(%arg13 : memref<!tpu.dma_semaphore, #tpu.memory_space<semaphore_mem>>)
      %add3A_62 = arith.constant 1536 : i32
      %add3A_63 = arith.addi %mul3A_4, %add3A_62 : i32
      %dma_wait3A_64 = arith.constant 0 : i32
      %dma_wait3A_65 = tpu.memref_slice %arg5[%add3A_63, %dma_wait3A_64] : memref<262144x128xf32, #tpu.memory_space<hbm>> -> memref<256x128xf32, #tpu.memory_space<hbm>>
      %dma_wait3A_66 = arith.constant 0 : i32
      %dma_wait3A_67 = tpu.memref_slice %arg5[%add3A_63, %dma_wait3A_66] : memref<262144x128xf32, #tpu.memory_space<hbm>> -> memref<256x128xf32, #tpu.memory_space<hbm>>
      tpu.wait_dma2 semaphore(%arg13 : memref<!tpu.dma_semaphore, #tpu.memory_space<semaphore_mem>>) src(%arg6 : memref<256x128xf32, #tpu.memory_space<vmem>>) dst(%dma_wait3A_67 : memref<256x128xf32, #tpu.memory_space<hbm>>)
      %add3A_68 = arith.constant 1792 : i32
      %add3A_69 = arith.addi %mul3A_4, %add3A_68 : i32
      %dma_wait3A_70 = arith.constant 0 : i32
      %dma_wait3A_71 = tpu.memref_slice %arg5[%add3A_69, %dma_wait3A_70] : memref<262144x128xf32, #tpu.memory_space<hbm>> -> memref<256x128xf32, #tpu.memory_space<hbm>>
      %dma_wait3A_72 = arith.constant 0 : i32
      %dma_wait3A_73 = tpu.memref_slice %arg5[%add3A_69, %dma_wait3A_72] : memref<262144x128xf32, #tpu.memory_space<hbm>> -> memref<256x128xf32, #tpu.memory_space<hbm>>
      tpu.wait_dma2 semaphore(%arg13 : memref<!tpu.dma_semaphore, #tpu.memory_space<semaphore_mem>>) src(%arg7 : memref<256x128xf32, #tpu.memory_space<vmem>>) dst(%dma_wait3A_73 : memref<256x128xf32, #tpu.memory_space<hbm>>)
      %mul3A_74 = arith.constant 1 : i32
      %mul3A_75 = arith.muli %add3A, %mul3A_74 : i32
      %mul3A_76 = arith.constant 16 : i32
      %mul3A_77 = arith.muli %mul3A_75, %mul3A_76 : i32
      %dma_start3A_78 = arith.constant 0 : i32
      %dma_start3A_79 = tpu.memref_slice %arg4[%mul3A_77, %dma_start3A_78] : memref<2048x128xf32, #tpu.memory_space<hbm>> -> memref<16x128xf32, #tpu.memory_space<hbm>>
      %dma_start3A_80 = arith.constant 0 : i32
      %dma_start3A_81 = tpu.memref_slice %arg4[%mul3A_77, %dma_start3A_80] : memref<2048x128xf32, #tpu.memory_space<hbm>> -> memref<16x128xf32, #tpu.memory_space<hbm>>
      tpu.enqueue_dma source(%dma_start3A_81 : memref<16x128xf32, #tpu.memory_space<hbm>>) target(%arg9 : memref<16x128xf32, #tpu.memory_space<vmem>>) target_semaphore(%arg14 : memref<!tpu.dma_semaphore, #tpu.memory_space<semaphore_mem>>)
      %dma_wait3A_82 = arith.constant 0 : i32
      %dma_wait3A_83 = tpu.memref_slice %arg4[%mul3A_77, %dma_wait3A_82] : memref<2048x128xf32, #tpu.memory_space<hbm>> -> memref<16x128xf32, #tpu.memory_space<hbm>>
      %dma_wait3A_84 = arith.constant 0 : i32
      %dma_wait3A_85 = tpu.memref_slice %arg4[%mul3A_77, %dma_wait3A_84] : memref<2048x128xf32, #tpu.memory_space<hbm>> -> memref<16x128xf32, #tpu.memory_space<hbm>>
      tpu.wait_dma2 semaphore(%arg14 : memref<!tpu.dma_semaphore, #tpu.memory_space<semaphore_mem>>) src(%dma_wait3A_85 : memref<16x128xf32, #tpu.memory_space<hbm>>) dst(%arg9 : memref<16x128xf32, #tpu.memory_space<vmem>>)
      %dma_start3A_86 = arith.constant 0 : i32
      %dma_start3A_87 = arith.constant 0 : i32
      %dma_start3A_88 = tpu.memref_slice %arg5[%dma_start3A_86, %dma_start3A_87] : memref<262144x128xf32, #tpu.memory_space<hbm>> -> memref<262144x128xf32, #tpu.memory_space<hbm>>
      tpu.enqueue_indirect_dma source(%arg9 : memref<16x128xf32, #tpu.memory_space<vmem>>) target(%dma_start3A_88 : memref<262144x128xf32, #tpu.memory_space<hbm>>) offsets(%arg10 : memref<16xi32, #tpu.memory_space<vmem>>) semaphore(%arg14 : memref<!tpu.dma_semaphore, #tpu.memory_space<semaphore_mem>>)
      %dma_wait3A_89 = arith.constant 0 : i32
      %dma_wait3A_90 = arith.constant 0 : i32
      %dma_wait3A_91 = tpu.memref_slice %arg5[%dma_wait3A_89, %dma_wait3A_90] : memref<262144x128xf32, #tpu.memory_space<hbm>> -> memref<262144x128xf32, #tpu.memory_space<hbm>>
      tpu.wait_indirect_dma semaphore(%arg14 : memref<!tpu.dma_semaphore, #tpu.memory_space<semaphore_mem>>) src(%arg9 : memref<16x128xf32, #tpu.memory_space<vmem>>) dst(%dma_wait3A_91 : memref<262144x128xf32, #tpu.memory_space<hbm>>)
    } else {
    }
    return
  }
}

module attributes {stable_mosaic.version = 14 : i64} {
  func.func @_tc_body_tail(%arg0: i32, %arg1: memref<16xi32, #tpu.memory_space<smem>>, %arg2: memref<262144x128xf32, #tpu.memory_space<any>>, %arg3: memref<16384x128xf32, #tpu.memory_space<vmem>>, %arg4: memref<128x128xf32, #tpu.memory_space<vmem>>, %arg5: memref<16384x128xf32, #tpu.memory_space<vmem>>) attributes {dimension_semantics = [#tpu.dimension_semantics<arbitrary>], iteration_bounds = array<i64: 14>, scalar_prefetch = 0 : i64, scratch_operands = 0 : i64, tpu.core_type = #tpu.core_type<tc>, window_params = [{transform_indices = @transform_0, window_bounds = array<i64: 16>}, {}, {transform_indices = @transform_2, window_bounds = array<i64: 16384, 128>}, {transform_indices = @transform_3, window_bounds = array<i64: 128, 128>}, {transform_indices = @transform_4, window_bounds = array<i64: 16384, 128>}]} {
    %get3A = arith.constant 0 : index
    %get3A_0 = arith.constant 0 : index
    %get3A_1 = vector.load %arg3[%get3A, %get3A_0] : memref<16384x128xf32, #tpu.memory_space<vmem>>, vector<16384x128xf32>
    %swap3A = arith.constant 0 : index
    %swap3A_2 = arith.constant 0 : index
    %swap3A_3 = vector.load %arg5[%swap3A, %swap3A_2] : memref<16384x128xf32, #tpu.memory_space<vmem>>, vector<16384x128xf32>
    tpu.vector_store %arg5[%swap3A, %swap3A_2], %get3A_1 {strides = array<i32>} : memref<16384x128xf32, #tpu.memory_space<vmem>>, vector<16384x128xf32>,
    %get3A_4 = arith.constant 0 : index
    %get3A_5 = memref.load %arg1[%get3A_4] : memref<16xi32, #tpu.memory_space<smem>>
    %get3A_6 = arith.constant 0 : index
    %get3A_7 = arith.constant 0 : index
    %get3A_8 = vector.load %arg4[%get3A_6, %get3A_7] : memref<128x128xf32, #tpu.memory_space<vmem>>, vector<1x128xf32>
    %add3A = arith.constant 0 : i32
    %add3A_9 = arith.addi %add3A, %get3A_5 : i32
    %swap3A_10 = arith.index_cast %add3A_9 : i32 to index
    %swap3A_11 = arith.constant 0 : index
    %swap3A_12 = vector.load %arg5[%swap3A_10, %swap3A_11] : memref<16384x128xf32, #tpu.memory_space<vmem>>, vector<1x128xf32>
    tpu.vector_store %arg5[%swap3A_10, %swap3A_11], %get3A_8 {strides = array<i32>} : memref<16384x128xf32, #tpu.memory_space<vmem>>, vector<1x128xf32>,
    %get3A_13 = arith.constant 1 : index
    %get3A_14 = memref.load %arg1[%get3A_13] : memref<16xi32, #tpu.memory_space<smem>>
    %get3A_15 = arith.constant 1 : index
    %get3A_16 = arith.constant 0 : index
    %get3A_17 = vector.load %arg4[%get3A_15, %get3A_16] : memref<128x128xf32, #tpu.memory_space<vmem>>, vector<1x128xf32>
    %add3A_18 = arith.constant 0 : i32
    %add3A_19 = arith.addi %add3A_18, %get3A_14 : i32
    %swap3A_20 = arith.index_cast %add3A_19 : i32 to index
    %swap3A_21 = arith.constant 0 : index
    %swap3A_22 = vector.load %arg5[%swap3A_20, %swap3A_21] : memref<16384x128xf32, #tpu.memory_space<vmem>>, vector<1x128xf32>
    tpu.vector_store %arg5[%swap3A_20, %swap3A_21], %get3A_17 {strides = array<i32>} : memref<16384x128xf32, #tpu.memory_space<vmem>>, vector<1x128xf32>,
    %get3A_23 = arith.constant 2 : index
    %get3A_24 = memref.load %arg1[%get3A_23] : memref<16xi32, #tpu.memory_space<smem>>
    %get3A_25 = arith.constant 2 : index
    %get3A_26 = arith.constant 0 : index
    %get3A_27 = vector.load %arg4[%get3A_25, %get3A_26] : memref<128x128xf32, #tpu.memory_space<vmem>>, vector<1x128xf32>
    %add3A_28 = arith.constant 0 : i32
    %add3A_29 = arith.addi %add3A_28, %get3A_24 : i32
    %swap3A_30 = arith.index_cast %add3A_29 : i32 to index
    %swap3A_31 = arith.constant 0 : index
    %swap3A_32 = vector.load %arg5[%swap3A_30, %swap3A_31] : memref<16384x128xf32, #tpu.memory_space<vmem>>, vector<1x128xf32>
    tpu.vector_store %arg5[%swap3A_30, %swap3A_31], %get3A_27 {strides = array<i32>} : memref<16384x128xf32, #tpu.memory_space<vmem>>, vector<1x128xf32>,
    %get3A_33 = arith.constant 3 : index
    %get3A_34 = memref.load %arg1[%get3A_33] : memref<16xi32, #tpu.memory_space<smem>>
    %get3A_35 = arith.constant 3 : index
    %get3A_36 = arith.constant 0 : index
    %get3A_37 = vector.load %arg4[%get3A_35, %get3A_36] : memref<128x128xf32, #tpu.memory_space<vmem>>, vector<1x128xf32>
    %add3A_38 = arith.constant 0 : i32
    %add3A_39 = arith.addi %add3A_38, %get3A_34 : i32
    %swap3A_40 = arith.index_cast %add3A_39 : i32 to index
    %swap3A_41 = arith.constant 0 : index
    %swap3A_42 = vector.load %arg5[%swap3A_40, %swap3A_41] : memref<16384x128xf32, #tpu.memory_space<vmem>>, vector<1x128xf32>
    tpu.vector_store %arg5[%swap3A_40, %swap3A_41], %get3A_37 {strides = array<i32>} : memref<16384x128xf32, #tpu.memory_space<vmem>>, vector<1x128xf32>,
    %get3A_43 = arith.constant 4 : index
    %get3A_44 = memref.load %arg1[%get3A_43] : memref<16xi32, #tpu.memory_space<smem>>
    %get3A_45 = arith.constant 4 : index
    %get3A_46 = arith.constant 0 : index
    %get3A_47 = vector.load %arg4[%get3A_45, %get3A_46] : memref<128x128xf32, #tpu.memory_space<vmem>>, vector<1x128xf32>
    %add3A_48 = arith.constant 0 : i32
    %add3A_49 = arith.addi %add3A_48, %get3A_44 : i32
    %swap3A_50 = arith.index_cast %add3A_49 : i32 to index
    %swap3A_51 = arith.constant 0 : index
    %swap3A_52 = vector.load %arg5[%swap3A_50, %swap3A_51] : memref<16384x128xf32, #tpu.memory_space<vmem>>, vector<1x128xf32>
    tpu.vector_store %arg5[%swap3A_50, %swap3A_51], %get3A_47 {strides = array<i32>} : memref<16384x128xf32, #tpu.memory_space<vmem>>, vector<1x128xf32>,
    %get3A_53 = arith.constant 5 : index
    %get3A_54 = memref.load %arg1[%get3A_53] : memref<16xi32, #tpu.memory_space<smem>>
    %get3A_55 = arith.constant 5 : index
    %get3A_56 = arith.constant 0 : index
    %get3A_57 = vector.load %arg4[%get3A_55, %get3A_56] : memref<128x128xf32, #tpu.memory_space<vmem>>, vector<1x128xf32>
    %add3A_58 = arith.constant 0 : i32
    %add3A_59 = arith.addi %add3A_58, %get3A_54 : i32
    %swap3A_60 = arith.index_cast %add3A_59 : i32 to index
    %swap3A_61 = arith.constant 0 : index
    %swap3A_62 = vector.load %arg5[%swap3A_60, %swap3A_61] : memref<16384x128xf32, #tpu.memory_space<vmem>>, vector<1x128xf32>
    tpu.vector_store %arg5[%swap3A_60, %swap3A_61], %get3A_57 {strides = array<i32>} : memref<16384x128xf32, #tpu.memory_space<vmem>>, vector<1x128xf32>,
    %get3A_63 = arith.constant 6 : index
    %get3A_64 = memref.load %arg1[%get3A_63] : memref<16xi32, #tpu.memory_space<smem>>
    %get3A_65 = arith.constant 6 : index
    %get3A_66 = arith.constant 0 : index
    %get3A_67 = vector.load %arg4[%get3A_65, %get3A_66] : memref<128x128xf32, #tpu.memory_space<vmem>>, vector<1x128xf32>
    %add3A_68 = arith.constant 0 : i32
    %add3A_69 = arith.addi %add3A_68, %get3A_64 : i32
    %swap3A_70 = arith.index_cast %add3A_69 : i32 to index
    %swap3A_71 = arith.constant 0 : index
    %swap3A_72 = vector.load %arg5[%swap3A_70, %swap3A_71] : memref<16384x128xf32, #tpu.memory_space<vmem>>, vector<1x128xf32>
    tpu.vector_store %arg5[%swap3A_70, %swap3A_71], %get3A_67 {strides = array<i32>} : memref<16384x128xf32, #tpu.memory_space<vmem>>, vector<1x128xf32>,
    %get3A_73 = arith.constant 7 : index
    %get3A_74 = memref.load %arg1[%get3A_73] : memref<16xi32, #tpu.memory_space<smem>>
    %get3A_75 = arith.constant 7 : index
    %get3A_76 = arith.constant 0 : index
    %get3A_77 = vector.load %arg4[%get3A_75, %get3A_76] : memref<128x128xf32, #tpu.memory_space<vmem>>, vector<1x128xf32>
    %add3A_78 = arith.constant 0 : i32
    %add3A_79 = arith.addi %add3A_78, %get3A_74 : i32
    %swap3A_80 = arith.index_cast %add3A_79 : i32 to index
    %swap3A_81 = arith.constant 0 : index
    %swap3A_82 = vector.load %arg5[%swap3A_80, %swap3A_81] : memref<16384x128xf32, #tpu.memory_space<vmem>>, vector<1x128xf32>
    tpu.vector_store %arg5[%swap3A_80, %swap3A_81], %get3A_77 {strides = array<i32>} : memref<16384x128xf32, #tpu.memory_space<vmem>>, vector<1x128xf32>,
    %get3A_83 = arith.constant 8 : index
    %get3A_84 = memref.load %arg1[%get3A_83] : memref<16xi32, #tpu.memory_space<smem>>
    %get3A_85 = arith.constant 8 : index
    %get3A_86 = arith.constant 0 : index
    %get3A_87 = vector.load %arg4[%get3A_85, %get3A_86] : memref<128x128xf32, #tpu.memory_space<vmem>>, vector<1x128xf32>
    %add3A_88 = arith.constant 0 : i32
    %add3A_89 = arith.addi %add3A_88, %get3A_84 : i32
    %swap3A_90 = arith.index_cast %add3A_89 : i32 to index
    %swap3A_91 = arith.constant 0 : index
    %swap3A_92 = vector.load %arg5[%swap3A_90, %swap3A_91] : memref<16384x128xf32, #tpu.memory_space<vmem>>, vector<1x128xf32>
    tpu.vector_store %arg5[%swap3A_90, %swap3A_91], %get3A_87 {strides = array<i32>} : memref<16384x128xf32, #tpu.memory_space<vmem>>, vector<1x128xf32>,
    %get3A_93 = arith.constant 9 : index
    %get3A_94 = memref.load %arg1[%get3A_93] : memref<16xi32, #tpu.memory_space<smem>>
    %get3A_95 = arith.constant 9 : index
    %get3A_96 = arith.constant 0 : index
    %get3A_97 = vector.load %arg4[%get3A_95, %get3A_96] : memref<128x128xf32, #tpu.memory_space<vmem>>, vector<1x128xf32>
    %add3A_98 = arith.constant 0 : i32
    %add3A_99 = arith.addi %add3A_98, %get3A_94 : i32
    %swap3A_100 = arith.index_cast %add3A_99 : i32 to index
    %swap3A_101 = arith.constant 0 : index
    %swap3A_102 = vector.load %arg5[%swap3A_100, %swap3A_101] : memref<16384x128xf32, #tpu.memory_space<vmem>>, vector<1x128xf32>
    tpu.vector_store %arg5[%swap3A_100, %swap3A_101], %get3A_97 {strides = array<i32>} : memref<16384x128xf32, #tpu.memory_space<vmem>>, vector<1x128xf32>,
    %get3A_103 = arith.constant 10 : index
    %get3A_104 = memref.load %arg1[%get3A_103] : memref<16xi32, #tpu.memory_space<smem>>
    %get3A_105 = arith.constant 10 : index
    %get3A_106 = arith.constant 0 : index
    %get3A_107 = vector.load %arg4[%get3A_105, %get3A_106] : memref<128x128xf32, #tpu.memory_space<vmem>>, vector<1x128xf32>
    %add3A_108 = arith.constant 0 : i32
    %add3A_109 = arith.addi %add3A_108, %get3A_104 : i32
    %swap3A_110 = arith.index_cast %add3A_109 : i32 to index
    %swap3A_111 = arith.constant 0 : index
    %swap3A_112 = vector.load %arg5[%swap3A_110, %swap3A_111] : memref<16384x128xf32, #tpu.memory_space<vmem>>, vector<1x128xf32>
    tpu.vector_store %arg5[%swap3A_110, %swap3A_111], %get3A_107 {strides = array<i32>} : memref<16384x128xf32, #tpu.memory_space<vmem>>, vector<1x128xf32>,
    %get3A_113 = arith.constant 11 : index
    %get3A_114 = memref.load %arg1[%get3A_113] : memref<16xi32, #tpu.memory_space<smem>>
    %get3A_115 = arith.constant 11 : index
    %get3A_116 = arith.constant 0 : index
    %get3A_117 = vector.load %arg4[%get3A_115, %get3A_116] : memref<128x128xf32, #tpu.memory_space<vmem>>, vector<1x128xf32>
    %add3A_118 = arith.constant 0 : i32
    %add3A_119 = arith.addi %add3A_118, %get3A_114 : i32
    %swap3A_120 = arith.index_cast %add3A_119 : i32 to index
    %swap3A_121 = arith.constant 0 : index
    %swap3A_122 = vector.load %arg5[%swap3A_120, %swap3A_121] : memref<16384x128xf32, #tpu.memory_space<vmem>>, vector<1x128xf32>
    tpu.vector_store %arg5[%swap3A_120, %swap3A_121], %get3A_117 {strides = array<i32>} : memref<16384x128xf32, #tpu.memory_space<vmem>>, vector<1x128xf32>,
    %get3A_123 = arith.constant 12 : index
    %get3A_124 = memref.load %arg1[%get3A_123] : memref<16xi32, #tpu.memory_space<smem>>
    %get3A_125 = arith.constant 12 : index
    %get3A_126 = arith.constant 0 : index
    %get3A_127 = vector.load %arg4[%get3A_125, %get3A_126] : memref<128x128xf32, #tpu.memory_space<vmem>>, vector<1x128xf32>
    %add3A_128 = arith.constant 0 : i32
    %add3A_129 = arith.addi %add3A_128, %get3A_124 : i32
    %swap3A_130 = arith.index_cast %add3A_129 : i32 to index
    %swap3A_131 = arith.constant 0 : index
    %swap3A_132 = vector.load %arg5[%swap3A_130, %swap3A_131] : memref<16384x128xf32, #tpu.memory_space<vmem>>, vector<1x128xf32>
    tpu.vector_store %arg5[%swap3A_130, %swap3A_131], %get3A_127 {strides = array<i32>} : memref<16384x128xf32, #tpu.memory_space<vmem>>, vector<1x128xf32>,
    %get3A_133 = arith.constant 13 : index
    %get3A_134 = memref.load %arg1[%get3A_133] : memref<16xi32, #tpu.memory_space<smem>>
    %get3A_135 = arith.constant 13 : index
    %get3A_136 = arith.constant 0 : index
    %get3A_137 = vector.load %arg4[%get3A_135, %get3A_136] : memref<128x128xf32, #tpu.memory_space<vmem>>, vector<1x128xf32>
    %add3A_138 = arith.constant 0 : i32
    %add3A_139 = arith.addi %add3A_138, %get3A_134 : i32
    %swap3A_140 = arith.index_cast %add3A_139 : i32 to index
    %swap3A_141 = arith.constant 0 : index
    %swap3A_142 = vector.load %arg5[%swap3A_140, %swap3A_141] : memref<16384x128xf32, #tpu.memory_space<vmem>>, vector<1x128xf32>
    tpu.vector_store %arg5[%swap3A_140, %swap3A_141], %get3A_137 {strides = array<i32>} : memref<16384x128xf32, #tpu.memory_space<vmem>>, vector<1x128xf32>,
    %get3A_143 = arith.constant 14 : index
    %get3A_144 = memref.load %arg1[%get3A_143] : memref<16xi32, #tpu.memory_space<smem>>
    %get3A_145 = arith.constant 14 : index
    %get3A_146 = arith.constant 0 : index
    %get3A_147 = vector.load %arg4[%get3A_145, %get3A_146] : memref<128x128xf32, #tpu.memory_space<vmem>>, vector<1x128xf32>
    %add3A_148 = arith.constant 0 : i32
    %add3A_149 = arith.addi %add3A_148, %get3A_144 : i32
    %swap3A_150 = arith.index_cast %add3A_149 : i32 to index
    %swap3A_151 = arith.constant 0 : index
    %swap3A_152 = vector.load %arg5[%swap3A_150, %swap3A_151] : memref<16384x128xf32, #tpu.memory_space<vmem>>, vector<1x128xf32>
    tpu.vector_store %arg5[%swap3A_150, %swap3A_151], %get3A_147 {strides = array<i32>} : memref<16384x128xf32, #tpu.memory_space<vmem>>, vector<1x128xf32>,
    %get3A_153 = arith.constant 15 : index
    %get3A_154 = memref.load %arg1[%get3A_153] : memref<16xi32, #tpu.memory_space<smem>>
    %get3A_155 = arith.constant 15 : index
    %get3A_156 = arith.constant 0 : index
    %get3A_157 = vector.load %arg4[%get3A_155, %get3A_156] : memref<128x128xf32, #tpu.memory_space<vmem>>, vector<1x128xf32>
    %add3A_158 = arith.constant 0 : i32
    %add3A_159 = arith.addi %add3A_158, %get3A_154 : i32
    %swap3A_160 = arith.index_cast %add3A_159 : i32 to index
    %swap3A_161 = arith.constant 0 : index
    %swap3A_162 = vector.load %arg5[%swap3A_160, %swap3A_161] : memref<16384x128xf32, #tpu.memory_space<vmem>>, vector<1x128xf32>
    tpu.vector_store %arg5[%swap3A_160, %swap3A_161], %get3A_157 {strides = array<i32>} : memref<16384x128xf32, #tpu.memory_space<vmem>>, vector<1x128xf32>,
    %get3A_163 = arith.constant 0 : index
    %get3A_164 = memref.load %arg1[%get3A_163] : memref<16xi32, #tpu.memory_space<smem>>
    %get3A_165 = arith.constant 16 : index
    %get3A_166 = arith.constant 0 : index
    %get3A_167 = vector.load %arg4[%get3A_165, %get3A_166] : memref<128x128xf32, #tpu.memory_space<vmem>>, vector<1x128xf32>
    %add3A_168 = arith.constant 2048 : i32
    %add3A_169 = arith.addi %add3A_168, %get3A_164 : i32
    %swap3A_170 = arith.index_cast %add3A_169 : i32 to index
    %swap3A_171 = arith.constant 0 : index
    %swap3A_172 = vector.load %arg5[%swap3A_170, %swap3A_171] : memref<16384x128xf32, #tpu.memory_space<vmem>>, vector<1x128xf32>
    tpu.vector_store %arg5[%swap3A_170, %swap3A_171], %get3A_167 {strides = array<i32>} : memref<16384x128xf32, #tpu.memory_space<vmem>>, vector<1x128xf32>,
    %get3A_173 = arith.constant 1 : index
    %get3A_174 = memref.load %arg1[%get3A_173] : memref<16xi32, #tpu.memory_space<smem>>
    %get3A_175 = arith.constant 17 : index
    %get3A_176 = arith.constant 0 : index
    %get3A_177 = vector.load %arg4[%get3A_175, %get3A_176] : memref<128x128xf32, #tpu.memory_space<vmem>>, vector<1x128xf32>
    %add3A_178 = arith.constant 2048 : i32
    %add3A_179 = arith.addi %add3A_178, %get3A_174 : i32
    %swap3A_180 = arith.index_cast %add3A_179 : i32 to index
    %swap3A_181 = arith.constant 0 : index
    %swap3A_182 = vector.load %arg5[%swap3A_180, %swap3A_181] : memref<16384x128xf32, #tpu.memory_space<vmem>>, vector<1x128xf32>
    tpu.vector_store %arg5[%swap3A_180, %swap3A_181], %get3A_177 {strides = array<i32>} : memref<16384x128xf32, #tpu.memory_space<vmem>>, vector<1x128xf32>,
    %get3A_183 = arith.constant 2 : index
    %get3A_184 = memref.load %arg1[%get3A_183] : memref<16xi32, #tpu.memory_space<smem>>
    %get3A_185 = arith.constant 18 : index
    %get3A_186 = arith.constant 0 : index
    %get3A_187 = vector.load %arg4[%get3A_185, %get3A_186] : memref<128x128xf32, #tpu.memory_space<vmem>>, vector<1x128xf32>
    %add3A_188 = arith.constant 2048 : i32
    %add3A_189 = arith.addi %add3A_188, %get3A_184 : i32
    %swap3A_190 = arith.index_cast %add3A_189 : i32 to index
    %swap3A_191 = arith.constant 0 : index
    %swap3A_192 = vector.load %arg5[%swap3A_190, %swap3A_191] : memref<16384x128xf32, #tpu.memory_space<vmem>>, vector<1x128xf32>
    tpu.vector_store %arg5[%swap3A_190, %swap3A_191], %get3A_187 {strides = array<i32>} : memref<16384x128xf32, #tpu.memory_space<vmem>>, vector<1x128xf32>,
    %get3A_193 = arith.constant 3 : index
    %get3A_194 = memref.load %arg1[%get3A_193] : memref<16xi32, #tpu.memory_space<smem>>
    %get3A_195 = arith.constant 19 : index
    %get3A_196 = arith.constant 0 : index
    %get3A_197 = vector.load %arg4[%get3A_195, %get3A_196] : memref<128x128xf32, #tpu.memory_space<vmem>>, vector<1x128xf32>
    %add3A_198 = arith.constant 2048 : i32
    %add3A_199 = arith.addi %add3A_198, %get3A_194 : i32
    %swap3A_200 = arith.index_cast %add3A_199 : i32 to index
    %swap3A_201 = arith.constant 0 : index
    %swap3A_202 = vector.load %arg5[%swap3A_200, %swap3A_201] : memref<16384x128xf32, #tpu.memory_space<vmem>>, vector<1x128xf32>
    tpu.vector_store %arg5[%swap3A_200, %swap3A_201], %get3A_197 {strides = array<i32>} : memref<16384x128xf32, #tpu.memory_space<vmem>>, vector<1x128xf32>,
    %get3A_203 = arith.constant 4 : index
    %get3A_204 = memref.load %arg1[%get3A_203] : memref<16xi32, #tpu.memory_space<smem>>
    %get3A_205 = arith.constant 20 : index
    %get3A_206 = arith.constant 0 : index
    %get3A_207 = vector.load %arg4[%get3A_205, %get3A_206] : memref<128x128xf32, #tpu.memory_space<vmem>>, vector<1x128xf32>
    %add3A_208 = arith.constant 2048 : i32
    %add3A_209 = arith.addi %add3A_208, %get3A_204 : i32
    %swap3A_210 = arith.index_cast %add3A_209 : i32 to index
    %swap3A_211 = arith.constant 0 : index
    %swap3A_212 = vector.load %arg5[%swap3A_210, %swap3A_211] : memref<16384x128xf32, #tpu.memory_space<vmem>>, vector<1x128xf32>
    tpu.vector_store %arg5[%swap3A_210, %swap3A_211], %get3A_207 {strides = array<i32>} : memref<16384x128xf32, #tpu.memory_space<vmem>>, vector<1x128xf32>,
    %get3A_213 = arith.constant 5 : index
    %get3A_214 = memref.load %arg1[%get3A_213] : memref<16xi32, #tpu.memory_space<smem>>
    %get3A_215 = arith.constant 21 : index
    %get3A_216 = arith.constant 0 : index
    %get3A_217 = vector.load %arg4[%get3A_215, %get3A_216] : memref<128x128xf32, #tpu.memory_space<vmem>>, vector<1x128xf32>
    %add3A_218 = arith.constant 2048 : i32
    %add3A_219 = arith.addi %add3A_218, %get3A_214 : i32
    %swap3A_220 = arith.index_cast %add3A_219 : i32 to index
    %swap3A_221 = arith.constant 0 : index
    %swap3A_222 = vector.load %arg5[%swap3A_220, %swap3A_221] : memref<16384x128xf32, #tpu.memory_space<vmem>>, vector<1x128xf32>
    tpu.vector_store %arg5[%swap3A_220, %swap3A_221], %get3A_217 {strides = array<i32>} : memref<16384x128xf32, #tpu.memory_space<vmem>>, vector<1x128xf32>,
    %get3A_223 = arith.constant 6 : index
    %get3A_224 = memref.load %arg1[%get3A_223] : memref<16xi32, #tpu.memory_space<smem>>
    %get3A_225 = arith.constant 22 : index
    %get3A_226 = arith.constant 0 : index
    %get3A_227 = vector.load %arg4[%get3A_225, %get3A_226] : memref<128x128xf32, #tpu.memory_space<vmem>>, vector<1x128xf32>
    %add3A_228 = arith.constant 2048 : i32
    %add3A_229 = arith.addi %add3A_228, %get3A_224 : i32
    %swap3A_230 = arith.index_cast %add3A_229 : i32 to index
    %swap3A_231 = arith.constant 0 : index
    %swap3A_232 = vector.load %arg5[%swap3A_230, %swap3A_231] : memref<16384x128xf32, #tpu.memory_space<vmem>>, vector<1x128xf32>
    tpu.vector_store %arg5[%swap3A_230, %swap3A_231], %get3A_227 {strides = array<i32>} : memref<16384x128xf32, #tpu.memory_space<vmem>>, vector<1x128xf32>,
    %get3A_233 = arith.constant 7 : index
    %get3A_234 = memref.load %arg1[%get3A_233] : memref<16xi32, #tpu.memory_space<smem>>
    %get3A_235 = arith.constant 23 : index
    %get3A_236 = arith.constant 0 : index
    %get3A_237 = vector.load %arg4[%get3A_235, %get3A_236] : memref<128x128xf32, #tpu.memory_space<vmem>>, vector<1x128xf32>
    %add3A_238 = arith.constant 2048 : i32
    %add3A_239 = arith.addi %add3A_238, %get3A_234 : i32
    %swap3A_240 = arith.index_cast %add3A_239 : i32 to index
    %swap3A_241 = arith.constant 0 : index
    %swap3A_242 = vector.load %arg5[%swap3A_240, %swap3A_241] : memref<16384x128xf32, #tpu.memory_space<vmem>>, vector<1x128xf32>
    tpu.vector_store %arg5[%swap3A_240, %swap3A_241], %get3A_237 {strides = array<i32>} : memref<16384x128xf32, #tpu.memory_space<vmem>>, vector<1x128xf32>,
    %get3A_243 = arith.constant 8 : index
    %get3A_244 = memref.load %arg1[%get3A_243] : memref<16xi32, #tpu.memory_space<smem>>
    %get3A_245 = arith.constant 24 : index
    %get3A_246 = arith.constant 0 : index
    %get3A_247 = vector.load %arg4[%get3A_245, %get3A_246] : memref<128x128xf32, #tpu.memory_space<vmem>>, vector<1x128xf32>
    %add3A_248 = arith.constant 2048 : i32
    %add3A_249 = arith.addi %add3A_248, %get3A_244 : i32
    %swap3A_250 = arith.index_cast %add3A_249 : i32 to index
    %swap3A_251 = arith.constant 0 : index
    %swap3A_252 = vector.load %arg5[%swap3A_250, %swap3A_251] : memref<16384x128xf32, #tpu.memory_space<vmem>>, vector<1x128xf32>
    tpu.vector_store %arg5[%swap3A_250, %swap3A_251], %get3A_247 {strides = array<i32>} : memref<16384x128xf32, #tpu.memory_space<vmem>>, vector<1x128xf32>,
    %get3A_253 = arith.constant 9 : index
    %get3A_254 = memref.load %arg1[%get3A_253] : memref<16xi32, #tpu.memory_space<smem>>
    %get3A_255 = arith.constant 25 : index
    %get3A_256 = arith.constant 0 : index
    %get3A_257 = vector.load %arg4[%get3A_255, %get3A_256] : memref<128x128xf32, #tpu.memory_space<vmem>>, vector<1x128xf32>
    %add3A_258 = arith.constant 2048 : i32
    %add3A_259 = arith.addi %add3A_258, %get3A_254 : i32
    %swap3A_260 = arith.index_cast %add3A_259 : i32 to index
    %swap3A_261 = arith.constant 0 : index
    %swap3A_262 = vector.load %arg5[%swap3A_260, %swap3A_261] : memref<16384x128xf32, #tpu.memory_space<vmem>>, vector<1x128xf32>
    tpu.vector_store %arg5[%swap3A_260, %swap3A_261], %get3A_257 {strides = array<i32>} : memref<16384x128xf32, #tpu.memory_space<vmem>>, vector<1x128xf32>,
    %get3A_263 = arith.constant 10 : index
    %get3A_264 = memref.load %arg1[%get3A_263] : memref<16xi32, #tpu.memory_space<smem>>
    %get3A_265 = arith.constant 26 : index
    %get3A_266 = arith.constant 0 : index
    %get3A_267 = vector.load %arg4[%get3A_265, %get3A_266] : memref<128x128xf32, #tpu.memory_space<vmem>>, vector<1x128xf32>
    %add3A_268 = arith.constant 2048 : i32
    %add3A_269 = arith.addi %add3A_268, %get3A_264 : i32
    %swap3A_270 = arith.index_cast %add3A_269 : i32 to index
    %swap3A_271 = arith.constant 0 : index
    %swap3A_272 = vector.load %arg5[%swap3A_270, %swap3A_271] : memref<16384x128xf32, #tpu.memory_space<vmem>>, vector<1x128xf32>
    tpu.vector_store %arg5[%swap3A_270, %swap3A_271], %get3A_267 {strides = array<i32>} : memref<16384x128xf32, #tpu.memory_space<vmem>>, vector<1x128xf32>,
    %get3A_273 = arith.constant 11 : index
    %get3A_274 = memref.load %arg1[%get3A_273] : memref<16xi32, #tpu.memory_space<smem>>
    %get3A_275 = arith.constant 27 : index
    %get3A_276 = arith.constant 0 : index
    %get3A_277 = vector.load %arg4[%get3A_275, %get3A_276] : memref<128x128xf32, #tpu.memory_space<vmem>>, vector<1x128xf32>
    %add3A_278 = arith.constant 2048 : i32
    %add3A_279 = arith.addi %add3A_278, %get3A_274 : i32
    %swap3A_280 = arith.index_cast %add3A_279 : i32 to index
    %swap3A_281 = arith.constant 0 : index
    %swap3A_282 = vector.load %arg5[%swap3A_280, %swap3A_281] : memref<16384x128xf32, #tpu.memory_space<vmem>>, vector<1x128xf32>
    tpu.vector_store %arg5[%swap3A_280, %swap3A_281], %get3A_277 {strides = array<i32>} : memref<16384x128xf32, #tpu.memory_space<vmem>>, vector<1x128xf32>,
    %get3A_283 = arith.constant 12 : index
    %get3A_284 = memref.load %arg1[%get3A_283] : memref<16xi32, #tpu.memory_space<smem>>
    %get3A_285 = arith.constant 28 : index
    %get3A_286 = arith.constant 0 : index
    %get3A_287 = vector.load %arg4[%get3A_285, %get3A_286] : memref<128x128xf32, #tpu.memory_space<vmem>>, vector<1x128xf32>
    %add3A_288 = arith.constant 2048 : i32
    %add3A_289 = arith.addi %add3A_288, %get3A_284 : i32
    %swap3A_290 = arith.index_cast %add3A_289 : i32 to index
    %swap3A_291 = arith.constant 0 : index
    %swap3A_292 = vector.load %arg5[%swap3A_290, %swap3A_291] : memref<16384x128xf32, #tpu.memory_space<vmem>>, vector<1x128xf32>
    tpu.vector_store %arg5[%swap3A_290, %swap3A_291], %get3A_287 {strides = array<i32>} : memref<16384x128xf32, #tpu.memory_space<vmem>>, vector<1x128xf32>,
    %get3A_293 = arith.constant 13 : index
    %get3A_294 = memref.load %arg1[%get3A_293] : memref<16xi32, #tpu.memory_space<smem>>
    %get3A_295 = arith.constant 29 : index
    %get3A_296 = arith.constant 0 : index
    %get3A_297 = vector.load %arg4[%get3A_295, %get3A_296] : memref<128x128xf32, #tpu.memory_space<vmem>>, vector<1x128xf32>
    %add3A_298 = arith.constant 2048 : i32
    %add3A_299 = arith.addi %add3A_298, %get3A_294 : i32
    %swap3A_300 = arith.index_cast %add3A_299 : i32 to index
    %swap3A_301 = arith.constant 0 : index
    %swap3A_302 = vector.load %arg5[%swap3A_300, %swap3A_301] : memref<16384x128xf32, #tpu.memory_space<vmem>>, vector<1x128xf32>
    tpu.vector_store %arg5[%swap3A_300, %swap3A_301], %get3A_297 {strides = array<i32>} : memref<16384x128xf32, #tpu.memory_space<vmem>>, vector<1x128xf32>,
    %get3A_303 = arith.constant 14 : index
    %get3A_304 = memref.load %arg1[%get3A_303] : memref<16xi32, #tpu.memory_space<smem>>
    %get3A_305 = arith.constant 30 : index
    %get3A_306 = arith.constant 0 : index
    %get3A_307 = vector.load %arg4[%get3A_305, %get3A_306] : memref<128x128xf32, #tpu.memory_space<vmem>>, vector<1x128xf32>
    %add3A_308 = arith.constant 2048 : i32
    %add3A_309 = arith.addi %add3A_308, %get3A_304 : i32
    %swap3A_310 = arith.index_cast %add3A_309 : i32 to index
    %swap3A_311 = arith.constant 0 : index
    %swap3A_312 = vector.load %arg5[%swap3A_310, %swap3A_311] : memref<16384x128xf32, #tpu.memory_space<vmem>>, vector<1x128xf32>
    tpu.vector_store %arg5[%swap3A_310, %swap3A_311], %get3A_307 {strides = array<i32>} : memref<16384x128xf32, #tpu.memory_space<vmem>>, vector<1x128xf32>,
    %get3A_313 = arith.constant 15 : index
    %get3A_314 = memref.load %arg1[%get3A_313] : memref<16xi32, #tpu.memory_space<smem>>
    %get3A_315 = arith.constant 31 : index
    %get3A_316 = arith.constant 0 : index
    %get3A_317 = vector.load %arg4[%get3A_315, %get3A_316] : memref<128x128xf32, #tpu.memory_space<vmem>>, vector<1x128xf32>
    %add3A_318 = arith.constant 2048 : i32
    %add3A_319 = arith.addi %add3A_318, %get3A_314 : i32
    %swap3A_320 = arith.index_cast %add3A_319 : i32 to index
    %swap3A_321 = arith.constant 0 : index
    %swap3A_322 = vector.load %arg5[%swap3A_320, %swap3A_321] : memref<16384x128xf32, #tpu.memory_space<vmem>>, vector<1x128xf32>
    tpu.vector_store %arg5[%swap3A_320, %swap3A_321], %get3A_317 {strides = array<i32>} : memref<16384x128xf32, #tpu.memory_space<vmem>>, vector<1x128xf32>,
    %get3A_323 = arith.constant 0 : index
    %get3A_324 = memref.load %arg1[%get3A_323] : memref<16xi32, #tpu.memory_space<smem>>
    %get3A_325 = arith.constant 32 : index
    %get3A_326 = arith.constant 0 : index
    %get3A_327 = vector.load %arg4[%get3A_325, %get3A_326] : memref<128x128xf32, #tpu.memory_space<vmem>>, vector<1x128xf32>
    %add3A_328 = arith.constant 4096 : i32
    %add3A_329 = arith.addi %add3A_328, %get3A_324 : i32
    %swap3A_330 = arith.index_cast %add3A_329 : i32 to index
    %swap3A_331 = arith.constant 0 : index
    %swap3A_332 = vector.load %arg5[%swap3A_330, %swap3A_331] : memref<16384x128xf32, #tpu.memory_space<vmem>>, vector<1x128xf32>
    tpu.vector_store %arg5[%swap3A_330, %swap3A_331], %get3A_327 {strides = array<i32>} : memref<16384x128xf32, #tpu.memory_space<vmem>>, vector<1x128xf32>,
    %get3A_333 = arith.constant 1 : index
    %get3A_334 = memref.load %arg1[%get3A_333] : memref<16xi32, #tpu.memory_space<smem>>
    %get3A_335 = arith.constant 33 : index
    %get3A_336 = arith.constant 0 : index
    %get3A_337 = vector.load %arg4[%get3A_335, %get3A_336] : memref<128x128xf32, #tpu.memory_space<vmem>>, vector<1x128xf32>
    %add3A_338 = arith.constant 4096 : i32
    %add3A_339 = arith.addi %add3A_338, %get3A_334 : i32
    %swap3A_340 = arith.index_cast %add3A_339 : i32 to index
    %swap3A_341 = arith.constant 0 : index
    %swap3A_342 = vector.load %arg5[%swap3A_340, %swap3A_341] : memref<16384x128xf32, #tpu.memory_space<vmem>>, vector<1x128xf32>
    tpu.vector_store %arg5[%swap3A_340, %swap3A_341], %get3A_337 {strides = array<i32>} : memref<16384x128xf32, #tpu.memory_space<vmem>>, vector<1x128xf32>,
    %get3A_343 = arith.constant 2 : index
    %get3A_344 = memref.load %arg1[%get3A_343] : memref<16xi32, #tpu.memory_space<smem>>
    %get3A_345 = arith.constant 34 : index
    %get3A_346 = arith.constant 0 : index
    %get3A_347 = vector.load %arg4[%get3A_345, %get3A_346] : memref<128x128xf32, #tpu.memory_space<vmem>>, vector<1x128xf32>
    %add3A_348 = arith.constant 4096 : i32
    %add3A_349 = arith.addi %add3A_348, %get3A_344 : i32
    %swap3A_350 = arith.index_cast %add3A_349 : i32 to index
    %swap3A_351 = arith.constant 0 : index
    %swap3A_352 = vector.load %arg5[%swap3A_350, %swap3A_351] : memref<16384x128xf32, #tpu.memory_space<vmem>>, vector<1x128xf32>
    tpu.vector_store %arg5[%swap3A_350, %swap3A_351], %get3A_347 {strides = array<i32>} : memref<16384x128xf32, #tpu.memory_space<vmem>>, vector<1x128xf32>,
    %get3A_353 = arith.constant 3 : index
    %get3A_354 = memref.load %arg1[%get3A_353] : memref<16xi32, #tpu.memory_space<smem>>
    %get3A_355 = arith.constant 35 : index
    %get3A_356 = arith.constant 0 : index
    %get3A_357 = vector.load %arg4[%get3A_355, %get3A_356] : memref<128x128xf32, #tpu.memory_space<vmem>>, vector<1x128xf32>
    %add3A_358 = arith.constant 4096 : i32
    %add3A_359 = arith.addi %add3A_358, %get3A_354 : i32
    %swap3A_360 = arith.index_cast %add3A_359 : i32 to index
    %swap3A_361 = arith.constant 0 : index
    %swap3A_362 = vector.load %arg5[%swap3A_360, %swap3A_361] : memref<16384x128xf32, #tpu.memory_space<vmem>>, vector<1x128xf32>
    tpu.vector_store %arg5[%swap3A_360, %swap3A_361], %get3A_357 {strides = array<i32>} : memref<16384x128xf32, #tpu.memory_space<vmem>>, vector<1x128xf32>,
    %get3A_363 = arith.constant 4 : index
    %get3A_364 = memref.load %arg1[%get3A_363] : memref<16xi32, #tpu.memory_space<smem>>
    %get3A_365 = arith.constant 36 : index
    %get3A_366 = arith.constant 0 : index
    %get3A_367 = vector.load %arg4[%get3A_365, %get3A_366] : memref<128x128xf32, #tpu.memory_space<vmem>>, vector<1x128xf32>
    %add3A_368 = arith.constant 4096 : i32
    %add3A_369 = arith.addi %add3A_368, %get3A_364 : i32
    %swap3A_370 = arith.index_cast %add3A_369 : i32 to index
    %swap3A_371 = arith.constant 0 : index
    %swap3A_372 = vector.load %arg5[%swap3A_370, %swap3A_371] : memref<16384x128xf32, #tpu.memory_space<vmem>>, vector<1x128xf32>
    tpu.vector_store %arg5[%swap3A_370, %swap3A_371], %get3A_367 {strides = array<i32>} : memref<16384x128xf32, #tpu.memory_space<vmem>>, vector<1x128xf32>,
    %get3A_373 = arith.constant 5 : index
    %get3A_374 = memref.load %arg1[%get3A_373] : memref<16xi32, #tpu.memory_space<smem>>
    %get3A_375 = arith.constant 37 : index
    %get3A_376 = arith.constant 0 : index
    %get3A_377 = vector.load %arg4[%get3A_375, %get3A_376] : memref<128x128xf32, #tpu.memory_space<vmem>>, vector<1x128xf32>
    %add3A_378 = arith.constant 4096 : i32
    %add3A_379 = arith.addi %add3A_378, %get3A_374 : i32
    %swap3A_380 = arith.index_cast %add3A_379 : i32 to index
    %swap3A_381 = arith.constant 0 : index
    %swap3A_382 = vector.load %arg5[%swap3A_380, %swap3A_381] : memref<16384x128xf32, #tpu.memory_space<vmem>>, vector<1x128xf32>
    tpu.vector_store %arg5[%swap3A_380, %swap3A_381], %get3A_377 {strides = array<i32>} : memref<16384x128xf32, #tpu.memory_space<vmem>>, vector<1x128xf32>,
    %get3A_383 = arith.constant 6 : index
    %get3A_384 = memref.load %arg1[%get3A_383] : memref<16xi32, #tpu.memory_space<smem>>
    %get3A_385 = arith.constant 38 : index
    %get3A_386 = arith.constant 0 : index
    %get3A_387 = vector.load %arg4[%get3A_385, %get3A_386] : memref<128x128xf32, #tpu.memory_space<vmem>>, vector<1x128xf32>
    %add3A_388 = arith.constant 4096 : i32
    %add3A_389 = arith.addi %add3A_388, %get3A_384 : i32
    %swap3A_390 = arith.index_cast %add3A_389 : i32 to index
    %swap3A_391 = arith.constant 0 : index
    %swap3A_392 = vector.load %arg5[%swap3A_390, %swap3A_391] : memref<16384x128xf32, #tpu.memory_space<vmem>>, vector<1x128xf32>
    tpu.vector_store %arg5[%swap3A_390, %swap3A_391], %get3A_387 {strides = array<i32>} : memref<16384x128xf32, #tpu.memory_space<vmem>>, vector<1x128xf32>,
    %get3A_393 = arith.constant 7 : index
    %get3A_394 = memref.load %arg1[%get3A_393] : memref<16xi32, #tpu.memory_space<smem>>
    %get3A_395 = arith.constant 39 : index
    %get3A_396 = arith.constant 0 : index
    %get3A_397 = vector.load %arg4[%get3A_395, %get3A_396] : memref<128x128xf32, #tpu.memory_space<vmem>>, vector<1x128xf32>
    %add3A_398 = arith.constant 4096 : i32
    %add3A_399 = arith.addi %add3A_398, %get3A_394 : i32
    %swap3A_400 = arith.index_cast %add3A_399 : i32 to index
    %swap3A_401 = arith.constant 0 : index
    %swap3A_402 = vector.load %arg5[%swap3A_400, %swap3A_401] : memref<16384x128xf32, #tpu.memory_space<vmem>>, vector<1x128xf32>
    tpu.vector_store %arg5[%swap3A_400, %swap3A_401], %get3A_397 {strides = array<i32>} : memref<16384x128xf32, #tpu.memory_space<vmem>>, vector<1x128xf32>,
    %get3A_403 = arith.constant 8 : index
    %get3A_404 = memref.load %arg1[%get3A_403] : memref<16xi32, #tpu.memory_space<smem>>
    %get3A_405 = arith.constant 40 : index
    %get3A_406 = arith.constant 0 : index
    %get3A_407 = vector.load %arg4[%get3A_405, %get3A_406] : memref<128x128xf32, #tpu.memory_space<vmem>>, vector<1x128xf32>
    %add3A_408 = arith.constant 4096 : i32
    %add3A_409 = arith.addi %add3A_408, %get3A_404 : i32
    %swap3A_410 = arith.index_cast %add3A_409 : i32 to index
    %swap3A_411 = arith.constant 0 : index
    %swap3A_412 = vector.load %arg5[%swap3A_410, %swap3A_411] : memref<16384x128xf32, #tpu.memory_space<vmem>>, vector<1x128xf32>
    tpu.vector_store %arg5[%swap3A_410, %swap3A_411], %get3A_407 {strides = array<i32>} : memref<16384x128xf32, #tpu.memory_space<vmem>>, vector<1x128xf32>,
    %get3A_413 = arith.constant 9 : index
    %get3A_414 = memref.load %arg1[%get3A_413] : memref<16xi32, #tpu.memory_space<smem>>
    %get3A_415 = arith.constant 41 : index
    %get3A_416 = arith.constant 0 : index
    %get3A_417 = vector.load %arg4[%get3A_415, %get3A_416] : memref<128x128xf32, #tpu.memory_space<vmem>>, vector<1x128xf32>
    %add3A_418 = arith.constant 4096 : i32
    %add3A_419 = arith.addi %add3A_418, %get3A_414 : i32
    %swap3A_420 = arith.index_cast %add3A_419 : i32 to index
    %swap3A_421 = arith.constant 0 : index
    %swap3A_422 = vector.load %arg5[%swap3A_420, %swap3A_421] : memref<16384x128xf32, #tpu.memory_space<vmem>>, vector<1x128xf32>
    tpu.vector_store %arg5[%swap3A_420, %swap3A_421], %get3A_417 {strides = array<i32>} : memref<16384x128xf32, #tpu.memory_space<vmem>>, vector<1x128xf32>,
    %get3A_423 = arith.constant 10 : index
    %get3A_424 = memref.load %arg1[%get3A_423] : memref<16xi32, #tpu.memory_space<smem>>
    %get3A_425 = arith.constant 42 : index
    %get3A_426 = arith.constant 0 : index
    %get3A_427 = vector.load %arg4[%get3A_425, %get3A_426] : memref<128x128xf32, #tpu.memory_space<vmem>>, vector<1x128xf32>
    %add3A_428 = arith.constant 4096 : i32
    %add3A_429 = arith.addi %add3A_428, %get3A_424 : i32
    %swap3A_430 = arith.index_cast %add3A_429 : i32 to index
    %swap3A_431 = arith.constant 0 : index
    %swap3A_432 = vector.load %arg5[%swap3A_430, %swap3A_431] : memref<16384x128xf32, #tpu.memory_space<vmem>>, vector<1x128xf32>
    tpu.vector_store %arg5[%swap3A_430, %swap3A_431], %get3A_427 {strides = array<i32>} : memref<16384x128xf32, #tpu.memory_space<vmem>>, vector<1x128xf32>,
    %get3A_433 = arith.constant 11 : index
    %get3A_434 = memref.load %arg1[%get3A_433] : memref<16xi32, #tpu.memory_space<smem>>
    %get3A_435 = arith.constant 43 : index
    %get3A_436 = arith.constant 0 : index
    %get3A_437 = vector.load %arg4[%get3A_435, %get3A_436] : memref<128x128xf32, #tpu.memory_space<vmem>>, vector<1x128xf32>
    %add3A_438 = arith.constant 4096 : i32
    %add3A_439 = arith.addi %add3A_438, %get3A_434 : i32
    %swap3A_440 = arith.index_cast %add3A_439 : i32 to index
    %swap3A_441 = arith.constant 0 : index
    %swap3A_442 = vector.load %arg5[%swap3A_440, %swap3A_441] : memref<16384x128xf32, #tpu.memory_space<vmem>>, vector<1x128xf32>
    tpu.vector_store %arg5[%swap3A_440, %swap3A_441], %get3A_437 {strides = array<i32>} : memref<16384x128xf32, #tpu.memory_space<vmem>>, vector<1x128xf32>,
    %get3A_443 = arith.constant 12 : index
    %get3A_444 = memref.load %arg1[%get3A_443] : memref<16xi32, #tpu.memory_space<smem>>
    %get3A_445 = arith.constant 44 : index
    %get3A_446 = arith.constant 0 : index
    %get3A_447 = vector.load %arg4[%get3A_445, %get3A_446] : memref<128x128xf32, #tpu.memory_space<vmem>>, vector<1x128xf32>
    %add3A_448 = arith.constant 4096 : i32
    %add3A_449 = arith.addi %add3A_448, %get3A_444 : i32
    %swap3A_450 = arith.index_cast %add3A_449 : i32 to index
    %swap3A_451 = arith.constant 0 : index
    %swap3A_452 = vector.load %arg5[%swap3A_450, %swap3A_451] : memref<16384x128xf32, #tpu.memory_space<vmem>>, vector<1x128xf32>
    tpu.vector_store %arg5[%swap3A_450, %swap3A_451], %get3A_447 {strides = array<i32>} : memref<16384x128xf32, #tpu.memory_space<vmem>>, vector<1x128xf32>,
    %get3A_453 = arith.constant 13 : index
    %get3A_454 = memref.load %arg1[%get3A_453] : memref<16xi32, #tpu.memory_space<smem>>
    %get3A_455 = arith.constant 45 : index
    %get3A_456 = arith.constant 0 : index
    %get3A_457 = vector.load %arg4[%get3A_455, %get3A_456] : memref<128x128xf32, #tpu.memory_space<vmem>>, vector<1x128xf32>
    %add3A_458 = arith.constant 4096 : i32
    %add3A_459 = arith.addi %add3A_458, %get3A_454 : i32
    %swap3A_460 = arith.index_cast %add3A_459 : i32 to index
    %swap3A_461 = arith.constant 0 : index
    %swap3A_462 = vector.load %arg5[%swap3A_460, %swap3A_461] : memref<16384x128xf32, #tpu.memory_space<vmem>>, vector<1x128xf32>
    tpu.vector_store %arg5[%swap3A_460, %swap3A_461], %get3A_457 {strides = array<i32>} : memref<16384x128xf32, #tpu.memory_space<vmem>>, vector<1x128xf32>,
    %get3A_463 = arith.constant 14 : index
    %get3A_464 = memref.load %arg1[%get3A_463] : memref<16xi32, #tpu.memory_space<smem>>
    %get3A_465 = arith.constant 46 : index
    %get3A_466 = arith.constant 0 : index
    %get3A_467 = vector.load %arg4[%get3A_465, %get3A_466] : memref<128x128xf32, #tpu.memory_space<vmem>>, vector<1x128xf32>
    %add3A_468 = arith.constant 4096 : i32
    %add3A_469 = arith.addi %add3A_468, %get3A_464 : i32
    %swap3A_470 = arith.index_cast %add3A_469 : i32 to index
    %swap3A_471 = arith.constant 0 : index
    %swap3A_472 = vector.load %arg5[%swap3A_470, %swap3A_471] : memref<16384x128xf32, #tpu.memory_space<vmem>>, vector<1x128xf32>
    tpu.vector_store %arg5[%swap3A_470, %swap3A_471], %get3A_467 {strides = array<i32>} : memref<16384x128xf32, #tpu.memory_space<vmem>>, vector<1x128xf32>,
    %get3A_473 = arith.constant 15 : index
    %get3A_474 = memref.load %arg1[%get3A_473] : memref<16xi32, #tpu.memory_space<smem>>
    %get3A_475 = arith.constant 47 : index
    %get3A_476 = arith.constant 0 : index
    %get3A_477 = vector.load %arg4[%get3A_475, %get3A_476] : memref<128x128xf32, #tpu.memory_space<vmem>>, vector<1x128xf32>
    %add3A_478 = arith.constant 4096 : i32
    %add3A_479 = arith.addi %add3A_478, %get3A_474 : i32
    %swap3A_480 = arith.index_cast %add3A_479 : i32 to index
    %swap3A_481 = arith.constant 0 : index
    %swap3A_482 = vector.load %arg5[%swap3A_480, %swap3A_481] : memref<16384x128xf32, #tpu.memory_space<vmem>>, vector<1x128xf32>
    tpu.vector_store %arg5[%swap3A_480, %swap3A_481], %get3A_477 {strides = array<i32>} : memref<16384x128xf32, #tpu.memory_space<vmem>>, vector<1x128xf32>,
    %get3A_483 = arith.constant 0 : index
    %get3A_484 = memref.load %arg1[%get3A_483] : memref<16xi32, #tpu.memory_space<smem>>
    %get3A_485 = arith.constant 48 : index
    %get3A_486 = arith.constant 0 : index
    %get3A_487 = vector.load %arg4[%get3A_485, %get3A_486] : memref<128x128xf32, #tpu.memory_space<vmem>>, vector<1x128xf32>
    %add3A_488 = arith.constant 6144 : i32
    %add3A_489 = arith.addi %add3A_488, %get3A_484 : i32
    %swap3A_490 = arith.index_cast %add3A_489 : i32 to index
    %swap3A_491 = arith.constant 0 : index
    %swap3A_492 = vector.load %arg5[%swap3A_490, %swap3A_491] : memref<16384x128xf32, #tpu.memory_space<vmem>>, vector<1x128xf32>
    tpu.vector_store %arg5[%swap3A_490, %swap3A_491], %get3A_487 {strides = array<i32>} : memref<16384x128xf32, #tpu.memory_space<vmem>>, vector<1x128xf32>,
    %get3A_493 = arith.constant 1 : index
    %get3A_494 = memref.load %arg1[%get3A_493] : memref<16xi32, #tpu.memory_space<smem>>
    %get3A_495 = arith.constant 49 : index
    %get3A_496 = arith.constant 0 : index
    %get3A_497 = vector.load %arg4[%get3A_495, %get3A_496] : memref<128x128xf32, #tpu.memory_space<vmem>>, vector<1x128xf32>
    %add3A_498 = arith.constant 6144 : i32
    %add3A_499 = arith.addi %add3A_498, %get3A_494 : i32
    %swap3A_500 = arith.index_cast %add3A_499 : i32 to index
    %swap3A_501 = arith.constant 0 : index
    %swap3A_502 = vector.load %arg5[%swap3A_500, %swap3A_501] : memref<16384x128xf32, #tpu.memory_space<vmem>>, vector<1x128xf32>
    tpu.vector_store %arg5[%swap3A_500, %swap3A_501], %get3A_497 {strides = array<i32>} : memref<16384x128xf32, #tpu.memory_space<vmem>>, vector<1x128xf32>,
    %get3A_503 = arith.constant 2 : index
    %get3A_504 = memref.load %arg1[%get3A_503] : memref<16xi32, #tpu.memory_space<smem>>
    %get3A_505 = arith.constant 50 : index
    %get3A_506 = arith.constant 0 : index
    %get3A_507 = vector.load %arg4[%get3A_505, %get3A_506] : memref<128x128xf32, #tpu.memory_space<vmem>>, vector<1x128xf32>
    %add3A_508 = arith.constant 6144 : i32
    %add3A_509 = arith.addi %add3A_508, %get3A_504 : i32
    %swap3A_510 = arith.index_cast %add3A_509 : i32 to index
    %swap3A_511 = arith.constant 0 : index
    %swap3A_512 = vector.load %arg5[%swap3A_510, %swap3A_511] : memref<16384x128xf32, #tpu.memory_space<vmem>>, vector<1x128xf32>
    tpu.vector_store %arg5[%swap3A_510, %swap3A_511], %get3A_507 {strides = array<i32>} : memref<16384x128xf32, #tpu.memory_space<vmem>>, vector<1x128xf32>,
    %get3A_513 = arith.constant 3 : index
    %get3A_514 = memref.load %arg1[%get3A_513] : memref<16xi32, #tpu.memory_space<smem>>
    %get3A_515 = arith.constant 51 : index
    %get3A_516 = arith.constant 0 : index
    %get3A_517 = vector.load %arg4[%get3A_515, %get3A_516] : memref<128x128xf32, #tpu.memory_space<vmem>>, vector<1x128xf32>
    %add3A_518 = arith.constant 6144 : i32
    %add3A_519 = arith.addi %add3A_518, %get3A_514 : i32
    %swap3A_520 = arith.index_cast %add3A_519 : i32 to index
    %swap3A_521 = arith.constant 0 : index
    %swap3A_522 = vector.load %arg5[%swap3A_520, %swap3A_521] : memref<16384x128xf32, #tpu.memory_space<vmem>>, vector<1x128xf32>
    tpu.vector_store %arg5[%swap3A_520, %swap3A_521], %get3A_517 {strides = array<i32>} : memref<16384x128xf32, #tpu.memory_space<vmem>>, vector<1x128xf32>,
    %get3A_523 = arith.constant 4 : index
    %get3A_524 = memref.load %arg1[%get3A_523] : memref<16xi32, #tpu.memory_space<smem>>
    %get3A_525 = arith.constant 52 : index
    %get3A_526 = arith.constant 0 : index
    %get3A_527 = vector.load %arg4[%get3A_525, %get3A_526] : memref<128x128xf32, #tpu.memory_space<vmem>>, vector<1x128xf32>
    %add3A_528 = arith.constant 6144 : i32
    %add3A_529 = arith.addi %add3A_528, %get3A_524 : i32
    %swap3A_530 = arith.index_cast %add3A_529 : i32 to index
    %swap3A_531 = arith.constant 0 : index
    %swap3A_532 = vector.load %arg5[%swap3A_530, %swap3A_531] : memref<16384x128xf32, #tpu.memory_space<vmem>>, vector<1x128xf32>
    tpu.vector_store %arg5[%swap3A_530, %swap3A_531], %get3A_527 {strides = array<i32>} : memref<16384x128xf32, #tpu.memory_space<vmem>>, vector<1x128xf32>,
    %get3A_533 = arith.constant 5 : index
    %get3A_534 = memref.load %arg1[%get3A_533] : memref<16xi32, #tpu.memory_space<smem>>
    %get3A_535 = arith.constant 53 : index
    %get3A_536 = arith.constant 0 : index
    %get3A_537 = vector.load %arg4[%get3A_535, %get3A_536] : memref<128x128xf32, #tpu.memory_space<vmem>>, vector<1x128xf32>
    %add3A_538 = arith.constant 6144 : i32
    %add3A_539 = arith.addi %add3A_538, %get3A_534 : i32
    %swap3A_540 = arith.index_cast %add3A_539 : i32 to index
    %swap3A_541 = arith.constant 0 : index
    %swap3A_542 = vector.load %arg5[%swap3A_540, %swap3A_541] : memref<16384x128xf32, #tpu.memory_space<vmem>>, vector<1x128xf32>
    tpu.vector_store %arg5[%swap3A_540, %swap3A_541], %get3A_537 {strides = array<i32>} : memref<16384x128xf32, #tpu.memory_space<vmem>>, vector<1x128xf32>,
    %get3A_543 = arith.constant 6 : index
    %get3A_544 = memref.load %arg1[%get3A_543] : memref<16xi32, #tpu.memory_space<smem>>
    %get3A_545 = arith.constant 54 : index
    %get3A_546 = arith.constant 0 : index
    %get3A_547 = vector.load %arg4[%get3A_545, %get3A_546] : memref<128x128xf32, #tpu.memory_space<vmem>>, vector<1x128xf32>
    %add3A_548 = arith.constant 6144 : i32
    %add3A_549 = arith.addi %add3A_548, %get3A_544 : i32
    %swap3A_550 = arith.index_cast %add3A_549 : i32 to index
    %swap3A_551 = arith.constant 0 : index
    %swap3A_552 = vector.load %arg5[%swap3A_550, %swap3A_551] : memref<16384x128xf32, #tpu.memory_space<vmem>>, vector<1x128xf32>
    tpu.vector_store %arg5[%swap3A_550, %swap3A_551], %get3A_547 {strides = array<i32>} : memref<16384x128xf32, #tpu.memory_space<vmem>>, vector<1x128xf32>,
    %get3A_553 = arith.constant 7 : index
    %get3A_554 = memref.load %arg1[%get3A_553] : memref<16xi32, #tpu.memory_space<smem>>
    %get3A_555 = arith.constant 55 : index
    %get3A_556 = arith.constant 0 : index
    %get3A_557 = vector.load %arg4[%get3A_555, %get3A_556] : memref<128x128xf32, #tpu.memory_space<vmem>>, vector<1x128xf32>
    %add3A_558 = arith.constant 6144 : i32
    %add3A_559 = arith.addi %add3A_558, %get3A_554 : i32
    %swap3A_560 = arith.index_cast %add3A_559 : i32 to index
    %swap3A_561 = arith.constant 0 : index
    %swap3A_562 = vector.load %arg5[%swap3A_560, %swap3A_561] : memref<16384x128xf32, #tpu.memory_space<vmem>>, vector<1x128xf32>
    tpu.vector_store %arg5[%swap3A_560, %swap3A_561], %get3A_557 {strides = array<i32>} : memref<16384x128xf32, #tpu.memory_space<vmem>>, vector<1x128xf32>,
    %get3A_563 = arith.constant 8 : index
    %get3A_564 = memref.load %arg1[%get3A_563] : memref<16xi32, #tpu.memory_space<smem>>
    %get3A_565 = arith.constant 56 : index
    %get3A_566 = arith.constant 0 : index
    %get3A_567 = vector.load %arg4[%get3A_565, %get3A_566] : memref<128x128xf32, #tpu.memory_space<vmem>>, vector<1x128xf32>
    %add3A_568 = arith.constant 6144 : i32
    %add3A_569 = arith.addi %add3A_568, %get3A_564 : i32
    %swap3A_570 = arith.index_cast %add3A_569 : i32 to index
    %swap3A_571 = arith.constant 0 : index
    %swap3A_572 = vector.load %arg5[%swap3A_570, %swap3A_571] : memref<16384x128xf32, #tpu.memory_space<vmem>>, vector<1x128xf32>
    tpu.vector_store %arg5[%swap3A_570, %swap3A_571], %get3A_567 {strides = array<i32>} : memref<16384x128xf32, #tpu.memory_space<vmem>>, vector<1x128xf32>,
    %get3A_573 = arith.constant 9 : index
    %get3A_574 = memref.load %arg1[%get3A_573] : memref<16xi32, #tpu.memory_space<smem>>
    %get3A_575 = arith.constant 57 : index
    %get3A_576 = arith.constant 0 : index
    %get3A_577 = vector.load %arg4[%get3A_575, %get3A_576] : memref<128x128xf32, #tpu.memory_space<vmem>>, vector<1x128xf32>
    %add3A_578 = arith.constant 6144 : i32
    %add3A_579 = arith.addi %add3A_578, %get3A_574 : i32
    %swap3A_580 = arith.index_cast %add3A_579 : i32 to index
    %swap3A_581 = arith.constant 0 : index
    %swap3A_582 = vector.load %arg5[%swap3A_580, %swap3A_581] : memref<16384x128xf32, #tpu.memory_space<vmem>>, vector<1x128xf32>
    tpu.vector_store %arg5[%swap3A_580, %swap3A_581], %get3A_577 {strides = array<i32>} : memref<16384x128xf32, #tpu.memory_space<vmem>>, vector<1x128xf32>,
    %get3A_583 = arith.constant 10 : index
    %get3A_584 = memref.load %arg1[%get3A_583] : memref<16xi32, #tpu.memory_space<smem>>
    %get3A_585 = arith.constant 58 : index
    %get3A_586 = arith.constant 0 : index
    %get3A_587 = vector.load %arg4[%get3A_585, %get3A_586] : memref<128x128xf32, #tpu.memory_space<vmem>>, vector<1x128xf32>
    %add3A_588 = arith.constant 6144 : i32
    %add3A_589 = arith.addi %add3A_588, %get3A_584 : i32
    %swap3A_590 = arith.index_cast %add3A_589 : i32 to index
    %swap3A_591 = arith.constant 0 : index
    %swap3A_592 = vector.load %arg5[%swap3A_590, %swap3A_591] : memref<16384x128xf32, #tpu.memory_space<vmem>>, vector<1x128xf32>
    tpu.vector_store %arg5[%swap3A_590, %swap3A_591], %get3A_587 {strides = array<i32>} : memref<16384x128xf32, #tpu.memory_space<vmem>>, vector<1x128xf32>,
    %get3A_593 = arith.constant 11 : index
    %get3A_594 = memref.load %arg1[%get3A_593] : memref<16xi32, #tpu.memory_space<smem>>
    %get3A_595 = arith.constant 59 : index
    %get3A_596 = arith.constant 0 : index
    %get3A_597 = vector.load %arg4[%get3A_595, %get3A_596] : memref<128x128xf32, #tpu.memory_space<vmem>>, vector<1x128xf32>
    %add3A_598 = arith.constant 6144 : i32
    %add3A_599 = arith.addi %add3A_598, %get3A_594 : i32
    %swap3A_600 = arith.index_cast %add3A_599 : i32 to index
    %swap3A_601 = arith.constant 0 : index
    %swap3A_602 = vector.load %arg5[%swap3A_600, %swap3A_601] : memref<16384x128xf32, #tpu.memory_space<vmem>>, vector<1x128xf32>
    tpu.vector_store %arg5[%swap3A_600, %swap3A_601], %get3A_597 {strides = array<i32>} : memref<16384x128xf32, #tpu.memory_space<vmem>>, vector<1x128xf32>,
    %get3A_603 = arith.constant 12 : index
    %get3A_604 = memref.load %arg1[%get3A_603] : memref<16xi32, #tpu.memory_space<smem>>
    %get3A_605 = arith.constant 60 : index
    %get3A_606 = arith.constant 0 : index
    %get3A_607 = vector.load %arg4[%get3A_605, %get3A_606] : memref<128x128xf32, #tpu.memory_space<vmem>>, vector<1x128xf32>
    %add3A_608 = arith.constant 6144 : i32
    %add3A_609 = arith.addi %add3A_608, %get3A_604 : i32
    %swap3A_610 = arith.index_cast %add3A_609 : i32 to index
    %swap3A_611 = arith.constant 0 : index
    %swap3A_612 = vector.load %arg5[%swap3A_610, %swap3A_611] : memref<16384x128xf32, #tpu.memory_space<vmem>>, vector<1x128xf32>
    tpu.vector_store %arg5[%swap3A_610, %swap3A_611], %get3A_607 {strides = array<i32>} : memref<16384x128xf32, #tpu.memory_space<vmem>>, vector<1x128xf32>,
    %get3A_613 = arith.constant 13 : index
    %get3A_614 = memref.load %arg1[%get3A_613] : memref<16xi32, #tpu.memory_space<smem>>
    %get3A_615 = arith.constant 61 : index
    %get3A_616 = arith.constant 0 : index
    %get3A_617 = vector.load %arg4[%get3A_615, %get3A_616] : memref<128x128xf32, #tpu.memory_space<vmem>>, vector<1x128xf32>
    %add3A_618 = arith.constant 6144 : i32
    %add3A_619 = arith.addi %add3A_618, %get3A_614 : i32
    %swap3A_620 = arith.index_cast %add3A_619 : i32 to index
    %swap3A_621 = arith.constant 0 : index
    %swap3A_622 = vector.load %arg5[%swap3A_620, %swap3A_621] : memref<16384x128xf32, #tpu.memory_space<vmem>>, vector<1x128xf32>
    tpu.vector_store %arg5[%swap3A_620, %swap3A_621], %get3A_617 {strides = array<i32>} : memref<16384x128xf32, #tpu.memory_space<vmem>>, vector<1x128xf32>,
    %get3A_623 = arith.constant 14 : index
    %get3A_624 = memref.load %arg1[%get3A_623] : memref<16xi32, #tpu.memory_space<smem>>
    %get3A_625 = arith.constant 62 : index
    %get3A_626 = arith.constant 0 : index
    %get3A_627 = vector.load %arg4[%get3A_625, %get3A_626] : memref<128x128xf32, #tpu.memory_space<vmem>>, vector<1x128xf32>
    %add3A_628 = arith.constant 6144 : i32
    %add3A_629 = arith.addi %add3A_628, %get3A_624 : i32
    %swap3A_630 = arith.index_cast %add3A_629 : i32 to index
    %swap3A_631 = arith.constant 0 : index
    %swap3A_632 = vector.load %arg5[%swap3A_630, %swap3A_631] : memref<16384x128xf32, #tpu.memory_space<vmem>>, vector<1x128xf32>
    tpu.vector_store %arg5[%swap3A_630, %swap3A_631], %get3A_627 {strides = array<i32>} : memref<16384x128xf32, #tpu.memory_space<vmem>>, vector<1x128xf32>,
    %get3A_633 = arith.constant 15 : index
    %get3A_634 = memref.load %arg1[%get3A_633] : memref<16xi32, #tpu.memory_space<smem>>
    %get3A_635 = arith.constant 63 : index
    %get3A_636 = arith.constant 0 : index
    %get3A_637 = vector.load %arg4[%get3A_635, %get3A_636] : memref<128x128xf32, #tpu.memory_space<vmem>>, vector<1x128xf32>
    %add3A_638 = arith.constant 6144 : i32
    %add3A_639 = arith.addi %add3A_638, %get3A_634 : i32
    %swap3A_640 = arith.index_cast %add3A_639 : i32 to index
    %swap3A_641 = arith.constant 0 : index
    %swap3A_642 = vector.load %arg5[%swap3A_640, %swap3A_641] : memref<16384x128xf32, #tpu.memory_space<vmem>>, vector<1x128xf32>
    tpu.vector_store %arg5[%swap3A_640, %swap3A_641], %get3A_637 {strides = array<i32>} : memref<16384x128xf32, #tpu.memory_space<vmem>>, vector<1x128xf32>,
    %get3A_643 = arith.constant 0 : index
    %get3A_644 = memref.load %arg1[%get3A_643] : memref<16xi32, #tpu.memory_space<smem>>
    %get3A_645 = arith.constant 64 : index
    %get3A_646 = arith.constant 0 : index
    %get3A_647 = vector.load %arg4[%get3A_645, %get3A_646] : memref<128x128xf32, #tpu.memory_space<vmem>>, vector<1x128xf32>
    %add3A_648 = arith.constant 8192 : i32
    %add3A_649 = arith.addi %add3A_648, %get3A_644 : i32
    %swap3A_650 = arith.index_cast %add3A_649 : i32 to index
    %swap3A_651 = arith.constant 0 : index
    %swap3A_652 = vector.load %arg5[%swap3A_650, %swap3A_651] : memref<16384x128xf32, #tpu.memory_space<vmem>>, vector<1x128xf32>
    tpu.vector_store %arg5[%swap3A_650, %swap3A_651], %get3A_647 {strides = array<i32>} : memref<16384x128xf32, #tpu.memory_space<vmem>>, vector<1x128xf32>,
    %get3A_653 = arith.constant 1 : index
    %get3A_654 = memref.load %arg1[%get3A_653] : memref<16xi32, #tpu.memory_space<smem>>
    %get3A_655 = arith.constant 65 : index
    %get3A_656 = arith.constant 0 : index
    %get3A_657 = vector.load %arg4[%get3A_655, %get3A_656] : memref<128x128xf32, #tpu.memory_space<vmem>>, vector<1x128xf32>
    %add3A_658 = arith.constant 8192 : i32
    %add3A_659 = arith.addi %add3A_658, %get3A_654 : i32
    %swap3A_660 = arith.index_cast %add3A_659 : i32 to index
    %swap3A_661 = arith.constant 0 : index
    %swap3A_662 = vector.load %arg5[%swap3A_660, %swap3A_661] : memref<16384x128xf32, #tpu.memory_space<vmem>>, vector<1x128xf32>
    tpu.vector_store %arg5[%swap3A_660, %swap3A_661], %get3A_657 {strides = array<i32>} : memref<16384x128xf32, #tpu.memory_space<vmem>>, vector<1x128xf32>,
    %get3A_663 = arith.constant 2 : index
    %get3A_664 = memref.load %arg1[%get3A_663] : memref<16xi32, #tpu.memory_space<smem>>
    %get3A_665 = arith.constant 66 : index
    %get3A_666 = arith.constant 0 : index
    %get3A_667 = vector.load %arg4[%get3A_665, %get3A_666] : memref<128x128xf32, #tpu.memory_space<vmem>>, vector<1x128xf32>
    %add3A_668 = arith.constant 8192 : i32
    %add3A_669 = arith.addi %add3A_668, %get3A_664 : i32
    %swap3A_670 = arith.index_cast %add3A_669 : i32 to index
    %swap3A_671 = arith.constant 0 : index
    %swap3A_672 = vector.load %arg5[%swap3A_670, %swap3A_671] : memref<16384x128xf32, #tpu.memory_space<vmem>>, vector<1x128xf32>
    tpu.vector_store %arg5[%swap3A_670, %swap3A_671], %get3A_667 {strides = array<i32>} : memref<16384x128xf32, #tpu.memory_space<vmem>>, vector<1x128xf32>,
    %get3A_673 = arith.constant 3 : index
    %get3A_674 = memref.load %arg1[%get3A_673] : memref<16xi32, #tpu.memory_space<smem>>
    %get3A_675 = arith.constant 67 : index
    %get3A_676 = arith.constant 0 : index
    %get3A_677 = vector.load %arg4[%get3A_675, %get3A_676] : memref<128x128xf32, #tpu.memory_space<vmem>>, vector<1x128xf32>
    %add3A_678 = arith.constant 8192 : i32
    %add3A_679 = arith.addi %add3A_678, %get3A_674 : i32
    %swap3A_680 = arith.index_cast %add3A_679 : i32 to index
    %swap3A_681 = arith.constant 0 : index
    %swap3A_682 = vector.load %arg5[%swap3A_680, %swap3A_681] : memref<16384x128xf32, #tpu.memory_space<vmem>>, vector<1x128xf32>
    tpu.vector_store %arg5[%swap3A_680, %swap3A_681], %get3A_677 {strides = array<i32>} : memref<16384x128xf32, #tpu.memory_space<vmem>>, vector<1x128xf32>,
    %get3A_683 = arith.constant 4 : index
    %get3A_684 = memref.load %arg1[%get3A_683] : memref<16xi32, #tpu.memory_space<smem>>
    %get3A_685 = arith.constant 68 : index
    %get3A_686 = arith.constant 0 : index
    %get3A_687 = vector.load %arg4[%get3A_685, %get3A_686] : memref<128x128xf32, #tpu.memory_space<vmem>>, vector<1x128xf32>
    %add3A_688 = arith.constant 8192 : i32
    %add3A_689 = arith.addi %add3A_688, %get3A_684 : i32
    %swap3A_690 = arith.index_cast %add3A_689 : i32 to index
    %swap3A_691 = arith.constant 0 : index
    %swap3A_692 = vector.load %arg5[%swap3A_690, %swap3A_691] : memref<16384x128xf32, #tpu.memory_space<vmem>>, vector<1x128xf32>
    tpu.vector_store %arg5[%swap3A_690, %swap3A_691], %get3A_687 {strides = array<i32>} : memref<16384x128xf32, #tpu.memory_space<vmem>>, vector<1x128xf32>,
    %get3A_693 = arith.constant 5 : index
    %get3A_694 = memref.load %arg1[%get3A_693] : memref<16xi32, #tpu.memory_space<smem>>
    %get3A_695 = arith.constant 69 : index
    %get3A_696 = arith.constant 0 : index
    %get3A_697 = vector.load %arg4[%get3A_695, %get3A_696] : memref<128x128xf32, #tpu.memory_space<vmem>>, vector<1x128xf32>
    %add3A_698 = arith.constant 8192 : i32
    %add3A_699 = arith.addi %add3A_698, %get3A_694 : i32
    %swap3A_700 = arith.index_cast %add3A_699 : i32 to index
    %swap3A_701 = arith.constant 0 : index
    %swap3A_702 = vector.load %arg5[%swap3A_700, %swap3A_701] : memref<16384x128xf32, #tpu.memory_space<vmem>>, vector<1x128xf32>
    tpu.vector_store %arg5[%swap3A_700, %swap3A_701], %get3A_697 {strides = array<i32>} : memref<16384x128xf32, #tpu.memory_space<vmem>>, vector<1x128xf32>,
    %get3A_703 = arith.constant 6 : index
    %get3A_704 = memref.load %arg1[%get3A_703] : memref<16xi32, #tpu.memory_space<smem>>
    %get3A_705 = arith.constant 70 : index
    %get3A_706 = arith.constant 0 : index
    %get3A_707 = vector.load %arg4[%get3A_705, %get3A_706] : memref<128x128xf32, #tpu.memory_space<vmem>>, vector<1x128xf32>
    %add3A_708 = arith.constant 8192 : i32
    %add3A_709 = arith.addi %add3A_708, %get3A_704 : i32
    %swap3A_710 = arith.index_cast %add3A_709 : i32 to index
    %swap3A_711 = arith.constant 0 : index
    %swap3A_712 = vector.load %arg5[%swap3A_710, %swap3A_711] : memref<16384x128xf32, #tpu.memory_space<vmem>>, vector<1x128xf32>
    tpu.vector_store %arg5[%swap3A_710, %swap3A_711], %get3A_707 {strides = array<i32>} : memref<16384x128xf32, #tpu.memory_space<vmem>>, vector<1x128xf32>,
    %get3A_713 = arith.constant 7 : index
    %get3A_714 = memref.load %arg1[%get3A_713] : memref<16xi32, #tpu.memory_space<smem>>
    %get3A_715 = arith.constant 71 : index
    %get3A_716 = arith.constant 0 : index
    %get3A_717 = vector.load %arg4[%get3A_715, %get3A_716] : memref<128x128xf32, #tpu.memory_space<vmem>>, vector<1x128xf32>
    %add3A_718 = arith.constant 8192 : i32
    %add3A_719 = arith.addi %add3A_718, %get3A_714 : i32
    %swap3A_720 = arith.index_cast %add3A_719 : i32 to index
    %swap3A_721 = arith.constant 0 : index
    %swap3A_722 = vector.load %arg5[%swap3A_720, %swap3A_721] : memref<16384x128xf32, #tpu.memory_space<vmem>>, vector<1x128xf32>
    tpu.vector_store %arg5[%swap3A_720, %swap3A_721], %get3A_717 {strides = array<i32>} : memref<16384x128xf32, #tpu.memory_space<vmem>>, vector<1x128xf32>,
    %get3A_723 = arith.constant 8 : index
    %get3A_724 = memref.load %arg1[%get3A_723] : memref<16xi32, #tpu.memory_space<smem>>
    %get3A_725 = arith.constant 72 : index
    %get3A_726 = arith.constant 0 : index
    %get3A_727 = vector.load %arg4[%get3A_725, %get3A_726] : memref<128x128xf32, #tpu.memory_space<vmem>>, vector<1x128xf32>
    %add3A_728 = arith.constant 8192 : i32
    %add3A_729 = arith.addi %add3A_728, %get3A_724 : i32
    %swap3A_730 = arith.index_cast %add3A_729 : i32 to index
    %swap3A_731 = arith.constant 0 : index
    %swap3A_732 = vector.load %arg5[%swap3A_730, %swap3A_731] : memref<16384x128xf32, #tpu.memory_space<vmem>>, vector<1x128xf32>
    tpu.vector_store %arg5[%swap3A_730, %swap3A_731], %get3A_727 {strides = array<i32>} : memref<16384x128xf32, #tpu.memory_space<vmem>>, vector<1x128xf32>,
    %get3A_733 = arith.constant 9 : index
    %get3A_734 = memref.load %arg1[%get3A_733] : memref<16xi32, #tpu.memory_space<smem>>
    %get3A_735 = arith.constant 73 : index
    %get3A_736 = arith.constant 0 : index
    %get3A_737 = vector.load %arg4[%get3A_735, %get3A_736] : memref<128x128xf32, #tpu.memory_space<vmem>>, vector<1x128xf32>
    %add3A_738 = arith.constant 8192 : i32
    %add3A_739 = arith.addi %add3A_738, %get3A_734 : i32
    %swap3A_740 = arith.index_cast %add3A_739 : i32 to index
    %swap3A_741 = arith.constant 0 : index
    %swap3A_742 = vector.load %arg5[%swap3A_740, %swap3A_741] : memref<16384x128xf32, #tpu.memory_space<vmem>>, vector<1x128xf32>
    tpu.vector_store %arg5[%swap3A_740, %swap3A_741], %get3A_737 {strides = array<i32>} : memref<16384x128xf32, #tpu.memory_space<vmem>>, vector<1x128xf32>,
    %get3A_743 = arith.constant 10 : index
    %get3A_744 = memref.load %arg1[%get3A_743] : memref<16xi32, #tpu.memory_space<smem>>
    %get3A_745 = arith.constant 74 : index
    %get3A_746 = arith.constant 0 : index
    %get3A_747 = vector.load %arg4[%get3A_745, %get3A_746] : memref<128x128xf32, #tpu.memory_space<vmem>>, vector<1x128xf32>
    %add3A_748 = arith.constant 8192 : i32
    %add3A_749 = arith.addi %add3A_748, %get3A_744 : i32
    %swap3A_750 = arith.index_cast %add3A_749 : i32 to index
    %swap3A_751 = arith.constant 0 : index
    %swap3A_752 = vector.load %arg5[%swap3A_750, %swap3A_751] : memref<16384x128xf32, #tpu.memory_space<vmem>>, vector<1x128xf32>
    tpu.vector_store %arg5[%swap3A_750, %swap3A_751], %get3A_747 {strides = array<i32>} : memref<16384x128xf32, #tpu.memory_space<vmem>>, vector<1x128xf32>,
    %get3A_753 = arith.constant 11 : index
    %get3A_754 = memref.load %arg1[%get3A_753] : memref<16xi32, #tpu.memory_space<smem>>
    %get3A_755 = arith.constant 75 : index
    %get3A_756 = arith.constant 0 : index
    %get3A_757 = vector.load %arg4[%get3A_755, %get3A_756] : memref<128x128xf32, #tpu.memory_space<vmem>>, vector<1x128xf32>
    %add3A_758 = arith.constant 8192 : i32
    %add3A_759 = arith.addi %add3A_758, %get3A_754 : i32
    %swap3A_760 = arith.index_cast %add3A_759 : i32 to index
    %swap3A_761 = arith.constant 0 : index
    %swap3A_762 = vector.load %arg5[%swap3A_760, %swap3A_761] : memref<16384x128xf32, #tpu.memory_space<vmem>>, vector<1x128xf32>
    tpu.vector_store %arg5[%swap3A_760, %swap3A_761], %get3A_757 {strides = array<i32>} : memref<16384x128xf32, #tpu.memory_space<vmem>>, vector<1x128xf32>,
    %get3A_763 = arith.constant 12 : index
    %get3A_764 = memref.load %arg1[%get3A_763] : memref<16xi32, #tpu.memory_space<smem>>
    %get3A_765 = arith.constant 76 : index
    %get3A_766 = arith.constant 0 : index
    %get3A_767 = vector.load %arg4[%get3A_765, %get3A_766] : memref<128x128xf32, #tpu.memory_space<vmem>>, vector<1x128xf32>
    %add3A_768 = arith.constant 8192 : i32
    %add3A_769 = arith.addi %add3A_768, %get3A_764 : i32
    %swap3A_770 = arith.index_cast %add3A_769 : i32 to index
    %swap3A_771 = arith.constant 0 : index
    %swap3A_772 = vector.load %arg5[%swap3A_770, %swap3A_771] : memref<16384x128xf32, #tpu.memory_space<vmem>>, vector<1x128xf32>
    tpu.vector_store %arg5[%swap3A_770, %swap3A_771], %get3A_767 {strides = array<i32>} : memref<16384x128xf32, #tpu.memory_space<vmem>>, vector<1x128xf32>,
    %get3A_773 = arith.constant 13 : index
    %get3A_774 = memref.load %arg1[%get3A_773] : memref<16xi32, #tpu.memory_space<smem>>
    %get3A_775 = arith.constant 77 : index
    %get3A_776 = arith.constant 0 : index
    %get3A_777 = vector.load %arg4[%get3A_775, %get3A_776] : memref<128x128xf32, #tpu.memory_space<vmem>>, vector<1x128xf32>
    %add3A_778 = arith.constant 8192 : i32
    %add3A_779 = arith.addi %add3A_778, %get3A_774 : i32
    %swap3A_780 = arith.index_cast %add3A_779 : i32 to index
    %swap3A_781 = arith.constant 0 : index
    %swap3A_782 = vector.load %arg5[%swap3A_780, %swap3A_781] : memref<16384x128xf32, #tpu.memory_space<vmem>>, vector<1x128xf32>
    tpu.vector_store %arg5[%swap3A_780, %swap3A_781], %get3A_777 {strides = array<i32>} : memref<16384x128xf32, #tpu.memory_space<vmem>>, vector<1x128xf32>,
    %get3A_783 = arith.constant 14 : index
    %get3A_784 = memref.load %arg1[%get3A_783] : memref<16xi32, #tpu.memory_space<smem>>
    %get3A_785 = arith.constant 78 : index
    %get3A_786 = arith.constant 0 : index
    %get3A_787 = vector.load %arg4[%get3A_785, %get3A_786] : memref<128x128xf32, #tpu.memory_space<vmem>>, vector<1x128xf32>
    %add3A_788 = arith.constant 8192 : i32
    %add3A_789 = arith.addi %add3A_788, %get3A_784 : i32
    %swap3A_790 = arith.index_cast %add3A_789 : i32 to index
    %swap3A_791 = arith.constant 0 : index
    %swap3A_792 = vector.load %arg5[%swap3A_790, %swap3A_791] : memref<16384x128xf32, #tpu.memory_space<vmem>>, vector<1x128xf32>
    tpu.vector_store %arg5[%swap3A_790, %swap3A_791], %get3A_787 {strides = array<i32>} : memref<16384x128xf32, #tpu.memory_space<vmem>>, vector<1x128xf32>,
    %get3A_793 = arith.constant 15 : index
    %get3A_794 = memref.load %arg1[%get3A_793] : memref<16xi32, #tpu.memory_space<smem>>
    %get3A_795 = arith.constant 79 : index
    %get3A_796 = arith.constant 0 : index
    %get3A_797 = vector.load %arg4[%get3A_795, %get3A_796] : memref<128x128xf32, #tpu.memory_space<vmem>>, vector<1x128xf32>
    %add3A_798 = arith.constant 8192 : i32
    %add3A_799 = arith.addi %add3A_798, %get3A_794 : i32
    %swap3A_800 = arith.index_cast %add3A_799 : i32 to index
    %swap3A_801 = arith.constant 0 : index
    %swap3A_802 = vector.load %arg5[%swap3A_800, %swap3A_801] : memref<16384x128xf32, #tpu.memory_space<vmem>>, vector<1x128xf32>
    tpu.vector_store %arg5[%swap3A_800, %swap3A_801], %get3A_797 {strides = array<i32>} : memref<16384x128xf32, #tpu.memory_space<vmem>>, vector<1x128xf32>,
    %get3A_803 = arith.constant 0 : index
    %get3A_804 = memref.load %arg1[%get3A_803] : memref<16xi32, #tpu.memory_space<smem>>
    %get3A_805 = arith.constant 80 : index
    %get3A_806 = arith.constant 0 : index
    %get3A_807 = vector.load %arg4[%get3A_805, %get3A_806] : memref<128x128xf32, #tpu.memory_space<vmem>>, vector<1x128xf32>
    %add3A_808 = arith.constant 10240 : i32
    %add3A_809 = arith.addi %add3A_808, %get3A_804 : i32
    %swap3A_810 = arith.index_cast %add3A_809 : i32 to index
    %swap3A_811 = arith.constant 0 : index
    %swap3A_812 = vector.load %arg5[%swap3A_810, %swap3A_811] : memref<16384x128xf32, #tpu.memory_space<vmem>>, vector<1x128xf32>
    tpu.vector_store %arg5[%swap3A_810, %swap3A_811], %get3A_807 {strides = array<i32>} : memref<16384x128xf32, #tpu.memory_space<vmem>>, vector<1x128xf32>,
    %get3A_813 = arith.constant 1 : index
    %get3A_814 = memref.load %arg1[%get3A_813] : memref<16xi32, #tpu.memory_space<smem>>
    %get3A_815 = arith.constant 81 : index
    %get3A_816 = arith.constant 0 : index
    %get3A_817 = vector.load %arg4[%get3A_815, %get3A_816] : memref<128x128xf32, #tpu.memory_space<vmem>>, vector<1x128xf32>
    %add3A_818 = arith.constant 10240 : i32
    %add3A_819 = arith.addi %add3A_818, %get3A_814 : i32
    %swap3A_820 = arith.index_cast %add3A_819 : i32 to index
    %swap3A_821 = arith.constant 0 : index
    %swap3A_822 = vector.load %arg5[%swap3A_820, %swap3A_821] : memref<16384x128xf32, #tpu.memory_space<vmem>>, vector<1x128xf32>
    tpu.vector_store %arg5[%swap3A_820, %swap3A_821], %get3A_817 {strides = array<i32>} : memref<16384x128xf32, #tpu.memory_space<vmem>>, vector<1x128xf32>,
    %get3A_823 = arith.constant 2 : index
    %get3A_824 = memref.load %arg1[%get3A_823] : memref<16xi32, #tpu.memory_space<smem>>
    %get3A_825 = arith.constant 82 : index
    %get3A_826 = arith.constant 0 : index
    %get3A_827 = vector.load %arg4[%get3A_825, %get3A_826] : memref<128x128xf32, #tpu.memory_space<vmem>>, vector<1x128xf32>
    %add3A_828 = arith.constant 10240 : i32
    %add3A_829 = arith.addi %add3A_828, %get3A_824 : i32
    %swap3A_830 = arith.index_cast %add3A_829 : i32 to index
    %swap3A_831 = arith.constant 0 : index
    %swap3A_832 = vector.load %arg5[%swap3A_830, %swap3A_831] : memref<16384x128xf32, #tpu.memory_space<vmem>>, vector<1x128xf32>
    tpu.vector_store %arg5[%swap3A_830, %swap3A_831], %get3A_827 {strides = array<i32>} : memref<16384x128xf32, #tpu.memory_space<vmem>>, vector<1x128xf32>,
    %get3A_833 = arith.constant 3 : index
    %get3A_834 = memref.load %arg1[%get3A_833] : memref<16xi32, #tpu.memory_space<smem>>
    %get3A_835 = arith.constant 83 : index
    %get3A_836 = arith.constant 0 : index
    %get3A_837 = vector.load %arg4[%get3A_835, %get3A_836] : memref<128x128xf32, #tpu.memory_space<vmem>>, vector<1x128xf32>
    %add3A_838 = arith.constant 10240 : i32
    %add3A_839 = arith.addi %add3A_838, %get3A_834 : i32
    %swap3A_840 = arith.index_cast %add3A_839 : i32 to index
    %swap3A_841 = arith.constant 0 : index
    %swap3A_842 = vector.load %arg5[%swap3A_840, %swap3A_841] : memref<16384x128xf32, #tpu.memory_space<vmem>>, vector<1x128xf32>
    tpu.vector_store %arg5[%swap3A_840, %swap3A_841], %get3A_837 {strides = array<i32>} : memref<16384x128xf32, #tpu.memory_space<vmem>>, vector<1x128xf32>,
    %get3A_843 = arith.constant 4 : index
    %get3A_844 = memref.load %arg1[%get3A_843] : memref<16xi32, #tpu.memory_space<smem>>
    %get3A_845 = arith.constant 84 : index
    %get3A_846 = arith.constant 0 : index
    %get3A_847 = vector.load %arg4[%get3A_845, %get3A_846] : memref<128x128xf32, #tpu.memory_space<vmem>>, vector<1x128xf32>
    %add3A_848 = arith.constant 10240 : i32
    %add3A_849 = arith.addi %add3A_848, %get3A_844 : i32
    %swap3A_850 = arith.index_cast %add3A_849 : i32 to index
    %swap3A_851 = arith.constant 0 : index
    %swap3A_852 = vector.load %arg5[%swap3A_850, %swap3A_851] : memref<16384x128xf32, #tpu.memory_space<vmem>>, vector<1x128xf32>
    tpu.vector_store %arg5[%swap3A_850, %swap3A_851], %get3A_847 {strides = array<i32>} : memref<16384x128xf32, #tpu.memory_space<vmem>>, vector<1x128xf32>,
    %get3A_853 = arith.constant 5 : index
    %get3A_854 = memref.load %arg1[%get3A_853] : memref<16xi32, #tpu.memory_space<smem>>
    %get3A_855 = arith.constant 85 : index
    %get3A_856 = arith.constant 0 : index
    %get3A_857 = vector.load %arg4[%get3A_855, %get3A_856] : memref<128x128xf32, #tpu.memory_space<vmem>>, vector<1x128xf32>
    %add3A_858 = arith.constant 10240 : i32
    %add3A_859 = arith.addi %add3A_858, %get3A_854 : i32
    %swap3A_860 = arith.index_cast %add3A_859 : i32 to index
    %swap3A_861 = arith.constant 0 : index
    %swap3A_862 = vector.load %arg5[%swap3A_860, %swap3A_861] : memref<16384x128xf32, #tpu.memory_space<vmem>>, vector<1x128xf32>
    tpu.vector_store %arg5[%swap3A_860, %swap3A_861], %get3A_857 {strides = array<i32>} : memref<16384x128xf32, #tpu.memory_space<vmem>>, vector<1x128xf32>,
    %get3A_863 = arith.constant 6 : index
    %get3A_864 = memref.load %arg1[%get3A_863] : memref<16xi32, #tpu.memory_space<smem>>
    %get3A_865 = arith.constant 86 : index
    %get3A_866 = arith.constant 0 : index
    %get3A_867 = vector.load %arg4[%get3A_865, %get3A_866] : memref<128x128xf32, #tpu.memory_space<vmem>>, vector<1x128xf32>
    %add3A_868 = arith.constant 10240 : i32
    %add3A_869 = arith.addi %add3A_868, %get3A_864 : i32
    %swap3A_870 = arith.index_cast %add3A_869 : i32 to index
    %swap3A_871 = arith.constant 0 : index
    %swap3A_872 = vector.load %arg5[%swap3A_870, %swap3A_871] : memref<16384x128xf32, #tpu.memory_space<vmem>>, vector<1x128xf32>
    tpu.vector_store %arg5[%swap3A_870, %swap3A_871], %get3A_867 {strides = array<i32>} : memref<16384x128xf32, #tpu.memory_space<vmem>>, vector<1x128xf32>,
    %get3A_873 = arith.constant 7 : index
    %get3A_874 = memref.load %arg1[%get3A_873] : memref<16xi32, #tpu.memory_space<smem>>
    %get3A_875 = arith.constant 87 : index
    %get3A_876 = arith.constant 0 : index
    %get3A_877 = vector.load %arg4[%get3A_875, %get3A_876] : memref<128x128xf32, #tpu.memory_space<vmem>>, vector<1x128xf32>
    %add3A_878 = arith.constant 10240 : i32
    %add3A_879 = arith.addi %add3A_878, %get3A_874 : i32
    %swap3A_880 = arith.index_cast %add3A_879 : i32 to index
    %swap3A_881 = arith.constant 0 : index
    %swap3A_882 = vector.load %arg5[%swap3A_880, %swap3A_881] : memref<16384x128xf32, #tpu.memory_space<vmem>>, vector<1x128xf32>
    tpu.vector_store %arg5[%swap3A_880, %swap3A_881], %get3A_877 {strides = array<i32>} : memref<16384x128xf32, #tpu.memory_space<vmem>>, vector<1x128xf32>,
    %get3A_883 = arith.constant 8 : index
    %get3A_884 = memref.load %arg1[%get3A_883] : memref<16xi32, #tpu.memory_space<smem>>
    %get3A_885 = arith.constant 88 : index
    %get3A_886 = arith.constant 0 : index
    %get3A_887 = vector.load %arg4[%get3A_885, %get3A_886] : memref<128x128xf32, #tpu.memory_space<vmem>>, vector<1x128xf32>
    %add3A_888 = arith.constant 10240 : i32
    %add3A_889 = arith.addi %add3A_888, %get3A_884 : i32
    %swap3A_890 = arith.index_cast %add3A_889 : i32 to index
    %swap3A_891 = arith.constant 0 : index
    %swap3A_892 = vector.load %arg5[%swap3A_890, %swap3A_891] : memref<16384x128xf32, #tpu.memory_space<vmem>>, vector<1x128xf32>
    tpu.vector_store %arg5[%swap3A_890, %swap3A_891], %get3A_887 {strides = array<i32>} : memref<16384x128xf32, #tpu.memory_space<vmem>>, vector<1x128xf32>,
    %get3A_893 = arith.constant 9 : index
    %get3A_894 = memref.load %arg1[%get3A_893] : memref<16xi32, #tpu.memory_space<smem>>
    %get3A_895 = arith.constant 89 : index
    %get3A_896 = arith.constant 0 : index
    %get3A_897 = vector.load %arg4[%get3A_895, %get3A_896] : memref<128x128xf32, #tpu.memory_space<vmem>>, vector<1x128xf32>
    %add3A_898 = arith.constant 10240 : i32
    %add3A_899 = arith.addi %add3A_898, %get3A_894 : i32
    %swap3A_900 = arith.index_cast %add3A_899 : i32 to index
    %swap3A_901 = arith.constant 0 : index
    %swap3A_902 = vector.load %arg5[%swap3A_900, %swap3A_901] : memref<16384x128xf32, #tpu.memory_space<vmem>>, vector<1x128xf32>
    tpu.vector_store %arg5[%swap3A_900, %swap3A_901], %get3A_897 {strides = array<i32>} : memref<16384x128xf32, #tpu.memory_space<vmem>>, vector<1x128xf32>,
    %get3A_903 = arith.constant 10 : index
    %get3A_904 = memref.load %arg1[%get3A_903] : memref<16xi32, #tpu.memory_space<smem>>
    %get3A_905 = arith.constant 90 : index
    %get3A_906 = arith.constant 0 : index
    %get3A_907 = vector.load %arg4[%get3A_905, %get3A_906] : memref<128x128xf32, #tpu.memory_space<vmem>>, vector<1x128xf32>
    %add3A_908 = arith.constant 10240 : i32
    %add3A_909 = arith.addi %add3A_908, %get3A_904 : i32
    %swap3A_910 = arith.index_cast %add3A_909 : i32 to index
    %swap3A_911 = arith.constant 0 : index
    %swap3A_912 = vector.load %arg5[%swap3A_910, %swap3A_911] : memref<16384x128xf32, #tpu.memory_space<vmem>>, vector<1x128xf32>
    tpu.vector_store %arg5[%swap3A_910, %swap3A_911], %get3A_907 {strides = array<i32>} : memref<16384x128xf32, #tpu.memory_space<vmem>>, vector<1x128xf32>,
    %get3A_913 = arith.constant 11 : index
    %get3A_914 = memref.load %arg1[%get3A_913] : memref<16xi32, #tpu.memory_space<smem>>
    %get3A_915 = arith.constant 91 : index
    %get3A_916 = arith.constant 0 : index
    %get3A_917 = vector.load %arg4[%get3A_915, %get3A_916] : memref<128x128xf32, #tpu.memory_space<vmem>>, vector<1x128xf32>
    %add3A_918 = arith.constant 10240 : i32
    %add3A_919 = arith.addi %add3A_918, %get3A_914 : i32
    %swap3A_920 = arith.index_cast %add3A_919 : i32 to index
    %swap3A_921 = arith.constant 0 : index
    %swap3A_922 = vector.load %arg5[%swap3A_920, %swap3A_921] : memref<16384x128xf32, #tpu.memory_space<vmem>>, vector<1x128xf32>
    tpu.vector_store %arg5[%swap3A_920, %swap3A_921], %get3A_917 {strides = array<i32>} : memref<16384x128xf32, #tpu.memory_space<vmem>>, vector<1x128xf32>,
    %get3A_923 = arith.constant 12 : index
    %get3A_924 = memref.load %arg1[%get3A_923] : memref<16xi32, #tpu.memory_space<smem>>
    %get3A_925 = arith.constant 92 : index
    %get3A_926 = arith.constant 0 : index
    %get3A_927 = vector.load %arg4[%get3A_925, %get3A_926] : memref<128x128xf32, #tpu.memory_space<vmem>>, vector<1x128xf32>
    %add3A_928 = arith.constant 10240 : i32
    %add3A_929 = arith.addi %add3A_928, %get3A_924 : i32
    %swap3A_930 = arith.index_cast %add3A_929 : i32 to index
    %swap3A_931 = arith.constant 0 : index
    %swap3A_932 = vector.load %arg5[%swap3A_930, %swap3A_931] : memref<16384x128xf32, #tpu.memory_space<vmem>>, vector<1x128xf32>
    tpu.vector_store %arg5[%swap3A_930, %swap3A_931], %get3A_927 {strides = array<i32>} : memref<16384x128xf32, #tpu.memory_space<vmem>>, vector<1x128xf32>,
    %get3A_933 = arith.constant 13 : index
    %get3A_934 = memref.load %arg1[%get3A_933] : memref<16xi32, #tpu.memory_space<smem>>
    %get3A_935 = arith.constant 93 : index
    %get3A_936 = arith.constant 0 : index
    %get3A_937 = vector.load %arg4[%get3A_935, %get3A_936] : memref<128x128xf32, #tpu.memory_space<vmem>>, vector<1x128xf32>
    %add3A_938 = arith.constant 10240 : i32
    %add3A_939 = arith.addi %add3A_938, %get3A_934 : i32
    %swap3A_940 = arith.index_cast %add3A_939 : i32 to index
    %swap3A_941 = arith.constant 0 : index
    %swap3A_942 = vector.load %arg5[%swap3A_940, %swap3A_941] : memref<16384x128xf32, #tpu.memory_space<vmem>>, vector<1x128xf32>
    tpu.vector_store %arg5[%swap3A_940, %swap3A_941], %get3A_937 {strides = array<i32>} : memref<16384x128xf32, #tpu.memory_space<vmem>>, vector<1x128xf32>,
    %get3A_943 = arith.constant 14 : index
    %get3A_944 = memref.load %arg1[%get3A_943] : memref<16xi32, #tpu.memory_space<smem>>
    %get3A_945 = arith.constant 94 : index
    %get3A_946 = arith.constant 0 : index
    %get3A_947 = vector.load %arg4[%get3A_945, %get3A_946] : memref<128x128xf32, #tpu.memory_space<vmem>>, vector<1x128xf32>
    %add3A_948 = arith.constant 10240 : i32
    %add3A_949 = arith.addi %add3A_948, %get3A_944 : i32
    %swap3A_950 = arith.index_cast %add3A_949 : i32 to index
    %swap3A_951 = arith.constant 0 : index
    %swap3A_952 = vector.load %arg5[%swap3A_950, %swap3A_951] : memref<16384x128xf32, #tpu.memory_space<vmem>>, vector<1x128xf32>
    tpu.vector_store %arg5[%swap3A_950, %swap3A_951], %get3A_947 {strides = array<i32>} : memref<16384x128xf32, #tpu.memory_space<vmem>>, vector<1x128xf32>,
    %get3A_953 = arith.constant 15 : index
    %get3A_954 = memref.load %arg1[%get3A_953] : memref<16xi32, #tpu.memory_space<smem>>
    %get3A_955 = arith.constant 95 : index
    %get3A_956 = arith.constant 0 : index
    %get3A_957 = vector.load %arg4[%get3A_955, %get3A_956] : memref<128x128xf32, #tpu.memory_space<vmem>>, vector<1x128xf32>
    %add3A_958 = arith.constant 10240 : i32
    %add3A_959 = arith.addi %add3A_958, %get3A_954 : i32
    %swap3A_960 = arith.index_cast %add3A_959 : i32 to index
    %swap3A_961 = arith.constant 0 : index
    %swap3A_962 = vector.load %arg5[%swap3A_960, %swap3A_961] : memref<16384x128xf32, #tpu.memory_space<vmem>>, vector<1x128xf32>
    tpu.vector_store %arg5[%swap3A_960, %swap3A_961], %get3A_957 {strides = array<i32>} : memref<16384x128xf32, #tpu.memory_space<vmem>>, vector<1x128xf32>,
    %get3A_963 = arith.constant 0 : index
    %get3A_964 = memref.load %arg1[%get3A_963] : memref<16xi32, #tpu.memory_space<smem>>
    %get3A_965 = arith.constant 96 : index
    %get3A_966 = arith.constant 0 : index
    %get3A_967 = vector.load %arg4[%get3A_965, %get3A_966] : memref<128x128xf32, #tpu.memory_space<vmem>>, vector<1x128xf32>
    %add3A_968 = arith.constant 12288 : i32
    %add3A_969 = arith.addi %add3A_968, %get3A_964 : i32
    %swap3A_970 = arith.index_cast %add3A_969 : i32 to index
    %swap3A_971 = arith.constant 0 : index
    %swap3A_972 = vector.load %arg5[%swap3A_970, %swap3A_971] : memref<16384x128xf32, #tpu.memory_space<vmem>>, vector<1x128xf32>
    tpu.vector_store %arg5[%swap3A_970, %swap3A_971], %get3A_967 {strides = array<i32>} : memref<16384x128xf32, #tpu.memory_space<vmem>>, vector<1x128xf32>,
    %get3A_973 = arith.constant 1 : index
    %get3A_974 = memref.load %arg1[%get3A_973] : memref<16xi32, #tpu.memory_space<smem>>
    %get3A_975 = arith.constant 97 : index
    %get3A_976 = arith.constant 0 : index
    %get3A_977 = vector.load %arg4[%get3A_975, %get3A_976] : memref<128x128xf32, #tpu.memory_space<vmem>>, vector<1x128xf32>
    %add3A_978 = arith.constant 12288 : i32
    %add3A_979 = arith.addi %add3A_978, %get3A_974 : i32
    %swap3A_980 = arith.index_cast %add3A_979 : i32 to index
    %swap3A_981 = arith.constant 0 : index
    %swap3A_982 = vector.load %arg5[%swap3A_980, %swap3A_981] : memref<16384x128xf32, #tpu.memory_space<vmem>>, vector<1x128xf32>
    tpu.vector_store %arg5[%swap3A_980, %swap3A_981], %get3A_977 {strides = array<i32>} : memref<16384x128xf32, #tpu.memory_space<vmem>>, vector<1x128xf32>,
    %get3A_983 = arith.constant 2 : index
    %get3A_984 = memref.load %arg1[%get3A_983] : memref<16xi32, #tpu.memory_space<smem>>
    %get3A_985 = arith.constant 98 : index
    %get3A_986 = arith.constant 0 : index
    %get3A_987 = vector.load %arg4[%get3A_985, %get3A_986] : memref<128x128xf32, #tpu.memory_space<vmem>>, vector<1x128xf32>
    %add3A_988 = arith.constant 12288 : i32
    %add3A_989 = arith.addi %add3A_988, %get3A_984 : i32
    %swap3A_990 = arith.index_cast %add3A_989 : i32 to index
    %swap3A_991 = arith.constant 0 : index
    %swap3A_992 = vector.load %arg5[%swap3A_990, %swap3A_991] : memref<16384x128xf32, #tpu.memory_space<vmem>>, vector<1x128xf32>
    tpu.vector_store %arg5[%swap3A_990, %swap3A_991], %get3A_987 {strides = array<i32>} : memref<16384x128xf32, #tpu.memory_space<vmem>>, vector<1x128xf32>,
    %get3A_993 = arith.constant 3 : index
    %get3A_994 = memref.load %arg1[%get3A_993] : memref<16xi32, #tpu.memory_space<smem>>
    %get3A_995 = arith.constant 99 : index
    %get3A_996 = arith.constant 0 : index
    %get3A_997 = vector.load %arg4[%get3A_995, %get3A_996] : memref<128x128xf32, #tpu.memory_space<vmem>>, vector<1x128xf32>
    %add3A_998 = arith.constant 12288 : i32
    %add3A_999 = arith.addi %add3A_998, %get3A_994 : i32
    %swap3A_1000 = arith.index_cast %add3A_999 : i32 to index
    %swap3A_1001 = arith.constant 0 : index
    %swap3A_1002 = vector.load %arg5[%swap3A_1000, %swap3A_1001] : memref<16384x128xf32, #tpu.memory_space<vmem>>, vector<1x128xf32>
    tpu.vector_store %arg5[%swap3A_1000, %swap3A_1001], %get3A_997 {strides = array<i32>} : memref<16384x128xf32, #tpu.memory_space<vmem>>, vector<1x128xf32>,
    %get3A_1003 = arith.constant 4 : index
    %get3A_1004 = memref.load %arg1[%get3A_1003] : memref<16xi32, #tpu.memory_space<smem>>
    %get3A_1005 = arith.constant 100 : index
    %get3A_1006 = arith.constant 0 : index
    %get3A_1007 = vector.load %arg4[%get3A_1005, %get3A_1006] : memref<128x128xf32, #tpu.memory_space<vmem>>, vector<1x128xf32>
    %add3A_1008 = arith.constant 12288 : i32
    %add3A_1009 = arith.addi %add3A_1008, %get3A_1004 : i32
    %swap3A_1010 = arith.index_cast %add3A_1009 : i32 to index
    %swap3A_1011 = arith.constant 0 : index
    %swap3A_1012 = vector.load %arg5[%swap3A_1010, %swap3A_1011] : memref<16384x128xf32, #tpu.memory_space<vmem>>, vector<1x128xf32>
    tpu.vector_store %arg5[%swap3A_1010, %swap3A_1011], %get3A_1007 {strides = array<i32>} : memref<16384x128xf32, #tpu.memory_space<vmem>>, vector<1x128xf32>,
    %get3A_1013 = arith.constant 5 : index
    %get3A_1014 = memref.load %arg1[%get3A_1013] : memref<16xi32, #tpu.memory_space<smem>>
    %get3A_1015 = arith.constant 101 : index
    %get3A_1016 = arith.constant 0 : index
    %get3A_1017 = vector.load %arg4[%get3A_1015, %get3A_1016] : memref<128x128xf32, #tpu.memory_space<vmem>>, vector<1x128xf32>
    %add3A_1018 = arith.constant 12288 : i32
    %add3A_1019 = arith.addi %add3A_1018, %get3A_1014 : i32
    %swap3A_1020 = arith.index_cast %add3A_1019 : i32 to index
    %swap3A_1021 = arith.constant 0 : index
    %swap3A_1022 = vector.load %arg5[%swap3A_1020, %swap3A_1021] : memref<16384x128xf32, #tpu.memory_space<vmem>>, vector<1x128xf32>
    tpu.vector_store %arg5[%swap3A_1020, %swap3A_1021], %get3A_1017 {strides = array<i32>} : memref<16384x128xf32, #tpu.memory_space<vmem>>, vector<1x128xf32>,
    %get3A_1023 = arith.constant 6 : index
    %get3A_1024 = memref.load %arg1[%get3A_1023] : memref<16xi32, #tpu.memory_space<smem>>
    %get3A_1025 = arith.constant 102 : index
    %get3A_1026 = arith.constant 0 : index
    %get3A_1027 = vector.load %arg4[%get3A_1025, %get3A_1026] : memref<128x128xf32, #tpu.memory_space<vmem>>, vector<1x128xf32>
    %add3A_1028 = arith.constant 12288 : i32
    %add3A_1029 = arith.addi %add3A_1028, %get3A_1024 : i32
    %swap3A_1030 = arith.index_cast %add3A_1029 : i32 to index
    %swap3A_1031 = arith.constant 0 : index
    %swap3A_1032 = vector.load %arg5[%swap3A_1030, %swap3A_1031] : memref<16384x128xf32, #tpu.memory_space<vmem>>, vector<1x128xf32>
    tpu.vector_store %arg5[%swap3A_1030, %swap3A_1031], %get3A_1027 {strides = array<i32>} : memref<16384x128xf32, #tpu.memory_space<vmem>>, vector<1x128xf32>,
    %get3A_1033 = arith.constant 7 : index
    %get3A_1034 = memref.load %arg1[%get3A_1033] : memref<16xi32, #tpu.memory_space<smem>>
    %get3A_1035 = arith.constant 103 : index
    %get3A_1036 = arith.constant 0 : index
    %get3A_1037 = vector.load %arg4[%get3A_1035, %get3A_1036] : memref<128x128xf32, #tpu.memory_space<vmem>>, vector<1x128xf32>
    %add3A_1038 = arith.constant 12288 : i32
    %add3A_1039 = arith.addi %add3A_1038, %get3A_1034 : i32
    %swap3A_1040 = arith.index_cast %add3A_1039 : i32 to index
    %swap3A_1041 = arith.constant 0 : index
    %swap3A_1042 = vector.load %arg5[%swap3A_1040, %swap3A_1041] : memref<16384x128xf32, #tpu.memory_space<vmem>>, vector<1x128xf32>
    tpu.vector_store %arg5[%swap3A_1040, %swap3A_1041], %get3A_1037 {strides = array<i32>} : memref<16384x128xf32, #tpu.memory_space<vmem>>, vector<1x128xf32>,
    %get3A_1043 = arith.constant 8 : index
    %get3A_1044 = memref.load %arg1[%get3A_1043] : memref<16xi32, #tpu.memory_space<smem>>
    %get3A_1045 = arith.constant 104 : index
    %get3A_1046 = arith.constant 0 : index
    %get3A_1047 = vector.load %arg4[%get3A_1045, %get3A_1046] : memref<128x128xf32, #tpu.memory_space<vmem>>, vector<1x128xf32>
    %add3A_1048 = arith.constant 12288 : i32
    %add3A_1049 = arith.addi %add3A_1048, %get3A_1044 : i32
    %swap3A_1050 = arith.index_cast %add3A_1049 : i32 to index
    %swap3A_1051 = arith.constant 0 : index
    %swap3A_1052 = vector.load %arg5[%swap3A_1050, %swap3A_1051] : memref<16384x128xf32, #tpu.memory_space<vmem>>, vector<1x128xf32>
    tpu.vector_store %arg5[%swap3A_1050, %swap3A_1051], %get3A_1047 {strides = array<i32>} : memref<16384x128xf32, #tpu.memory_space<vmem>>, vector<1x128xf32>,
    %get3A_1053 = arith.constant 9 : index
    %get3A_1054 = memref.load %arg1[%get3A_1053] : memref<16xi32, #tpu.memory_space<smem>>
    %get3A_1055 = arith.constant 105 : index
    %get3A_1056 = arith.constant 0 : index
    %get3A_1057 = vector.load %arg4[%get3A_1055, %get3A_1056] : memref<128x128xf32, #tpu.memory_space<vmem>>, vector<1x128xf32>
    %add3A_1058 = arith.constant 12288 : i32
    %add3A_1059 = arith.addi %add3A_1058, %get3A_1054 : i32
    %swap3A_1060 = arith.index_cast %add3A_1059 : i32 to index
    %swap3A_1061 = arith.constant 0 : index
    %swap3A_1062 = vector.load %arg5[%swap3A_1060, %swap3A_1061] : memref<16384x128xf32, #tpu.memory_space<vmem>>, vector<1x128xf32>
    tpu.vector_store %arg5[%swap3A_1060, %swap3A_1061], %get3A_1057 {strides = array<i32>} : memref<16384x128xf32, #tpu.memory_space<vmem>>, vector<1x128xf32>,
    %get3A_1063 = arith.constant 10 : index
    %get3A_1064 = memref.load %arg1[%get3A_1063] : memref<16xi32, #tpu.memory_space<smem>>
    %get3A_1065 = arith.constant 106 : index
    %get3A_1066 = arith.constant 0 : index
    %get3A_1067 = vector.load %arg4[%get3A_1065, %get3A_1066] : memref<128x128xf32, #tpu.memory_space<vmem>>, vector<1x128xf32>
    %add3A_1068 = arith.constant 12288 : i32
    %add3A_1069 = arith.addi %add3A_1068, %get3A_1064 : i32
    %swap3A_1070 = arith.index_cast %add3A_1069 : i32 to index
    %swap3A_1071 = arith.constant 0 : index
    %swap3A_1072 = vector.load %arg5[%swap3A_1070, %swap3A_1071] : memref<16384x128xf32, #tpu.memory_space<vmem>>, vector<1x128xf32>
    tpu.vector_store %arg5[%swap3A_1070, %swap3A_1071], %get3A_1067 {strides = array<i32>} : memref<16384x128xf32, #tpu.memory_space<vmem>>, vector<1x128xf32>,
    %get3A_1073 = arith.constant 11 : index
    %get3A_1074 = memref.load %arg1[%get3A_1073] : memref<16xi32, #tpu.memory_space<smem>>
    %get3A_1075 = arith.constant 107 : index
    %get3A_1076 = arith.constant 0 : index
    %get3A_1077 = vector.load %arg4[%get3A_1075, %get3A_1076] : memref<128x128xf32, #tpu.memory_space<vmem>>, vector<1x128xf32>
    %add3A_1078 = arith.constant 12288 : i32
    %add3A_1079 = arith.addi %add3A_1078, %get3A_1074 : i32
    %swap3A_1080 = arith.index_cast %add3A_1079 : i32 to index
    %swap3A_1081 = arith.constant 0 : index
    %swap3A_1082 = vector.load %arg5[%swap3A_1080, %swap3A_1081] : memref<16384x128xf32, #tpu.memory_space<vmem>>, vector<1x128xf32>
    tpu.vector_store %arg5[%swap3A_1080, %swap3A_1081], %get3A_1077 {strides = array<i32>} : memref<16384x128xf32, #tpu.memory_space<vmem>>, vector<1x128xf32>,
    %get3A_1083 = arith.constant 12 : index
    %get3A_1084 = memref.load %arg1[%get3A_1083] : memref<16xi32, #tpu.memory_space<smem>>
    %get3A_1085 = arith.constant 108 : index
    %get3A_1086 = arith.constant 0 : index
    %get3A_1087 = vector.load %arg4[%get3A_1085, %get3A_1086] : memref<128x128xf32, #tpu.memory_space<vmem>>, vector<1x128xf32>
    %add3A_1088 = arith.constant 12288 : i32
    %add3A_1089 = arith.addi %add3A_1088, %get3A_1084 : i32
    %swap3A_1090 = arith.index_cast %add3A_1089 : i32 to index
    %swap3A_1091 = arith.constant 0 : index
    %swap3A_1092 = vector.load %arg5[%swap3A_1090, %swap3A_1091] : memref<16384x128xf32, #tpu.memory_space<vmem>>, vector<1x128xf32>
    tpu.vector_store %arg5[%swap3A_1090, %swap3A_1091], %get3A_1087 {strides = array<i32>} : memref<16384x128xf32, #tpu.memory_space<vmem>>, vector<1x128xf32>,
    %get3A_1093 = arith.constant 13 : index
    %get3A_1094 = memref.load %arg1[%get3A_1093] : memref<16xi32, #tpu.memory_space<smem>>
    %get3A_1095 = arith.constant 109 : index
    %get3A_1096 = arith.constant 0 : index
    %get3A_1097 = vector.load %arg4[%get3A_1095, %get3A_1096] : memref<128x128xf32, #tpu.memory_space<vmem>>, vector<1x128xf32>
    %add3A_1098 = arith.constant 12288 : i32
    %add3A_1099 = arith.addi %add3A_1098, %get3A_1094 : i32
    %swap3A_1100 = arith.index_cast %add3A_1099 : i32 to index
    %swap3A_1101 = arith.constant 0 : index
    %swap3A_1102 = vector.load %arg5[%swap3A_1100, %swap3A_1101] : memref<16384x128xf32, #tpu.memory_space<vmem>>, vector<1x128xf32>
    tpu.vector_store %arg5[%swap3A_1100, %swap3A_1101], %get3A_1097 {strides = array<i32>} : memref<16384x128xf32, #tpu.memory_space<vmem>>, vector<1x128xf32>,
    %get3A_1103 = arith.constant 14 : index
    %get3A_1104 = memref.load %arg1[%get3A_1103] : memref<16xi32, #tpu.memory_space<smem>>
    %get3A_1105 = arith.constant 110 : index
    %get3A_1106 = arith.constant 0 : index
    %get3A_1107 = vector.load %arg4[%get3A_1105, %get3A_1106] : memref<128x128xf32, #tpu.memory_space<vmem>>, vector<1x128xf32>
    %add3A_1108 = arith.constant 12288 : i32
    %add3A_1109 = arith.addi %add3A_1108, %get3A_1104 : i32
    %swap3A_1110 = arith.index_cast %add3A_1109 : i32 to index
    %swap3A_1111 = arith.constant 0 : index
    %swap3A_1112 = vector.load %arg5[%swap3A_1110, %swap3A_1111] : memref<16384x128xf32, #tpu.memory_space<vmem>>, vector<1x128xf32>
    tpu.vector_store %arg5[%swap3A_1110, %swap3A_1111], %get3A_1107 {strides = array<i32>} : memref<16384x128xf32, #tpu.memory_space<vmem>>, vector<1x128xf32>,
    %get3A_1113 = arith.constant 15 : index
    %get3A_1114 = memref.load %arg1[%get3A_1113] : memref<16xi32, #tpu.memory_space<smem>>
    %get3A_1115 = arith.constant 111 : index
    %get3A_1116 = arith.constant 0 : index
    %get3A_1117 = vector.load %arg4[%get3A_1115, %get3A_1116] : memref<128x128xf32, #tpu.memory_space<vmem>>, vector<1x128xf32>
    %add3A_1118 = arith.constant 12288 : i32
    %add3A_1119 = arith.addi %add3A_1118, %get3A_1114 : i32
    %swap3A_1120 = arith.index_cast %add3A_1119 : i32 to index
    %swap3A_1121 = arith.constant 0 : index
    %swap3A_1122 = vector.load %arg5[%swap3A_1120, %swap3A_1121] : memref<16384x128xf32, #tpu.memory_space<vmem>>, vector<1x128xf32>
    tpu.vector_store %arg5[%swap3A_1120, %swap3A_1121], %get3A_1117 {strides = array<i32>} : memref<16384x128xf32, #tpu.memory_space<vmem>>, vector<1x128xf32>,
    %get3A_1123 = arith.constant 0 : index
    %get3A_1124 = memref.load %arg1[%get3A_1123] : memref<16xi32, #tpu.memory_space<smem>>
    %get3A_1125 = arith.constant 112 : index
    %get3A_1126 = arith.constant 0 : index
    %get3A_1127 = vector.load %arg4[%get3A_1125, %get3A_1126] : memref<128x128xf32, #tpu.memory_space<vmem>>, vector<1x128xf32>
    %add3A_1128 = arith.constant 14336 : i32
    %add3A_1129 = arith.addi %add3A_1128, %get3A_1124 : i32
    %swap3A_1130 = arith.index_cast %add3A_1129 : i32 to index
    %swap3A_1131 = arith.constant 0 : index
    %swap3A_1132 = vector.load %arg5[%swap3A_1130, %swap3A_1131] : memref<16384x128xf32, #tpu.memory_space<vmem>>, vector<1x128xf32>
    tpu.vector_store %arg5[%swap3A_1130, %swap3A_1131], %get3A_1127 {strides = array<i32>} : memref<16384x128xf32, #tpu.memory_space<vmem>>, vector<1x128xf32>,
    %get3A_1133 = arith.constant 1 : index
    %get3A_1134 = memref.load %arg1[%get3A_1133] : memref<16xi32, #tpu.memory_space<smem>>
    %get3A_1135 = arith.constant 113 : index
    %get3A_1136 = arith.constant 0 : index
    %get3A_1137 = vector.load %arg4[%get3A_1135, %get3A_1136] : memref<128x128xf32, #tpu.memory_space<vmem>>, vector<1x128xf32>
    %add3A_1138 = arith.constant 14336 : i32
    %add3A_1139 = arith.addi %add3A_1138, %get3A_1134 : i32
    %swap3A_1140 = arith.index_cast %add3A_1139 : i32 to index
    %swap3A_1141 = arith.constant 0 : index
    %swap3A_1142 = vector.load %arg5[%swap3A_1140, %swap3A_1141] : memref<16384x128xf32, #tpu.memory_space<vmem>>, vector<1x128xf32>
    tpu.vector_store %arg5[%swap3A_1140, %swap3A_1141], %get3A_1137 {strides = array<i32>} : memref<16384x128xf32, #tpu.memory_space<vmem>>, vector<1x128xf32>,
    %get3A_1143 = arith.constant 2 : index
    %get3A_1144 = memref.load %arg1[%get3A_1143] : memref<16xi32, #tpu.memory_space<smem>>
    %get3A_1145 = arith.constant 114 : index
    %get3A_1146 = arith.constant 0 : index
    %get3A_1147 = vector.load %arg4[%get3A_1145, %get3A_1146] : memref<128x128xf32, #tpu.memory_space<vmem>>, vector<1x128xf32>
    %add3A_1148 = arith.constant 14336 : i32
    %add3A_1149 = arith.addi %add3A_1148, %get3A_1144 : i32
    %swap3A_1150 = arith.index_cast %add3A_1149 : i32 to index
    %swap3A_1151 = arith.constant 0 : index
    %swap3A_1152 = vector.load %arg5[%swap3A_1150, %swap3A_1151] : memref<16384x128xf32, #tpu.memory_space<vmem>>, vector<1x128xf32>
    tpu.vector_store %arg5[%swap3A_1150, %swap3A_1151], %get3A_1147 {strides = array<i32>} : memref<16384x128xf32, #tpu.memory_space<vmem>>, vector<1x128xf32>,
    %get3A_1153 = arith.constant 3 : index
    %get3A_1154 = memref.load %arg1[%get3A_1153] : memref<16xi32, #tpu.memory_space<smem>>
    %get3A_1155 = arith.constant 115 : index
    %get3A_1156 = arith.constant 0 : index
    %get3A_1157 = vector.load %arg4[%get3A_1155, %get3A_1156] : memref<128x128xf32, #tpu.memory_space<vmem>>, vector<1x128xf32>
    %add3A_1158 = arith.constant 14336 : i32
    %add3A_1159 = arith.addi %add3A_1158, %get3A_1154 : i32
    %swap3A_1160 = arith.index_cast %add3A_1159 : i32 to index
    %swap3A_1161 = arith.constant 0 : index
    %swap3A_1162 = vector.load %arg5[%swap3A_1160, %swap3A_1161] : memref<16384x128xf32, #tpu.memory_space<vmem>>, vector<1x128xf32>
    tpu.vector_store %arg5[%swap3A_1160, %swap3A_1161], %get3A_1157 {strides = array<i32>} : memref<16384x128xf32, #tpu.memory_space<vmem>>, vector<1x128xf32>,
    %get3A_1163 = arith.constant 4 : index
    %get3A_1164 = memref.load %arg1[%get3A_1163] : memref<16xi32, #tpu.memory_space<smem>>
    %get3A_1165 = arith.constant 116 : index
    %get3A_1166 = arith.constant 0 : index
    %get3A_1167 = vector.load %arg4[%get3A_1165, %get3A_1166] : memref<128x128xf32, #tpu.memory_space<vmem>>, vector<1x128xf32>
    %add3A_1168 = arith.constant 14336 : i32
    %add3A_1169 = arith.addi %add3A_1168, %get3A_1164 : i32
    %swap3A_1170 = arith.index_cast %add3A_1169 : i32 to index
    %swap3A_1171 = arith.constant 0 : index
    %swap3A_1172 = vector.load %arg5[%swap3A_1170, %swap3A_1171] : memref<16384x128xf32, #tpu.memory_space<vmem>>, vector<1x128xf32>
    tpu.vector_store %arg5[%swap3A_1170, %swap3A_1171], %get3A_1167 {strides = array<i32>} : memref<16384x128xf32, #tpu.memory_space<vmem>>, vector<1x128xf32>,
    %get3A_1173 = arith.constant 5 : index
    %get3A_1174 = memref.load %arg1[%get3A_1173] : memref<16xi32, #tpu.memory_space<smem>>
    %get3A_1175 = arith.constant 117 : index
    %get3A_1176 = arith.constant 0 : index
    %get3A_1177 = vector.load %arg4[%get3A_1175, %get3A_1176] : memref<128x128xf32, #tpu.memory_space<vmem>>, vector<1x128xf32>
    %add3A_1178 = arith.constant 14336 : i32
    %add3A_1179 = arith.addi %add3A_1178, %get3A_1174 : i32
    %swap3A_1180 = arith.index_cast %add3A_1179 : i32 to index
    %swap3A_1181 = arith.constant 0 : index
    %swap3A_1182 = vector.load %arg5[%swap3A_1180, %swap3A_1181] : memref<16384x128xf32, #tpu.memory_space<vmem>>, vector<1x128xf32>
    tpu.vector_store %arg5[%swap3A_1180, %swap3A_1181], %get3A_1177 {strides = array<i32>} : memref<16384x128xf32, #tpu.memory_space<vmem>>, vector<1x128xf32>,
    %get3A_1183 = arith.constant 6 : index
    %get3A_1184 = memref.load %arg1[%get3A_1183] : memref<16xi32, #tpu.memory_space<smem>>
    %get3A_1185 = arith.constant 118 : index
    %get3A_1186 = arith.constant 0 : index
    %get3A_1187 = vector.load %arg4[%get3A_1185, %get3A_1186] : memref<128x128xf32, #tpu.memory_space<vmem>>, vector<1x128xf32>
    %add3A_1188 = arith.constant 14336 : i32
    %add3A_1189 = arith.addi %add3A_1188, %get3A_1184 : i32
    %swap3A_1190 = arith.index_cast %add3A_1189 : i32 to index
    %swap3A_1191 = arith.constant 0 : index
    %swap3A_1192 = vector.load %arg5[%swap3A_1190, %swap3A_1191] : memref<16384x128xf32, #tpu.memory_space<vmem>>, vector<1x128xf32>
    tpu.vector_store %arg5[%swap3A_1190, %swap3A_1191], %get3A_1187 {strides = array<i32>} : memref<16384x128xf32, #tpu.memory_space<vmem>>, vector<1x128xf32>,
    %get3A_1193 = arith.constant 7 : index
    %get3A_1194 = memref.load %arg1[%get3A_1193] : memref<16xi32, #tpu.memory_space<smem>>
    %get3A_1195 = arith.constant 119 : index
    %get3A_1196 = arith.constant 0 : index
    %get3A_1197 = vector.load %arg4[%get3A_1195, %get3A_1196] : memref<128x128xf32, #tpu.memory_space<vmem>>, vector<1x128xf32>
    %add3A_1198 = arith.constant 14336 : i32
    %add3A_1199 = arith.addi %add3A_1198, %get3A_1194 : i32
    %swap3A_1200 = arith.index_cast %add3A_1199 : i32 to index
    %swap3A_1201 = arith.constant 0 : index
    %swap3A_1202 = vector.load %arg5[%swap3A_1200, %swap3A_1201] : memref<16384x128xf32, #tpu.memory_space<vmem>>, vector<1x128xf32>
    tpu.vector_store %arg5[%swap3A_1200, %swap3A_1201], %get3A_1197 {strides = array<i32>} : memref<16384x128xf32, #tpu.memory_space<vmem>>, vector<1x128xf32>,
    %get3A_1203 = arith.constant 8 : index
    %get3A_1204 = memref.load %arg1[%get3A_1203] : memref<16xi32, #tpu.memory_space<smem>>
    %get3A_1205 = arith.constant 120 : index
    %get3A_1206 = arith.constant 0 : index
    %get3A_1207 = vector.load %arg4[%get3A_1205, %get3A_1206] : memref<128x128xf32, #tpu.memory_space<vmem>>, vector<1x128xf32>
    %add3A_1208 = arith.constant 14336 : i32
    %add3A_1209 = arith.addi %add3A_1208, %get3A_1204 : i32
    %swap3A_1210 = arith.index_cast %add3A_1209 : i32 to index
    %swap3A_1211 = arith.constant 0 : index
    %swap3A_1212 = vector.load %arg5[%swap3A_1210, %swap3A_1211] : memref<16384x128xf32, #tpu.memory_space<vmem>>, vector<1x128xf32>
    tpu.vector_store %arg5[%swap3A_1210, %swap3A_1211], %get3A_1207 {strides = array<i32>} : memref<16384x128xf32, #tpu.memory_space<vmem>>, vector<1x128xf32>,
    %get3A_1213 = arith.constant 9 : index
    %get3A_1214 = memref.load %arg1[%get3A_1213] : memref<16xi32, #tpu.memory_space<smem>>
    %get3A_1215 = arith.constant 121 : index
    %get3A_1216 = arith.constant 0 : index
    %get3A_1217 = vector.load %arg4[%get3A_1215, %get3A_1216] : memref<128x128xf32, #tpu.memory_space<vmem>>, vector<1x128xf32>
    %add3A_1218 = arith.constant 14336 : i32
    %add3A_1219 = arith.addi %add3A_1218, %get3A_1214 : i32
    %swap3A_1220 = arith.index_cast %add3A_1219 : i32 to index
    %swap3A_1221 = arith.constant 0 : index
    %swap3A_1222 = vector.load %arg5[%swap3A_1220, %swap3A_1221] : memref<16384x128xf32, #tpu.memory_space<vmem>>, vector<1x128xf32>
    tpu.vector_store %arg5[%swap3A_1220, %swap3A_1221], %get3A_1217 {strides = array<i32>} : memref<16384x128xf32, #tpu.memory_space<vmem>>, vector<1x128xf32>,
    %get3A_1223 = arith.constant 10 : index
    %get3A_1224 = memref.load %arg1[%get3A_1223] : memref<16xi32, #tpu.memory_space<smem>>
    %get3A_1225 = arith.constant 122 : index
    %get3A_1226 = arith.constant 0 : index
    %get3A_1227 = vector.load %arg4[%get3A_1225, %get3A_1226] : memref<128x128xf32, #tpu.memory_space<vmem>>, vector<1x128xf32>
    %add3A_1228 = arith.constant 14336 : i32
    %add3A_1229 = arith.addi %add3A_1228, %get3A_1224 : i32
    %swap3A_1230 = arith.index_cast %add3A_1229 : i32 to index
    %swap3A_1231 = arith.constant 0 : index
    %swap3A_1232 = vector.load %arg5[%swap3A_1230, %swap3A_1231] : memref<16384x128xf32, #tpu.memory_space<vmem>>, vector<1x128xf32>
    tpu.vector_store %arg5[%swap3A_1230, %swap3A_1231], %get3A_1227 {strides = array<i32>} : memref<16384x128xf32, #tpu.memory_space<vmem>>, vector<1x128xf32>,
    %get3A_1233 = arith.constant 11 : index
    %get3A_1234 = memref.load %arg1[%get3A_1233] : memref<16xi32, #tpu.memory_space<smem>>
    %get3A_1235 = arith.constant 123 : index
    %get3A_1236 = arith.constant 0 : index
    %get3A_1237 = vector.load %arg4[%get3A_1235, %get3A_1236] : memref<128x128xf32, #tpu.memory_space<vmem>>, vector<1x128xf32>
    %add3A_1238 = arith.constant 14336 : i32
    %add3A_1239 = arith.addi %add3A_1238, %get3A_1234 : i32
    %swap3A_1240 = arith.index_cast %add3A_1239 : i32 to index
    %swap3A_1241 = arith.constant 0 : index
    %swap3A_1242 = vector.load %arg5[%swap3A_1240, %swap3A_1241] : memref<16384x128xf32, #tpu.memory_space<vmem>>, vector<1x128xf32>
    tpu.vector_store %arg5[%swap3A_1240, %swap3A_1241], %get3A_1237 {strides = array<i32>} : memref<16384x128xf32, #tpu.memory_space<vmem>>, vector<1x128xf32>,
    %get3A_1243 = arith.constant 12 : index
    %get3A_1244 = memref.load %arg1[%get3A_1243] : memref<16xi32, #tpu.memory_space<smem>>
    %get3A_1245 = arith.constant 124 : index
    %get3A_1246 = arith.constant 0 : index
    %get3A_1247 = vector.load %arg4[%get3A_1245, %get3A_1246] : memref<128x128xf32, #tpu.memory_space<vmem>>, vector<1x128xf32>
    %add3A_1248 = arith.constant 14336 : i32
    %add3A_1249 = arith.addi %add3A_1248, %get3A_1244 : i32
    %swap3A_1250 = arith.index_cast %add3A_1249 : i32 to index
    %swap3A_1251 = arith.constant 0 : index
    %swap3A_1252 = vector.load %arg5[%swap3A_1250, %swap3A_1251] : memref<16384x128xf32, #tpu.memory_space<vmem>>, vector<1x128xf32>
    tpu.vector_store %arg5[%swap3A_1250, %swap3A_1251], %get3A_1247 {strides = array<i32>} : memref<16384x128xf32, #tpu.memory_space<vmem>>, vector<1x128xf32>,
    %get3A_1253 = arith.constant 13 : index
    %get3A_1254 = memref.load %arg1[%get3A_1253] : memref<16xi32, #tpu.memory_space<smem>>
    %get3A_1255 = arith.constant 125 : index
    %get3A_1256 = arith.constant 0 : index
    %get3A_1257 = vector.load %arg4[%get3A_1255, %get3A_1256] : memref<128x128xf32, #tpu.memory_space<vmem>>, vector<1x128xf32>
    %add3A_1258 = arith.constant 14336 : i32
    %add3A_1259 = arith.addi %add3A_1258, %get3A_1254 : i32
    %swap3A_1260 = arith.index_cast %add3A_1259 : i32 to index
    %swap3A_1261 = arith.constant 0 : index
    %swap3A_1262 = vector.load %arg5[%swap3A_1260, %swap3A_1261] : memref<16384x128xf32, #tpu.memory_space<vmem>>, vector<1x128xf32>
    tpu.vector_store %arg5[%swap3A_1260, %swap3A_1261], %get3A_1257 {strides = array<i32>} : memref<16384x128xf32, #tpu.memory_space<vmem>>, vector<1x128xf32>,
    %get3A_1263 = arith.constant 14 : index
    %get3A_1264 = memref.load %arg1[%get3A_1263] : memref<16xi32, #tpu.memory_space<smem>>
    %get3A_1265 = arith.constant 126 : index
    %get3A_1266 = arith.constant 0 : index
    %get3A_1267 = vector.load %arg4[%get3A_1265, %get3A_1266] : memref<128x128xf32, #tpu.memory_space<vmem>>, vector<1x128xf32>
    %add3A_1268 = arith.constant 14336 : i32
    %add3A_1269 = arith.addi %add3A_1268, %get3A_1264 : i32
    %swap3A_1270 = arith.index_cast %add3A_1269 : i32 to index
    %swap3A_1271 = arith.constant 0 : index
    %swap3A_1272 = vector.load %arg5[%swap3A_1270, %swap3A_1271] : memref<16384x128xf32, #tpu.memory_space<vmem>>, vector<1x128xf32>
    tpu.vector_store %arg5[%swap3A_1270, %swap3A_1271], %get3A_1267 {strides = array<i32>} : memref<16384x128xf32, #tpu.memory_space<vmem>>, vector<1x128xf32>,
    %get3A_1273 = arith.constant 15 : index
    %get3A_1274 = memref.load %arg1[%get3A_1273] : memref<16xi32, #tpu.memory_space<smem>>
    %get3A_1275 = arith.constant 127 : index
    %get3A_1276 = arith.constant 0 : index
    %get3A_1277 = vector.load %arg4[%get3A_1275, %get3A_1276] : memref<128x128xf32, #tpu.memory_space<vmem>>, vector<1x128xf32>
    %add3A_1278 = arith.constant 14336 : i32
    %add3A_1279 = arith.addi %add3A_1278, %get3A_1274 : i32
    %swap3A_1280 = arith.index_cast %add3A_1279 : i32 to index
    %swap3A_1281 = arith.constant 0 : index
    %swap3A_1282 = vector.load %arg5[%swap3A_1280, %swap3A_1281] : memref<16384x128xf32, #tpu.memory_space<vmem>>, vector<1x128xf32>
    tpu.vector_store %arg5[%swap3A_1280, %swap3A_1281], %get3A_1277 {strides = array<i32>} : memref<16384x128xf32, #tpu.memory_space<vmem>>, vector<1x128xf32>,
    return
  }
  func.func @transform_0(%arg0: i32) -> i32 {
    %c0_i32 = arith.constant 0 : i32
    %c0_i32_0 = arith.constant 0 : i32
    return %c0_i32 : i32
  }
  func.func @transform_2(%arg0: i32) -> (i32, i32) {
    %add3A = arith.constant 2 : i32
    %add3A_0 = arith.addi %arg0, %add3A : i32
    %c0_i32 = arith.constant 0 : i32
    %c0_i32_1 = arith.constant 0 : i32
    return %add3A_0, %c0_i32 : i32, i32
  }
  func.func @transform_3(%arg0: i32) -> (i32, i32) {
    %add3A = arith.constant 2 : i32
    %add3A_0 = arith.addi %arg0, %add3A : i32
    %c0_i32 = arith.constant 0 : i32
    %c0_i32_1 = arith.constant 0 : i32
    return %add3A_0, %c0_i32 : i32, i32
  }
  func.func @transform_4(%arg0: i32) -> (i32, i32) {
    %add3A = arith.constant 2 : i32
    %add3A_0 = arith.addi %arg0, %add3A : i32
    %c0_i32 = arith.constant 0 : i32
    %c0_i32_1 = arith.constant 0 : i32
    return %add3A_0, %c0_i32 : i32, i32
  }
}

module attributes {stable_mosaic.version = 14 : i64} {
  func.func @_tc_body(%arg0: i32, %arg1: memref<16xi32, #tpu.memory_space<smem>>, %arg2: memref<16384x128xf32, #tpu.memory_space<vmem>>, %arg3: memref<128x128xf32, #tpu.memory_space<vmem>>, %arg4: memref<16384x128xf32, #tpu.memory_space<vmem>>) attributes {dimension_semantics = [#tpu.dimension_semantics<arbitrary>], iteration_bounds = array<i64: 16>, scalar_prefetch = 0 : i64, scratch_operands = 0 : i64, tpu.core_type = #tpu.core_type<tc>, window_params = [{transform_indices = @transform_0, window_bounds = array<i64: 16>}, {transform_indices = @transform_1, window_bounds = array<i64: 16384, 128>}, {transform_indices = @transform_2, window_bounds = array<i64: 128, 128>}, {transform_indices = @transform_3, window_bounds = array<i64: 16384, 128>}]} {
    %get3A = arith.constant 0 : index
    %get3A_0 = arith.constant 0 : index
    %get3A_1 = vector.load %arg2[%get3A, %get3A_0] : memref<16384x128xf32, #tpu.memory_space<vmem>>, vector<16384x128xf32>
    %swap3A = arith.constant 0 : index
    %swap3A_2 = arith.constant 0 : index
    %swap3A_3 = vector.load %arg4[%swap3A, %swap3A_2] : memref<16384x128xf32, #tpu.memory_space<vmem>>, vector<16384x128xf32>
    tpu.vector_store %arg4[%swap3A, %swap3A_2], %get3A_1 {strides = array<i32>} : memref<16384x128xf32, #tpu.memory_space<vmem>>, vector<16384x128xf32>,
    %get3A_4 = arith.constant 0 : index
    %get3A_5 = memref.load %arg1[%get3A_4] : memref<16xi32, #tpu.memory_space<smem>>
    %get3A_6 = arith.constant 0 : index
    %get3A_7 = arith.constant 0 : index
    %get3A_8 = vector.load %arg3[%get3A_6, %get3A_7] : memref<128x128xf32, #tpu.memory_space<vmem>>, vector<1x128xf32>
    %add3A = arith.constant 0 : i32
    %add3A_9 = arith.addi %add3A, %get3A_5 : i32
    %swap3A_10 = arith.index_cast %add3A_9 : i32 to index
    %swap3A_11 = arith.constant 0 : index
    %swap3A_12 = vector.load %arg4[%swap3A_10, %swap3A_11] : memref<16384x128xf32, #tpu.memory_space<vmem>>, vector<1x128xf32>
    tpu.vector_store %arg4[%swap3A_10, %swap3A_11], %get3A_8 {strides = array<i32>} : memref<16384x128xf32, #tpu.memory_space<vmem>>, vector<1x128xf32>,
    %get3A_13 = arith.constant 1 : index
    %get3A_14 = memref.load %arg1[%get3A_13] : memref<16xi32, #tpu.memory_space<smem>>
    %get3A_15 = arith.constant 1 : index
    %get3A_16 = arith.constant 0 : index
    %get3A_17 = vector.load %arg3[%get3A_15, %get3A_16] : memref<128x128xf32, #tpu.memory_space<vmem>>, vector<1x128xf32>
    %add3A_18 = arith.constant 0 : i32
    %add3A_19 = arith.addi %add3A_18, %get3A_14 : i32
    %swap3A_20 = arith.index_cast %add3A_19 : i32 to index
    %swap3A_21 = arith.constant 0 : index
    %swap3A_22 = vector.load %arg4[%swap3A_20, %swap3A_21] : memref<16384x128xf32, #tpu.memory_space<vmem>>, vector<1x128xf32>
    tpu.vector_store %arg4[%swap3A_20, %swap3A_21], %get3A_17 {strides = array<i32>} : memref<16384x128xf32, #tpu.memory_space<vmem>>, vector<1x128xf32>,
    %get3A_23 = arith.constant 2 : index
    %get3A_24 = memref.load %arg1[%get3A_23] : memref<16xi32, #tpu.memory_space<smem>>
    %get3A_25 = arith.constant 2 : index
    %get3A_26 = arith.constant 0 : index
    %get3A_27 = vector.load %arg3[%get3A_25, %get3A_26] : memref<128x128xf32, #tpu.memory_space<vmem>>, vector<1x128xf32>
    %add3A_28 = arith.constant 0 : i32
    %add3A_29 = arith.addi %add3A_28, %get3A_24 : i32
    %swap3A_30 = arith.index_cast %add3A_29 : i32 to index
    %swap3A_31 = arith.constant 0 : index
    %swap3A_32 = vector.load %arg4[%swap3A_30, %swap3A_31] : memref<16384x128xf32, #tpu.memory_space<vmem>>, vector<1x128xf32>
    tpu.vector_store %arg4[%swap3A_30, %swap3A_31], %get3A_27 {strides = array<i32>} : memref<16384x128xf32, #tpu.memory_space<vmem>>, vector<1x128xf32>,
    %get3A_33 = arith.constant 3 : index
    %get3A_34 = memref.load %arg1[%get3A_33] : memref<16xi32, #tpu.memory_space<smem>>
    %get3A_35 = arith.constant 3 : index
    %get3A_36 = arith.constant 0 : index
    %get3A_37 = vector.load %arg3[%get3A_35, %get3A_36] : memref<128x128xf32, #tpu.memory_space<vmem>>, vector<1x128xf32>
    %add3A_38 = arith.constant 0 : i32
    %add3A_39 = arith.addi %add3A_38, %get3A_34 : i32
    %swap3A_40 = arith.index_cast %add3A_39 : i32 to index
    %swap3A_41 = arith.constant 0 : index
    %swap3A_42 = vector.load %arg4[%swap3A_40, %swap3A_41] : memref<16384x128xf32, #tpu.memory_space<vmem>>, vector<1x128xf32>
    tpu.vector_store %arg4[%swap3A_40, %swap3A_41], %get3A_37 {strides = array<i32>} : memref<16384x128xf32, #tpu.memory_space<vmem>>, vector<1x128xf32>,
    %get3A_43 = arith.constant 4 : index
    %get3A_44 = memref.load %arg1[%get3A_43] : memref<16xi32, #tpu.memory_space<smem>>
    %get3A_45 = arith.constant 4 : index
    %get3A_46 = arith.constant 0 : index
    %get3A_47 = vector.load %arg3[%get3A_45, %get3A_46] : memref<128x128xf32, #tpu.memory_space<vmem>>, vector<1x128xf32>
    %add3A_48 = arith.constant 0 : i32
    %add3A_49 = arith.addi %add3A_48, %get3A_44 : i32
    %swap3A_50 = arith.index_cast %add3A_49 : i32 to index
    %swap3A_51 = arith.constant 0 : index
    %swap3A_52 = vector.load %arg4[%swap3A_50, %swap3A_51] : memref<16384x128xf32, #tpu.memory_space<vmem>>, vector<1x128xf32>
    tpu.vector_store %arg4[%swap3A_50, %swap3A_51], %get3A_47 {strides = array<i32>} : memref<16384x128xf32, #tpu.memory_space<vmem>>, vector<1x128xf32>,
    %get3A_53 = arith.constant 5 : index
    %get3A_54 = memref.load %arg1[%get3A_53] : memref<16xi32, #tpu.memory_space<smem>>
    %get3A_55 = arith.constant 5 : index
    %get3A_56 = arith.constant 0 : index
    %get3A_57 = vector.load %arg3[%get3A_55, %get3A_56] : memref<128x128xf32, #tpu.memory_space<vmem>>, vector<1x128xf32>
    %add3A_58 = arith.constant 0 : i32
    %add3A_59 = arith.addi %add3A_58, %get3A_54 : i32
    %swap3A_60 = arith.index_cast %add3A_59 : i32 to index
    %swap3A_61 = arith.constant 0 : index
    %swap3A_62 = vector.load %arg4[%swap3A_60, %swap3A_61] : memref<16384x128xf32, #tpu.memory_space<vmem>>, vector<1x128xf32>
    tpu.vector_store %arg4[%swap3A_60, %swap3A_61], %get3A_57 {strides = array<i32>} : memref<16384x128xf32, #tpu.memory_space<vmem>>, vector<1x128xf32>,
    %get3A_63 = arith.constant 6 : index
    %get3A_64 = memref.load %arg1[%get3A_63] : memref<16xi32, #tpu.memory_space<smem>>
    %get3A_65 = arith.constant 6 : index
    %get3A_66 = arith.constant 0 : index
    %get3A_67 = vector.load %arg3[%get3A_65, %get3A_66] : memref<128x128xf32, #tpu.memory_space<vmem>>, vector<1x128xf32>
    %add3A_68 = arith.constant 0 : i32
    %add3A_69 = arith.addi %add3A_68, %get3A_64 : i32
    %swap3A_70 = arith.index_cast %add3A_69 : i32 to index
    %swap3A_71 = arith.constant 0 : index
    %swap3A_72 = vector.load %arg4[%swap3A_70, %swap3A_71] : memref<16384x128xf32, #tpu.memory_space<vmem>>, vector<1x128xf32>
    tpu.vector_store %arg4[%swap3A_70, %swap3A_71], %get3A_67 {strides = array<i32>} : memref<16384x128xf32, #tpu.memory_space<vmem>>, vector<1x128xf32>,
    %get3A_73 = arith.constant 7 : index
    %get3A_74 = memref.load %arg1[%get3A_73] : memref<16xi32, #tpu.memory_space<smem>>
    %get3A_75 = arith.constant 7 : index
    %get3A_76 = arith.constant 0 : index
    %get3A_77 = vector.load %arg3[%get3A_75, %get3A_76] : memref<128x128xf32, #tpu.memory_space<vmem>>, vector<1x128xf32>
    %add3A_78 = arith.constant 0 : i32
    %add3A_79 = arith.addi %add3A_78, %get3A_74 : i32
    %swap3A_80 = arith.index_cast %add3A_79 : i32 to index
    %swap3A_81 = arith.constant 0 : index
    %swap3A_82 = vector.load %arg4[%swap3A_80, %swap3A_81] : memref<16384x128xf32, #tpu.memory_space<vmem>>, vector<1x128xf32>
    tpu.vector_store %arg4[%swap3A_80, %swap3A_81], %get3A_77 {strides = array<i32>} : memref<16384x128xf32, #tpu.memory_space<vmem>>, vector<1x128xf32>,
    %get3A_83 = arith.constant 8 : index
    %get3A_84 = memref.load %arg1[%get3A_83] : memref<16xi32, #tpu.memory_space<smem>>
    %get3A_85 = arith.constant 8 : index
    %get3A_86 = arith.constant 0 : index
    %get3A_87 = vector.load %arg3[%get3A_85, %get3A_86] : memref<128x128xf32, #tpu.memory_space<vmem>>, vector<1x128xf32>
    %add3A_88 = arith.constant 0 : i32
    %add3A_89 = arith.addi %add3A_88, %get3A_84 : i32
    %swap3A_90 = arith.index_cast %add3A_89 : i32 to index
    %swap3A_91 = arith.constant 0 : index
    %swap3A_92 = vector.load %arg4[%swap3A_90, %swap3A_91] : memref<16384x128xf32, #tpu.memory_space<vmem>>, vector<1x128xf32>
    tpu.vector_store %arg4[%swap3A_90, %swap3A_91], %get3A_87 {strides = array<i32>} : memref<16384x128xf32, #tpu.memory_space<vmem>>, vector<1x128xf32>,
    %get3A_93 = arith.constant 9 : index
    %get3A_94 = memref.load %arg1[%get3A_93] : memref<16xi32, #tpu.memory_space<smem>>
    %get3A_95 = arith.constant 9 : index
    %get3A_96 = arith.constant 0 : index
    %get3A_97 = vector.load %arg3[%get3A_95, %get3A_96] : memref<128x128xf32, #tpu.memory_space<vmem>>, vector<1x128xf32>
    %add3A_98 = arith.constant 0 : i32
    %add3A_99 = arith.addi %add3A_98, %get3A_94 : i32
    %swap3A_100 = arith.index_cast %add3A_99 : i32 to index
    %swap3A_101 = arith.constant 0 : index
    %swap3A_102 = vector.load %arg4[%swap3A_100, %swap3A_101] : memref<16384x128xf32, #tpu.memory_space<vmem>>, vector<1x128xf32>
    tpu.vector_store %arg4[%swap3A_100, %swap3A_101], %get3A_97 {strides = array<i32>} : memref<16384x128xf32, #tpu.memory_space<vmem>>, vector<1x128xf32>,
    %get3A_103 = arith.constant 10 : index
    %get3A_104 = memref.load %arg1[%get3A_103] : memref<16xi32, #tpu.memory_space<smem>>
    %get3A_105 = arith.constant 10 : index
    %get3A_106 = arith.constant 0 : index
    %get3A_107 = vector.load %arg3[%get3A_105, %get3A_106] : memref<128x128xf32, #tpu.memory_space<vmem>>, vector<1x128xf32>
    %add3A_108 = arith.constant 0 : i32
    %add3A_109 = arith.addi %add3A_108, %get3A_104 : i32
    %swap3A_110 = arith.index_cast %add3A_109 : i32 to index
    %swap3A_111 = arith.constant 0 : index
    %swap3A_112 = vector.load %arg4[%swap3A_110, %swap3A_111] : memref<16384x128xf32, #tpu.memory_space<vmem>>, vector<1x128xf32>
    tpu.vector_store %arg4[%swap3A_110, %swap3A_111], %get3A_107 {strides = array<i32>} : memref<16384x128xf32, #tpu.memory_space<vmem>>, vector<1x128xf32>,
    %get3A_113 = arith.constant 11 : index
    %get3A_114 = memref.load %arg1[%get3A_113] : memref<16xi32, #tpu.memory_space<smem>>
    %get3A_115 = arith.constant 11 : index
    %get3A_116 = arith.constant 0 : index
    %get3A_117 = vector.load %arg3[%get3A_115, %get3A_116] : memref<128x128xf32, #tpu.memory_space<vmem>>, vector<1x128xf32>
    %add3A_118 = arith.constant 0 : i32
    %add3A_119 = arith.addi %add3A_118, %get3A_114 : i32
    %swap3A_120 = arith.index_cast %add3A_119 : i32 to index
    %swap3A_121 = arith.constant 0 : index
    %swap3A_122 = vector.load %arg4[%swap3A_120, %swap3A_121] : memref<16384x128xf32, #tpu.memory_space<vmem>>, vector<1x128xf32>
    tpu.vector_store %arg4[%swap3A_120, %swap3A_121], %get3A_117 {strides = array<i32>} : memref<16384x128xf32, #tpu.memory_space<vmem>>, vector<1x128xf32>,
    %get3A_123 = arith.constant 12 : index
    %get3A_124 = memref.load %arg1[%get3A_123] : memref<16xi32, #tpu.memory_space<smem>>
    %get3A_125 = arith.constant 12 : index
    %get3A_126 = arith.constant 0 : index
    %get3A_127 = vector.load %arg3[%get3A_125, %get3A_126] : memref<128x128xf32, #tpu.memory_space<vmem>>, vector<1x128xf32>
    %add3A_128 = arith.constant 0 : i32
    %add3A_129 = arith.addi %add3A_128, %get3A_124 : i32
    %swap3A_130 = arith.index_cast %add3A_129 : i32 to index
    %swap3A_131 = arith.constant 0 : index
    %swap3A_132 = vector.load %arg4[%swap3A_130, %swap3A_131] : memref<16384x128xf32, #tpu.memory_space<vmem>>, vector<1x128xf32>
    tpu.vector_store %arg4[%swap3A_130, %swap3A_131], %get3A_127 {strides = array<i32>} : memref<16384x128xf32, #tpu.memory_space<vmem>>, vector<1x128xf32>,
    %get3A_133 = arith.constant 13 : index
    %get3A_134 = memref.load %arg1[%get3A_133] : memref<16xi32, #tpu.memory_space<smem>>
    %get3A_135 = arith.constant 13 : index
    %get3A_136 = arith.constant 0 : index
    %get3A_137 = vector.load %arg3[%get3A_135, %get3A_136] : memref<128x128xf32, #tpu.memory_space<vmem>>, vector<1x128xf32>
    %add3A_138 = arith.constant 0 : i32
    %add3A_139 = arith.addi %add3A_138, %get3A_134 : i32
    %swap3A_140 = arith.index_cast %add3A_139 : i32 to index
    %swap3A_141 = arith.constant 0 : index
    %swap3A_142 = vector.load %arg4[%swap3A_140, %swap3A_141] : memref<16384x128xf32, #tpu.memory_space<vmem>>, vector<1x128xf32>
    tpu.vector_store %arg4[%swap3A_140, %swap3A_141], %get3A_137 {strides = array<i32>} : memref<16384x128xf32, #tpu.memory_space<vmem>>, vector<1x128xf32>,
    %get3A_143 = arith.constant 14 : index
    %get3A_144 = memref.load %arg1[%get3A_143] : memref<16xi32, #tpu.memory_space<smem>>
    %get3A_145 = arith.constant 14 : index
    %get3A_146 = arith.constant 0 : index
    %get3A_147 = vector.load %arg3[%get3A_145, %get3A_146] : memref<128x128xf32, #tpu.memory_space<vmem>>, vector<1x128xf32>
    %add3A_148 = arith.constant 0 : i32
    %add3A_149 = arith.addi %add3A_148, %get3A_144 : i32
    %swap3A_150 = arith.index_cast %add3A_149 : i32 to index
    %swap3A_151 = arith.constant 0 : index
    %swap3A_152 = vector.load %arg4[%swap3A_150, %swap3A_151] : memref<16384x128xf32, #tpu.memory_space<vmem>>, vector<1x128xf32>
    tpu.vector_store %arg4[%swap3A_150, %swap3A_151], %get3A_147 {strides = array<i32>} : memref<16384x128xf32, #tpu.memory_space<vmem>>, vector<1x128xf32>,
    %get3A_153 = arith.constant 15 : index
    %get3A_154 = memref.load %arg1[%get3A_153] : memref<16xi32, #tpu.memory_space<smem>>
    %get3A_155 = arith.constant 15 : index
    %get3A_156 = arith.constant 0 : index
    %get3A_157 = vector.load %arg3[%get3A_155, %get3A_156] : memref<128x128xf32, #tpu.memory_space<vmem>>, vector<1x128xf32>
    %add3A_158 = arith.constant 0 : i32
    %add3A_159 = arith.addi %add3A_158, %get3A_154 : i32
    %swap3A_160 = arith.index_cast %add3A_159 : i32 to index
    %swap3A_161 = arith.constant 0 : index
    %swap3A_162 = vector.load %arg4[%swap3A_160, %swap3A_161] : memref<16384x128xf32, #tpu.memory_space<vmem>>, vector<1x128xf32>
    tpu.vector_store %arg4[%swap3A_160, %swap3A_161], %get3A_157 {strides = array<i32>} : memref<16384x128xf32, #tpu.memory_space<vmem>>, vector<1x128xf32>,
    %get3A_163 = arith.constant 0 : index
    %get3A_164 = memref.load %arg1[%get3A_163] : memref<16xi32, #tpu.memory_space<smem>>
    %get3A_165 = arith.constant 16 : index
    %get3A_166 = arith.constant 0 : index
    %get3A_167 = vector.load %arg3[%get3A_165, %get3A_166] : memref<128x128xf32, #tpu.memory_space<vmem>>, vector<1x128xf32>
    %add3A_168 = arith.constant 2048 : i32
    %add3A_169 = arith.addi %add3A_168, %get3A_164 : i32
    %swap3A_170 = arith.index_cast %add3A_169 : i32 to index
    %swap3A_171 = arith.constant 0 : index
    %swap3A_172 = vector.load %arg4[%swap3A_170, %swap3A_171] : memref<16384x128xf32, #tpu.memory_space<vmem>>, vector<1x128xf32>
    tpu.vector_store %arg4[%swap3A_170, %swap3A_171], %get3A_167 {strides = array<i32>} : memref<16384x128xf32, #tpu.memory_space<vmem>>, vector<1x128xf32>,
    %get3A_173 = arith.constant 1 : index
    %get3A_174 = memref.load %arg1[%get3A_173] : memref<16xi32, #tpu.memory_space<smem>>
    %get3A_175 = arith.constant 17 : index
    %get3A_176 = arith.constant 0 : index
    %get3A_177 = vector.load %arg3[%get3A_175, %get3A_176] : memref<128x128xf32, #tpu.memory_space<vmem>>, vector<1x128xf32>
    %add3A_178 = arith.constant 2048 : i32
    %add3A_179 = arith.addi %add3A_178, %get3A_174 : i32
    %swap3A_180 = arith.index_cast %add3A_179 : i32 to index
    %swap3A_181 = arith.constant 0 : index
    %swap3A_182 = vector.load %arg4[%swap3A_180, %swap3A_181] : memref<16384x128xf32, #tpu.memory_space<vmem>>, vector<1x128xf32>
    tpu.vector_store %arg4[%swap3A_180, %swap3A_181], %get3A_177 {strides = array<i32>} : memref<16384x128xf32, #tpu.memory_space<vmem>>, vector<1x128xf32>,
    %get3A_183 = arith.constant 2 : index
    %get3A_184 = memref.load %arg1[%get3A_183] : memref<16xi32, #tpu.memory_space<smem>>
    %get3A_185 = arith.constant 18 : index
    %get3A_186 = arith.constant 0 : index
    %get3A_187 = vector.load %arg3[%get3A_185, %get3A_186] : memref<128x128xf32, #tpu.memory_space<vmem>>, vector<1x128xf32>
    %add3A_188 = arith.constant 2048 : i32
    %add3A_189 = arith.addi %add3A_188, %get3A_184 : i32
    %swap3A_190 = arith.index_cast %add3A_189 : i32 to index
    %swap3A_191 = arith.constant 0 : index
    %swap3A_192 = vector.load %arg4[%swap3A_190, %swap3A_191] : memref<16384x128xf32, #tpu.memory_space<vmem>>, vector<1x128xf32>
    tpu.vector_store %arg4[%swap3A_190, %swap3A_191], %get3A_187 {strides = array<i32>} : memref<16384x128xf32, #tpu.memory_space<vmem>>, vector<1x128xf32>,
    %get3A_193 = arith.constant 3 : index
    %get3A_194 = memref.load %arg1[%get3A_193] : memref<16xi32, #tpu.memory_space<smem>>
    %get3A_195 = arith.constant 19 : index
    %get3A_196 = arith.constant 0 : index
    %get3A_197 = vector.load %arg3[%get3A_195, %get3A_196] : memref<128x128xf32, #tpu.memory_space<vmem>>, vector<1x128xf32>
    %add3A_198 = arith.constant 2048 : i32
    %add3A_199 = arith.addi %add3A_198, %get3A_194 : i32
    %swap3A_200 = arith.index_cast %add3A_199 : i32 to index
    %swap3A_201 = arith.constant 0 : index
    %swap3A_202 = vector.load %arg4[%swap3A_200, %swap3A_201] : memref<16384x128xf32, #tpu.memory_space<vmem>>, vector<1x128xf32>
    tpu.vector_store %arg4[%swap3A_200, %swap3A_201], %get3A_197 {strides = array<i32>} : memref<16384x128xf32, #tpu.memory_space<vmem>>, vector<1x128xf32>,
    %get3A_203 = arith.constant 4 : index
    %get3A_204 = memref.load %arg1[%get3A_203] : memref<16xi32, #tpu.memory_space<smem>>
    %get3A_205 = arith.constant 20 : index
    %get3A_206 = arith.constant 0 : index
    %get3A_207 = vector.load %arg3[%get3A_205, %get3A_206] : memref<128x128xf32, #tpu.memory_space<vmem>>, vector<1x128xf32>
    %add3A_208 = arith.constant 2048 : i32
    %add3A_209 = arith.addi %add3A_208, %get3A_204 : i32
    %swap3A_210 = arith.index_cast %add3A_209 : i32 to index
    %swap3A_211 = arith.constant 0 : index
    %swap3A_212 = vector.load %arg4[%swap3A_210, %swap3A_211] : memref<16384x128xf32, #tpu.memory_space<vmem>>, vector<1x128xf32>
    tpu.vector_store %arg4[%swap3A_210, %swap3A_211], %get3A_207 {strides = array<i32>} : memref<16384x128xf32, #tpu.memory_space<vmem>>, vector<1x128xf32>,
    %get3A_213 = arith.constant 5 : index
    %get3A_214 = memref.load %arg1[%get3A_213] : memref<16xi32, #tpu.memory_space<smem>>
    %get3A_215 = arith.constant 21 : index
    %get3A_216 = arith.constant 0 : index
    %get3A_217 = vector.load %arg3[%get3A_215, %get3A_216] : memref<128x128xf32, #tpu.memory_space<vmem>>, vector<1x128xf32>
    %add3A_218 = arith.constant 2048 : i32
    %add3A_219 = arith.addi %add3A_218, %get3A_214 : i32
    %swap3A_220 = arith.index_cast %add3A_219 : i32 to index
    %swap3A_221 = arith.constant 0 : index
    %swap3A_222 = vector.load %arg4[%swap3A_220, %swap3A_221] : memref<16384x128xf32, #tpu.memory_space<vmem>>, vector<1x128xf32>
    tpu.vector_store %arg4[%swap3A_220, %swap3A_221], %get3A_217 {strides = array<i32>} : memref<16384x128xf32, #tpu.memory_space<vmem>>, vector<1x128xf32>,
    %get3A_223 = arith.constant 6 : index
    %get3A_224 = memref.load %arg1[%get3A_223] : memref<16xi32, #tpu.memory_space<smem>>
    %get3A_225 = arith.constant 22 : index
    %get3A_226 = arith.constant 0 : index
    %get3A_227 = vector.load %arg3[%get3A_225, %get3A_226] : memref<128x128xf32, #tpu.memory_space<vmem>>, vector<1x128xf32>
    %add3A_228 = arith.constant 2048 : i32
    %add3A_229 = arith.addi %add3A_228, %get3A_224 : i32
    %swap3A_230 = arith.index_cast %add3A_229 : i32 to index
    %swap3A_231 = arith.constant 0 : index
    %swap3A_232 = vector.load %arg4[%swap3A_230, %swap3A_231] : memref<16384x128xf32, #tpu.memory_space<vmem>>, vector<1x128xf32>
    tpu.vector_store %arg4[%swap3A_230, %swap3A_231], %get3A_227 {strides = array<i32>} : memref<16384x128xf32, #tpu.memory_space<vmem>>, vector<1x128xf32>,
    %get3A_233 = arith.constant 7 : index
    %get3A_234 = memref.load %arg1[%get3A_233] : memref<16xi32, #tpu.memory_space<smem>>
    %get3A_235 = arith.constant 23 : index
    %get3A_236 = arith.constant 0 : index
    %get3A_237 = vector.load %arg3[%get3A_235, %get3A_236] : memref<128x128xf32, #tpu.memory_space<vmem>>, vector<1x128xf32>
    %add3A_238 = arith.constant 2048 : i32
    %add3A_239 = arith.addi %add3A_238, %get3A_234 : i32
    %swap3A_240 = arith.index_cast %add3A_239 : i32 to index
    %swap3A_241 = arith.constant 0 : index
    %swap3A_242 = vector.load %arg4[%swap3A_240, %swap3A_241] : memref<16384x128xf32, #tpu.memory_space<vmem>>, vector<1x128xf32>
    tpu.vector_store %arg4[%swap3A_240, %swap3A_241], %get3A_237 {strides = array<i32>} : memref<16384x128xf32, #tpu.memory_space<vmem>>, vector<1x128xf32>,
    %get3A_243 = arith.constant 8 : index
    %get3A_244 = memref.load %arg1[%get3A_243] : memref<16xi32, #tpu.memory_space<smem>>
    %get3A_245 = arith.constant 24 : index
    %get3A_246 = arith.constant 0 : index
    %get3A_247 = vector.load %arg3[%get3A_245, %get3A_246] : memref<128x128xf32, #tpu.memory_space<vmem>>, vector<1x128xf32>
    %add3A_248 = arith.constant 2048 : i32
    %add3A_249 = arith.addi %add3A_248, %get3A_244 : i32
    %swap3A_250 = arith.index_cast %add3A_249 : i32 to index
    %swap3A_251 = arith.constant 0 : index
    %swap3A_252 = vector.load %arg4[%swap3A_250, %swap3A_251] : memref<16384x128xf32, #tpu.memory_space<vmem>>, vector<1x128xf32>
    tpu.vector_store %arg4[%swap3A_250, %swap3A_251], %get3A_247 {strides = array<i32>} : memref<16384x128xf32, #tpu.memory_space<vmem>>, vector<1x128xf32>,
    %get3A_253 = arith.constant 9 : index
    %get3A_254 = memref.load %arg1[%get3A_253] : memref<16xi32, #tpu.memory_space<smem>>
    %get3A_255 = arith.constant 25 : index
    %get3A_256 = arith.constant 0 : index
    %get3A_257 = vector.load %arg3[%get3A_255, %get3A_256] : memref<128x128xf32, #tpu.memory_space<vmem>>, vector<1x128xf32>
    %add3A_258 = arith.constant 2048 : i32
    %add3A_259 = arith.addi %add3A_258, %get3A_254 : i32
    %swap3A_260 = arith.index_cast %add3A_259 : i32 to index
    %swap3A_261 = arith.constant 0 : index
    %swap3A_262 = vector.load %arg4[%swap3A_260, %swap3A_261] : memref<16384x128xf32, #tpu.memory_space<vmem>>, vector<1x128xf32>
    tpu.vector_store %arg4[%swap3A_260, %swap3A_261], %get3A_257 {strides = array<i32>} : memref<16384x128xf32, #tpu.memory_space<vmem>>, vector<1x128xf32>,
    %get3A_263 = arith.constant 10 : index
    %get3A_264 = memref.load %arg1[%get3A_263] : memref<16xi32, #tpu.memory_space<smem>>
    %get3A_265 = arith.constant 26 : index
    %get3A_266 = arith.constant 0 : index
    %get3A_267 = vector.load %arg3[%get3A_265, %get3A_266] : memref<128x128xf32, #tpu.memory_space<vmem>>, vector<1x128xf32>
    %add3A_268 = arith.constant 2048 : i32
    %add3A_269 = arith.addi %add3A_268, %get3A_264 : i32
    %swap3A_270 = arith.index_cast %add3A_269 : i32 to index
    %swap3A_271 = arith.constant 0 : index
    %swap3A_272 = vector.load %arg4[%swap3A_270, %swap3A_271] : memref<16384x128xf32, #tpu.memory_space<vmem>>, vector<1x128xf32>
    tpu.vector_store %arg4[%swap3A_270, %swap3A_271], %get3A_267 {strides = array<i32>} : memref<16384x128xf32, #tpu.memory_space<vmem>>, vector<1x128xf32>,
    %get3A_273 = arith.constant 11 : index
    %get3A_274 = memref.load %arg1[%get3A_273] : memref<16xi32, #tpu.memory_space<smem>>
    %get3A_275 = arith.constant 27 : index
    %get3A_276 = arith.constant 0 : index
    %get3A_277 = vector.load %arg3[%get3A_275, %get3A_276] : memref<128x128xf32, #tpu.memory_space<vmem>>, vector<1x128xf32>
    %add3A_278 = arith.constant 2048 : i32
    %add3A_279 = arith.addi %add3A_278, %get3A_274 : i32
    %swap3A_280 = arith.index_cast %add3A_279 : i32 to index
    %swap3A_281 = arith.constant 0 : index
    %swap3A_282 = vector.load %arg4[%swap3A_280, %swap3A_281] : memref<16384x128xf32, #tpu.memory_space<vmem>>, vector<1x128xf32>
    tpu.vector_store %arg4[%swap3A_280, %swap3A_281], %get3A_277 {strides = array<i32>} : memref<16384x128xf32, #tpu.memory_space<vmem>>, vector<1x128xf32>,
    %get3A_283 = arith.constant 12 : index
    %get3A_284 = memref.load %arg1[%get3A_283] : memref<16xi32, #tpu.memory_space<smem>>
    %get3A_285 = arith.constant 28 : index
    %get3A_286 = arith.constant 0 : index
    %get3A_287 = vector.load %arg3[%get3A_285, %get3A_286] : memref<128x128xf32, #tpu.memory_space<vmem>>, vector<1x128xf32>
    %add3A_288 = arith.constant 2048 : i32
    %add3A_289 = arith.addi %add3A_288, %get3A_284 : i32
    %swap3A_290 = arith.index_cast %add3A_289 : i32 to index
    %swap3A_291 = arith.constant 0 : index
    %swap3A_292 = vector.load %arg4[%swap3A_290, %swap3A_291] : memref<16384x128xf32, #tpu.memory_space<vmem>>, vector<1x128xf32>
    tpu.vector_store %arg4[%swap3A_290, %swap3A_291], %get3A_287 {strides = array<i32>} : memref<16384x128xf32, #tpu.memory_space<vmem>>, vector<1x128xf32>,
    %get3A_293 = arith.constant 13 : index
    %get3A_294 = memref.load %arg1[%get3A_293] : memref<16xi32, #tpu.memory_space<smem>>
    %get3A_295 = arith.constant 29 : index
    %get3A_296 = arith.constant 0 : index
    %get3A_297 = vector.load %arg3[%get3A_295, %get3A_296] : memref<128x128xf32, #tpu.memory_space<vmem>>, vector<1x128xf32>
    %add3A_298 = arith.constant 2048 : i32
    %add3A_299 = arith.addi %add3A_298, %get3A_294 : i32
    %swap3A_300 = arith.index_cast %add3A_299 : i32 to index
    %swap3A_301 = arith.constant 0 : index
    %swap3A_302 = vector.load %arg4[%swap3A_300, %swap3A_301] : memref<16384x128xf32, #tpu.memory_space<vmem>>, vector<1x128xf32>
    tpu.vector_store %arg4[%swap3A_300, %swap3A_301], %get3A_297 {strides = array<i32>} : memref<16384x128xf32, #tpu.memory_space<vmem>>, vector<1x128xf32>,
    %get3A_303 = arith.constant 14 : index
    %get3A_304 = memref.load %arg1[%get3A_303] : memref<16xi32, #tpu.memory_space<smem>>
    %get3A_305 = arith.constant 30 : index
    %get3A_306 = arith.constant 0 : index
    %get3A_307 = vector.load %arg3[%get3A_305, %get3A_306] : memref<128x128xf32, #tpu.memory_space<vmem>>, vector<1x128xf32>
    %add3A_308 = arith.constant 2048 : i32
    %add3A_309 = arith.addi %add3A_308, %get3A_304 : i32
    %swap3A_310 = arith.index_cast %add3A_309 : i32 to index
    %swap3A_311 = arith.constant 0 : index
    %swap3A_312 = vector.load %arg4[%swap3A_310, %swap3A_311] : memref<16384x128xf32, #tpu.memory_space<vmem>>, vector<1x128xf32>
    tpu.vector_store %arg4[%swap3A_310, %swap3A_311], %get3A_307 {strides = array<i32>} : memref<16384x128xf32, #tpu.memory_space<vmem>>, vector<1x128xf32>,
    %get3A_313 = arith.constant 15 : index
    %get3A_314 = memref.load %arg1[%get3A_313] : memref<16xi32, #tpu.memory_space<smem>>
    %get3A_315 = arith.constant 31 : index
    %get3A_316 = arith.constant 0 : index
    %get3A_317 = vector.load %arg3[%get3A_315, %get3A_316] : memref<128x128xf32, #tpu.memory_space<vmem>>, vector<1x128xf32>
    %add3A_318 = arith.constant 2048 : i32
    %add3A_319 = arith.addi %add3A_318, %get3A_314 : i32
    %swap3A_320 = arith.index_cast %add3A_319 : i32 to index
    %swap3A_321 = arith.constant 0 : index
    %swap3A_322 = vector.load %arg4[%swap3A_320, %swap3A_321] : memref<16384x128xf32, #tpu.memory_space<vmem>>, vector<1x128xf32>
    tpu.vector_store %arg4[%swap3A_320, %swap3A_321], %get3A_317 {strides = array<i32>} : memref<16384x128xf32, #tpu.memory_space<vmem>>, vector<1x128xf32>,
    %get3A_323 = arith.constant 0 : index
    %get3A_324 = memref.load %arg1[%get3A_323] : memref<16xi32, #tpu.memory_space<smem>>
    %get3A_325 = arith.constant 32 : index
    %get3A_326 = arith.constant 0 : index
    %get3A_327 = vector.load %arg3[%get3A_325, %get3A_326] : memref<128x128xf32, #tpu.memory_space<vmem>>, vector<1x128xf32>
    %add3A_328 = arith.constant 4096 : i32
    %add3A_329 = arith.addi %add3A_328, %get3A_324 : i32
    %swap3A_330 = arith.index_cast %add3A_329 : i32 to index
    %swap3A_331 = arith.constant 0 : index
    %swap3A_332 = vector.load %arg4[%swap3A_330, %swap3A_331] : memref<16384x128xf32, #tpu.memory_space<vmem>>, vector<1x128xf32>
    tpu.vector_store %arg4[%swap3A_330, %swap3A_331], %get3A_327 {strides = array<i32>} : memref<16384x128xf32, #tpu.memory_space<vmem>>, vector<1x128xf32>,
    %get3A_333 = arith.constant 1 : index
    %get3A_334 = memref.load %arg1[%get3A_333] : memref<16xi32, #tpu.memory_space<smem>>
    %get3A_335 = arith.constant 33 : index
    %get3A_336 = arith.constant 0 : index
    %get3A_337 = vector.load %arg3[%get3A_335, %get3A_336] : memref<128x128xf32, #tpu.memory_space<vmem>>, vector<1x128xf32>
    %add3A_338 = arith.constant 4096 : i32
    %add3A_339 = arith.addi %add3A_338, %get3A_334 : i32
    %swap3A_340 = arith.index_cast %add3A_339 : i32 to index
    %swap3A_341 = arith.constant 0 : index
    %swap3A_342 = vector.load %arg4[%swap3A_340, %swap3A_341] : memref<16384x128xf32, #tpu.memory_space<vmem>>, vector<1x128xf32>
    tpu.vector_store %arg4[%swap3A_340, %swap3A_341], %get3A_337 {strides = array<i32>} : memref<16384x128xf32, #tpu.memory_space<vmem>>, vector<1x128xf32>,
    %get3A_343 = arith.constant 2 : index
    %get3A_344 = memref.load %arg1[%get3A_343] : memref<16xi32, #tpu.memory_space<smem>>
    %get3A_345 = arith.constant 34 : index
    %get3A_346 = arith.constant 0 : index
    %get3A_347 = vector.load %arg3[%get3A_345, %get3A_346] : memref<128x128xf32, #tpu.memory_space<vmem>>, vector<1x128xf32>
    %add3A_348 = arith.constant 4096 : i32
    %add3A_349 = arith.addi %add3A_348, %get3A_344 : i32
    %swap3A_350 = arith.index_cast %add3A_349 : i32 to index
    %swap3A_351 = arith.constant 0 : index
    %swap3A_352 = vector.load %arg4[%swap3A_350, %swap3A_351] : memref<16384x128xf32, #tpu.memory_space<vmem>>, vector<1x128xf32>
    tpu.vector_store %arg4[%swap3A_350, %swap3A_351], %get3A_347 {strides = array<i32>} : memref<16384x128xf32, #tpu.memory_space<vmem>>, vector<1x128xf32>,
    %get3A_353 = arith.constant 3 : index
    %get3A_354 = memref.load %arg1[%get3A_353] : memref<16xi32, #tpu.memory_space<smem>>
    %get3A_355 = arith.constant 35 : index
    %get3A_356 = arith.constant 0 : index
    %get3A_357 = vector.load %arg3[%get3A_355, %get3A_356] : memref<128x128xf32, #tpu.memory_space<vmem>>, vector<1x128xf32>
    %add3A_358 = arith.constant 4096 : i32
    %add3A_359 = arith.addi %add3A_358, %get3A_354 : i32
    %swap3A_360 = arith.index_cast %add3A_359 : i32 to index
    %swap3A_361 = arith.constant 0 : index
    %swap3A_362 = vector.load %arg4[%swap3A_360, %swap3A_361] : memref<16384x128xf32, #tpu.memory_space<vmem>>, vector<1x128xf32>
    tpu.vector_store %arg4[%swap3A_360, %swap3A_361], %get3A_357 {strides = array<i32>} : memref<16384x128xf32, #tpu.memory_space<vmem>>, vector<1x128xf32>,
    %get3A_363 = arith.constant 4 : index
    %get3A_364 = memref.load %arg1[%get3A_363] : memref<16xi32, #tpu.memory_space<smem>>
    %get3A_365 = arith.constant 36 : index
    %get3A_366 = arith.constant 0 : index
    %get3A_367 = vector.load %arg3[%get3A_365, %get3A_366] : memref<128x128xf32, #tpu.memory_space<vmem>>, vector<1x128xf32>
    %add3A_368 = arith.constant 4096 : i32
    %add3A_369 = arith.addi %add3A_368, %get3A_364 : i32
    %swap3A_370 = arith.index_cast %add3A_369 : i32 to index
    %swap3A_371 = arith.constant 0 : index
    %swap3A_372 = vector.load %arg4[%swap3A_370, %swap3A_371] : memref<16384x128xf32, #tpu.memory_space<vmem>>, vector<1x128xf32>
    tpu.vector_store %arg4[%swap3A_370, %swap3A_371], %get3A_367 {strides = array<i32>} : memref<16384x128xf32, #tpu.memory_space<vmem>>, vector<1x128xf32>,
    %get3A_373 = arith.constant 5 : index
    %get3A_374 = memref.load %arg1[%get3A_373] : memref<16xi32, #tpu.memory_space<smem>>
    %get3A_375 = arith.constant 37 : index
    %get3A_376 = arith.constant 0 : index
    %get3A_377 = vector.load %arg3[%get3A_375, %get3A_376] : memref<128x128xf32, #tpu.memory_space<vmem>>, vector<1x128xf32>
    %add3A_378 = arith.constant 4096 : i32
    %add3A_379 = arith.addi %add3A_378, %get3A_374 : i32
    %swap3A_380 = arith.index_cast %add3A_379 : i32 to index
    %swap3A_381 = arith.constant 0 : index
    %swap3A_382 = vector.load %arg4[%swap3A_380, %swap3A_381] : memref<16384x128xf32, #tpu.memory_space<vmem>>, vector<1x128xf32>
    tpu.vector_store %arg4[%swap3A_380, %swap3A_381], %get3A_377 {strides = array<i32>} : memref<16384x128xf32, #tpu.memory_space<vmem>>, vector<1x128xf32>,
    %get3A_383 = arith.constant 6 : index
    %get3A_384 = memref.load %arg1[%get3A_383] : memref<16xi32, #tpu.memory_space<smem>>
    %get3A_385 = arith.constant 38 : index
    %get3A_386 = arith.constant 0 : index
    %get3A_387 = vector.load %arg3[%get3A_385, %get3A_386] : memref<128x128xf32, #tpu.memory_space<vmem>>, vector<1x128xf32>
    %add3A_388 = arith.constant 4096 : i32
    %add3A_389 = arith.addi %add3A_388, %get3A_384 : i32
    %swap3A_390 = arith.index_cast %add3A_389 : i32 to index
    %swap3A_391 = arith.constant 0 : index
    %swap3A_392 = vector.load %arg4[%swap3A_390, %swap3A_391] : memref<16384x128xf32, #tpu.memory_space<vmem>>, vector<1x128xf32>
    tpu.vector_store %arg4[%swap3A_390, %swap3A_391], %get3A_387 {strides = array<i32>} : memref<16384x128xf32, #tpu.memory_space<vmem>>, vector<1x128xf32>,
    %get3A_393 = arith.constant 7 : index
    %get3A_394 = memref.load %arg1[%get3A_393] : memref<16xi32, #tpu.memory_space<smem>>
    %get3A_395 = arith.constant 39 : index
    %get3A_396 = arith.constant 0 : index
    %get3A_397 = vector.load %arg3[%get3A_395, %get3A_396] : memref<128x128xf32, #tpu.memory_space<vmem>>, vector<1x128xf32>
    %add3A_398 = arith.constant 4096 : i32
    %add3A_399 = arith.addi %add3A_398, %get3A_394 : i32
    %swap3A_400 = arith.index_cast %add3A_399 : i32 to index
    %swap3A_401 = arith.constant 0 : index
    %swap3A_402 = vector.load %arg4[%swap3A_400, %swap3A_401] : memref<16384x128xf32, #tpu.memory_space<vmem>>, vector<1x128xf32>
    tpu.vector_store %arg4[%swap3A_400, %swap3A_401], %get3A_397 {strides = array<i32>} : memref<16384x128xf32, #tpu.memory_space<vmem>>, vector<1x128xf32>,
    %get3A_403 = arith.constant 8 : index
    %get3A_404 = memref.load %arg1[%get3A_403] : memref<16xi32, #tpu.memory_space<smem>>
    %get3A_405 = arith.constant 40 : index
    %get3A_406 = arith.constant 0 : index
    %get3A_407 = vector.load %arg3[%get3A_405, %get3A_406] : memref<128x128xf32, #tpu.memory_space<vmem>>, vector<1x128xf32>
    %add3A_408 = arith.constant 4096 : i32
    %add3A_409 = arith.addi %add3A_408, %get3A_404 : i32
    %swap3A_410 = arith.index_cast %add3A_409 : i32 to index
    %swap3A_411 = arith.constant 0 : index
    %swap3A_412 = vector.load %arg4[%swap3A_410, %swap3A_411] : memref<16384x128xf32, #tpu.memory_space<vmem>>, vector<1x128xf32>
    tpu.vector_store %arg4[%swap3A_410, %swap3A_411], %get3A_407 {strides = array<i32>} : memref<16384x128xf32, #tpu.memory_space<vmem>>, vector<1x128xf32>,
    %get3A_413 = arith.constant 9 : index
    %get3A_414 = memref.load %arg1[%get3A_413] : memref<16xi32, #tpu.memory_space<smem>>
    %get3A_415 = arith.constant 41 : index
    %get3A_416 = arith.constant 0 : index
    %get3A_417 = vector.load %arg3[%get3A_415, %get3A_416] : memref<128x128xf32, #tpu.memory_space<vmem>>, vector<1x128xf32>
    %add3A_418 = arith.constant 4096 : i32
    %add3A_419 = arith.addi %add3A_418, %get3A_414 : i32
    %swap3A_420 = arith.index_cast %add3A_419 : i32 to index
    %swap3A_421 = arith.constant 0 : index
    %swap3A_422 = vector.load %arg4[%swap3A_420, %swap3A_421] : memref<16384x128xf32, #tpu.memory_space<vmem>>, vector<1x128xf32>
    tpu.vector_store %arg4[%swap3A_420, %swap3A_421], %get3A_417 {strides = array<i32>} : memref<16384x128xf32, #tpu.memory_space<vmem>>, vector<1x128xf32>,
    %get3A_423 = arith.constant 10 : index
    %get3A_424 = memref.load %arg1[%get3A_423] : memref<16xi32, #tpu.memory_space<smem>>
    %get3A_425 = arith.constant 42 : index
    %get3A_426 = arith.constant 0 : index
    %get3A_427 = vector.load %arg3[%get3A_425, %get3A_426] : memref<128x128xf32, #tpu.memory_space<vmem>>, vector<1x128xf32>
    %add3A_428 = arith.constant 4096 : i32
    %add3A_429 = arith.addi %add3A_428, %get3A_424 : i32
    %swap3A_430 = arith.index_cast %add3A_429 : i32 to index
    %swap3A_431 = arith.constant 0 : index
    %swap3A_432 = vector.load %arg4[%swap3A_430, %swap3A_431] : memref<16384x128xf32, #tpu.memory_space<vmem>>, vector<1x128xf32>
    tpu.vector_store %arg4[%swap3A_430, %swap3A_431], %get3A_427 {strides = array<i32>} : memref<16384x128xf32, #tpu.memory_space<vmem>>, vector<1x128xf32>,
    %get3A_433 = arith.constant 11 : index
    %get3A_434 = memref.load %arg1[%get3A_433] : memref<16xi32, #tpu.memory_space<smem>>
    %get3A_435 = arith.constant 43 : index
    %get3A_436 = arith.constant 0 : index
    %get3A_437 = vector.load %arg3[%get3A_435, %get3A_436] : memref<128x128xf32, #tpu.memory_space<vmem>>, vector<1x128xf32>
    %add3A_438 = arith.constant 4096 : i32
    %add3A_439 = arith.addi %add3A_438, %get3A_434 : i32
    %swap3A_440 = arith.index_cast %add3A_439 : i32 to index
    %swap3A_441 = arith.constant 0 : index
    %swap3A_442 = vector.load %arg4[%swap3A_440, %swap3A_441] : memref<16384x128xf32, #tpu.memory_space<vmem>>, vector<1x128xf32>
    tpu.vector_store %arg4[%swap3A_440, %swap3A_441], %get3A_437 {strides = array<i32>} : memref<16384x128xf32, #tpu.memory_space<vmem>>, vector<1x128xf32>,
    %get3A_443 = arith.constant 12 : index
    %get3A_444 = memref.load %arg1[%get3A_443] : memref<16xi32, #tpu.memory_space<smem>>
    %get3A_445 = arith.constant 44 : index
    %get3A_446 = arith.constant 0 : index
    %get3A_447 = vector.load %arg3[%get3A_445, %get3A_446] : memref<128x128xf32, #tpu.memory_space<vmem>>, vector<1x128xf32>
    %add3A_448 = arith.constant 4096 : i32
    %add3A_449 = arith.addi %add3A_448, %get3A_444 : i32
    %swap3A_450 = arith.index_cast %add3A_449 : i32 to index
    %swap3A_451 = arith.constant 0 : index
    %swap3A_452 = vector.load %arg4[%swap3A_450, %swap3A_451] : memref<16384x128xf32, #tpu.memory_space<vmem>>, vector<1x128xf32>
    tpu.vector_store %arg4[%swap3A_450, %swap3A_451], %get3A_447 {strides = array<i32>} : memref<16384x128xf32, #tpu.memory_space<vmem>>, vector<1x128xf32>,
    %get3A_453 = arith.constant 13 : index
    %get3A_454 = memref.load %arg1[%get3A_453] : memref<16xi32, #tpu.memory_space<smem>>
    %get3A_455 = arith.constant 45 : index
    %get3A_456 = arith.constant 0 : index
    %get3A_457 = vector.load %arg3[%get3A_455, %get3A_456] : memref<128x128xf32, #tpu.memory_space<vmem>>, vector<1x128xf32>
    %add3A_458 = arith.constant 4096 : i32
    %add3A_459 = arith.addi %add3A_458, %get3A_454 : i32
    %swap3A_460 = arith.index_cast %add3A_459 : i32 to index
    %swap3A_461 = arith.constant 0 : index
    %swap3A_462 = vector.load %arg4[%swap3A_460, %swap3A_461] : memref<16384x128xf32, #tpu.memory_space<vmem>>, vector<1x128xf32>
    tpu.vector_store %arg4[%swap3A_460, %swap3A_461], %get3A_457 {strides = array<i32>} : memref<16384x128xf32, #tpu.memory_space<vmem>>, vector<1x128xf32>,
    %get3A_463 = arith.constant 14 : index
    %get3A_464 = memref.load %arg1[%get3A_463] : memref<16xi32, #tpu.memory_space<smem>>
    %get3A_465 = arith.constant 46 : index
    %get3A_466 = arith.constant 0 : index
    %get3A_467 = vector.load %arg3[%get3A_465, %get3A_466] : memref<128x128xf32, #tpu.memory_space<vmem>>, vector<1x128xf32>
    %add3A_468 = arith.constant 4096 : i32
    %add3A_469 = arith.addi %add3A_468, %get3A_464 : i32
    %swap3A_470 = arith.index_cast %add3A_469 : i32 to index
    %swap3A_471 = arith.constant 0 : index
    %swap3A_472 = vector.load %arg4[%swap3A_470, %swap3A_471] : memref<16384x128xf32, #tpu.memory_space<vmem>>, vector<1x128xf32>
    tpu.vector_store %arg4[%swap3A_470, %swap3A_471], %get3A_467 {strides = array<i32>} : memref<16384x128xf32, #tpu.memory_space<vmem>>, vector<1x128xf32>,
    %get3A_473 = arith.constant 15 : index
    %get3A_474 = memref.load %arg1[%get3A_473] : memref<16xi32, #tpu.memory_space<smem>>
    %get3A_475 = arith.constant 47 : index
    %get3A_476 = arith.constant 0 : index
    %get3A_477 = vector.load %arg3[%get3A_475, %get3A_476] : memref<128x128xf32, #tpu.memory_space<vmem>>, vector<1x128xf32>
    %add3A_478 = arith.constant 4096 : i32
    %add3A_479 = arith.addi %add3A_478, %get3A_474 : i32
    %swap3A_480 = arith.index_cast %add3A_479 : i32 to index
    %swap3A_481 = arith.constant 0 : index
    %swap3A_482 = vector.load %arg4[%swap3A_480, %swap3A_481] : memref<16384x128xf32, #tpu.memory_space<vmem>>, vector<1x128xf32>
    tpu.vector_store %arg4[%swap3A_480, %swap3A_481], %get3A_477 {strides = array<i32>} : memref<16384x128xf32, #tpu.memory_space<vmem>>, vector<1x128xf32>,
    %get3A_483 = arith.constant 0 : index
    %get3A_484 = memref.load %arg1[%get3A_483] : memref<16xi32, #tpu.memory_space<smem>>
    %get3A_485 = arith.constant 48 : index
    %get3A_486 = arith.constant 0 : index
    %get3A_487 = vector.load %arg3[%get3A_485, %get3A_486] : memref<128x128xf32, #tpu.memory_space<vmem>>, vector<1x128xf32>
    %add3A_488 = arith.constant 6144 : i32
    %add3A_489 = arith.addi %add3A_488, %get3A_484 : i32
    %swap3A_490 = arith.index_cast %add3A_489 : i32 to index
    %swap3A_491 = arith.constant 0 : index
    %swap3A_492 = vector.load %arg4[%swap3A_490, %swap3A_491] : memref<16384x128xf32, #tpu.memory_space<vmem>>, vector<1x128xf32>
    tpu.vector_store %arg4[%swap3A_490, %swap3A_491], %get3A_487 {strides = array<i32>} : memref<16384x128xf32, #tpu.memory_space<vmem>>, vector<1x128xf32>,
    %get3A_493 = arith.constant 1 : index
    %get3A_494 = memref.load %arg1[%get3A_493] : memref<16xi32, #tpu.memory_space<smem>>
    %get3A_495 = arith.constant 49 : index
    %get3A_496 = arith.constant 0 : index
    %get3A_497 = vector.load %arg3[%get3A_495, %get3A_496] : memref<128x128xf32, #tpu.memory_space<vmem>>, vector<1x128xf32>
    %add3A_498 = arith.constant 6144 : i32
    %add3A_499 = arith.addi %add3A_498, %get3A_494 : i32
    %swap3A_500 = arith.index_cast %add3A_499 : i32 to index
    %swap3A_501 = arith.constant 0 : index
    %swap3A_502 = vector.load %arg4[%swap3A_500, %swap3A_501] : memref<16384x128xf32, #tpu.memory_space<vmem>>, vector<1x128xf32>
    tpu.vector_store %arg4[%swap3A_500, %swap3A_501], %get3A_497 {strides = array<i32>} : memref<16384x128xf32, #tpu.memory_space<vmem>>, vector<1x128xf32>,
    %get3A_503 = arith.constant 2 : index
    %get3A_504 = memref.load %arg1[%get3A_503] : memref<16xi32, #tpu.memory_space<smem>>
    %get3A_505 = arith.constant 50 : index
    %get3A_506 = arith.constant 0 : index
    %get3A_507 = vector.load %arg3[%get3A_505, %get3A_506] : memref<128x128xf32, #tpu.memory_space<vmem>>, vector<1x128xf32>
    %add3A_508 = arith.constant 6144 : i32
    %add3A_509 = arith.addi %add3A_508, %get3A_504 : i32
    %swap3A_510 = arith.index_cast %add3A_509 : i32 to index
    %swap3A_511 = arith.constant 0 : index
    %swap3A_512 = vector.load %arg4[%swap3A_510, %swap3A_511] : memref<16384x128xf32, #tpu.memory_space<vmem>>, vector<1x128xf32>
    tpu.vector_store %arg4[%swap3A_510, %swap3A_511], %get3A_507 {strides = array<i32>} : memref<16384x128xf32, #tpu.memory_space<vmem>>, vector<1x128xf32>,
    %get3A_513 = arith.constant 3 : index
    %get3A_514 = memref.load %arg1[%get3A_513] : memref<16xi32, #tpu.memory_space<smem>>
    %get3A_515 = arith.constant 51 : index
    %get3A_516 = arith.constant 0 : index
    %get3A_517 = vector.load %arg3[%get3A_515, %get3A_516] : memref<128x128xf32, #tpu.memory_space<vmem>>, vector<1x128xf32>
    %add3A_518 = arith.constant 6144 : i32
    %add3A_519 = arith.addi %add3A_518, %get3A_514 : i32
    %swap3A_520 = arith.index_cast %add3A_519 : i32 to index
    %swap3A_521 = arith.constant 0 : index
    %swap3A_522 = vector.load %arg4[%swap3A_520, %swap3A_521] : memref<16384x128xf32, #tpu.memory_space<vmem>>, vector<1x128xf32>
    tpu.vector_store %arg4[%swap3A_520, %swap3A_521], %get3A_517 {strides = array<i32>} : memref<16384x128xf32, #tpu.memory_space<vmem>>, vector<1x128xf32>,
    %get3A_523 = arith.constant 4 : index
    %get3A_524 = memref.load %arg1[%get3A_523] : memref<16xi32, #tpu.memory_space<smem>>
    %get3A_525 = arith.constant 52 : index
    %get3A_526 = arith.constant 0 : index
    %get3A_527 = vector.load %arg3[%get3A_525, %get3A_526] : memref<128x128xf32, #tpu.memory_space<vmem>>, vector<1x128xf32>
    %add3A_528 = arith.constant 6144 : i32
    %add3A_529 = arith.addi %add3A_528, %get3A_524 : i32
    %swap3A_530 = arith.index_cast %add3A_529 : i32 to index
    %swap3A_531 = arith.constant 0 : index
    %swap3A_532 = vector.load %arg4[%swap3A_530, %swap3A_531] : memref<16384x128xf32, #tpu.memory_space<vmem>>, vector<1x128xf32>
    tpu.vector_store %arg4[%swap3A_530, %swap3A_531], %get3A_527 {strides = array<i32>} : memref<16384x128xf32, #tpu.memory_space<vmem>>, vector<1x128xf32>,
    %get3A_533 = arith.constant 5 : index
    %get3A_534 = memref.load %arg1[%get3A_533] : memref<16xi32, #tpu.memory_space<smem>>
    %get3A_535 = arith.constant 53 : index
    %get3A_536 = arith.constant 0 : index
    %get3A_537 = vector.load %arg3[%get3A_535, %get3A_536] : memref<128x128xf32, #tpu.memory_space<vmem>>, vector<1x128xf32>
    %add3A_538 = arith.constant 6144 : i32
    %add3A_539 = arith.addi %add3A_538, %get3A_534 : i32
    %swap3A_540 = arith.index_cast %add3A_539 : i32 to index
    %swap3A_541 = arith.constant 0 : index
    %swap3A_542 = vector.load %arg4[%swap3A_540, %swap3A_541] : memref<16384x128xf32, #tpu.memory_space<vmem>>, vector<1x128xf32>
    tpu.vector_store %arg4[%swap3A_540, %swap3A_541], %get3A_537 {strides = array<i32>} : memref<16384x128xf32, #tpu.memory_space<vmem>>, vector<1x128xf32>,
    %get3A_543 = arith.constant 6 : index
    %get3A_544 = memref.load %arg1[%get3A_543] : memref<16xi32, #tpu.memory_space<smem>>
    %get3A_545 = arith.constant 54 : index
    %get3A_546 = arith.constant 0 : index
    %get3A_547 = vector.load %arg3[%get3A_545, %get3A_546] : memref<128x128xf32, #tpu.memory_space<vmem>>, vector<1x128xf32>
    %add3A_548 = arith.constant 6144 : i32
    %add3A_549 = arith.addi %add3A_548, %get3A_544 : i32
    %swap3A_550 = arith.index_cast %add3A_549 : i32 to index
    %swap3A_551 = arith.constant 0 : index
    %swap3A_552 = vector.load %arg4[%swap3A_550, %swap3A_551] : memref<16384x128xf32, #tpu.memory_space<vmem>>, vector<1x128xf32>
    tpu.vector_store %arg4[%swap3A_550, %swap3A_551], %get3A_547 {strides = array<i32>} : memref<16384x128xf32, #tpu.memory_space<vmem>>, vector<1x128xf32>,
    %get3A_553 = arith.constant 7 : index
    %get3A_554 = memref.load %arg1[%get3A_553] : memref<16xi32, #tpu.memory_space<smem>>
    %get3A_555 = arith.constant 55 : index
    %get3A_556 = arith.constant 0 : index
    %get3A_557 = vector.load %arg3[%get3A_555, %get3A_556] : memref<128x128xf32, #tpu.memory_space<vmem>>, vector<1x128xf32>
    %add3A_558 = arith.constant 6144 : i32
    %add3A_559 = arith.addi %add3A_558, %get3A_554 : i32
    %swap3A_560 = arith.index_cast %add3A_559 : i32 to index
    %swap3A_561 = arith.constant 0 : index
    %swap3A_562 = vector.load %arg4[%swap3A_560, %swap3A_561] : memref<16384x128xf32, #tpu.memory_space<vmem>>, vector<1x128xf32>
    tpu.vector_store %arg4[%swap3A_560, %swap3A_561], %get3A_557 {strides = array<i32>} : memref<16384x128xf32, #tpu.memory_space<vmem>>, vector<1x128xf32>,
    %get3A_563 = arith.constant 8 : index
    %get3A_564 = memref.load %arg1[%get3A_563] : memref<16xi32, #tpu.memory_space<smem>>
    %get3A_565 = arith.constant 56 : index
    %get3A_566 = arith.constant 0 : index
    %get3A_567 = vector.load %arg3[%get3A_565, %get3A_566] : memref<128x128xf32, #tpu.memory_space<vmem>>, vector<1x128xf32>
    %add3A_568 = arith.constant 6144 : i32
    %add3A_569 = arith.addi %add3A_568, %get3A_564 : i32
    %swap3A_570 = arith.index_cast %add3A_569 : i32 to index
    %swap3A_571 = arith.constant 0 : index
    %swap3A_572 = vector.load %arg4[%swap3A_570, %swap3A_571] : memref<16384x128xf32, #tpu.memory_space<vmem>>, vector<1x128xf32>
    tpu.vector_store %arg4[%swap3A_570, %swap3A_571], %get3A_567 {strides = array<i32>} : memref<16384x128xf32, #tpu.memory_space<vmem>>, vector<1x128xf32>,
    %get3A_573 = arith.constant 9 : index
    %get3A_574 = memref.load %arg1[%get3A_573] : memref<16xi32, #tpu.memory_space<smem>>
    %get3A_575 = arith.constant 57 : index
    %get3A_576 = arith.constant 0 : index
    %get3A_577 = vector.load %arg3[%get3A_575, %get3A_576] : memref<128x128xf32, #tpu.memory_space<vmem>>, vector<1x128xf32>
    %add3A_578 = arith.constant 6144 : i32
    %add3A_579 = arith.addi %add3A_578, %get3A_574 : i32
    %swap3A_580 = arith.index_cast %add3A_579 : i32 to index
    %swap3A_581 = arith.constant 0 : index
    %swap3A_582 = vector.load %arg4[%swap3A_580, %swap3A_581] : memref<16384x128xf32, #tpu.memory_space<vmem>>, vector<1x128xf32>
    tpu.vector_store %arg4[%swap3A_580, %swap3A_581], %get3A_577 {strides = array<i32>} : memref<16384x128xf32, #tpu.memory_space<vmem>>, vector<1x128xf32>,
    %get3A_583 = arith.constant 10 : index
    %get3A_584 = memref.load %arg1[%get3A_583] : memref<16xi32, #tpu.memory_space<smem>>
    %get3A_585 = arith.constant 58 : index
    %get3A_586 = arith.constant 0 : index
    %get3A_587 = vector.load %arg3[%get3A_585, %get3A_586] : memref<128x128xf32, #tpu.memory_space<vmem>>, vector<1x128xf32>
    %add3A_588 = arith.constant 6144 : i32
    %add3A_589 = arith.addi %add3A_588, %get3A_584 : i32
    %swap3A_590 = arith.index_cast %add3A_589 : i32 to index
    %swap3A_591 = arith.constant 0 : index
    %swap3A_592 = vector.load %arg4[%swap3A_590, %swap3A_591] : memref<16384x128xf32, #tpu.memory_space<vmem>>, vector<1x128xf32>
    tpu.vector_store %arg4[%swap3A_590, %swap3A_591], %get3A_587 {strides = array<i32>} : memref<16384x128xf32, #tpu.memory_space<vmem>>, vector<1x128xf32>,
    %get3A_593 = arith.constant 11 : index
    %get3A_594 = memref.load %arg1[%get3A_593] : memref<16xi32, #tpu.memory_space<smem>>
    %get3A_595 = arith.constant 59 : index
    %get3A_596 = arith.constant 0 : index
    %get3A_597 = vector.load %arg3[%get3A_595, %get3A_596] : memref<128x128xf32, #tpu.memory_space<vmem>>, vector<1x128xf32>
    %add3A_598 = arith.constant 6144 : i32
    %add3A_599 = arith.addi %add3A_598, %get3A_594 : i32
    %swap3A_600 = arith.index_cast %add3A_599 : i32 to index
    %swap3A_601 = arith.constant 0 : index
    %swap3A_602 = vector.load %arg4[%swap3A_600, %swap3A_601] : memref<16384x128xf32, #tpu.memory_space<vmem>>, vector<1x128xf32>
    tpu.vector_store %arg4[%swap3A_600, %swap3A_601], %get3A_597 {strides = array<i32>} : memref<16384x128xf32, #tpu.memory_space<vmem>>, vector<1x128xf32>,
    %get3A_603 = arith.constant 12 : index
    %get3A_604 = memref.load %arg1[%get3A_603] : memref<16xi32, #tpu.memory_space<smem>>
    %get3A_605 = arith.constant 60 : index
    %get3A_606 = arith.constant 0 : index
    %get3A_607 = vector.load %arg3[%get3A_605, %get3A_606] : memref<128x128xf32, #tpu.memory_space<vmem>>, vector<1x128xf32>
    %add3A_608 = arith.constant 6144 : i32
    %add3A_609 = arith.addi %add3A_608, %get3A_604 : i32
    %swap3A_610 = arith.index_cast %add3A_609 : i32 to index
    %swap3A_611 = arith.constant 0 : index
    %swap3A_612 = vector.load %arg4[%swap3A_610, %swap3A_611] : memref<16384x128xf32, #tpu.memory_space<vmem>>, vector<1x128xf32>
    tpu.vector_store %arg4[%swap3A_610, %swap3A_611], %get3A_607 {strides = array<i32>} : memref<16384x128xf32, #tpu.memory_space<vmem>>, vector<1x128xf32>,
    %get3A_613 = arith.constant 13 : index
    %get3A_614 = memref.load %arg1[%get3A_613] : memref<16xi32, #tpu.memory_space<smem>>
    %get3A_615 = arith.constant 61 : index
    %get3A_616 = arith.constant 0 : index
    %get3A_617 = vector.load %arg3[%get3A_615, %get3A_616] : memref<128x128xf32, #tpu.memory_space<vmem>>, vector<1x128xf32>
    %add3A_618 = arith.constant 6144 : i32
    %add3A_619 = arith.addi %add3A_618, %get3A_614 : i32
    %swap3A_620 = arith.index_cast %add3A_619 : i32 to index
    %swap3A_621 = arith.constant 0 : index
    %swap3A_622 = vector.load %arg4[%swap3A_620, %swap3A_621] : memref<16384x128xf32, #tpu.memory_space<vmem>>, vector<1x128xf32>
    tpu.vector_store %arg4[%swap3A_620, %swap3A_621], %get3A_617 {strides = array<i32>} : memref<16384x128xf32, #tpu.memory_space<vmem>>, vector<1x128xf32>,
    %get3A_623 = arith.constant 14 : index
    %get3A_624 = memref.load %arg1[%get3A_623] : memref<16xi32, #tpu.memory_space<smem>>
    %get3A_625 = arith.constant 62 : index
    %get3A_626 = arith.constant 0 : index
    %get3A_627 = vector.load %arg3[%get3A_625, %get3A_626] : memref<128x128xf32, #tpu.memory_space<vmem>>, vector<1x128xf32>
    %add3A_628 = arith.constant 6144 : i32
    %add3A_629 = arith.addi %add3A_628, %get3A_624 : i32
    %swap3A_630 = arith.index_cast %add3A_629 : i32 to index
    %swap3A_631 = arith.constant 0 : index
    %swap3A_632 = vector.load %arg4[%swap3A_630, %swap3A_631] : memref<16384x128xf32, #tpu.memory_space<vmem>>, vector<1x128xf32>
    tpu.vector_store %arg4[%swap3A_630, %swap3A_631], %get3A_627 {strides = array<i32>} : memref<16384x128xf32, #tpu.memory_space<vmem>>, vector<1x128xf32>,
    %get3A_633 = arith.constant 15 : index
    %get3A_634 = memref.load %arg1[%get3A_633] : memref<16xi32, #tpu.memory_space<smem>>
    %get3A_635 = arith.constant 63 : index
    %get3A_636 = arith.constant 0 : index
    %get3A_637 = vector.load %arg3[%get3A_635, %get3A_636] : memref<128x128xf32, #tpu.memory_space<vmem>>, vector<1x128xf32>
    %add3A_638 = arith.constant 6144 : i32
    %add3A_639 = arith.addi %add3A_638, %get3A_634 : i32
    %swap3A_640 = arith.index_cast %add3A_639 : i32 to index
    %swap3A_641 = arith.constant 0 : index
    %swap3A_642 = vector.load %arg4[%swap3A_640, %swap3A_641] : memref<16384x128xf32, #tpu.memory_space<vmem>>, vector<1x128xf32>
    tpu.vector_store %arg4[%swap3A_640, %swap3A_641], %get3A_637 {strides = array<i32>} : memref<16384x128xf32, #tpu.memory_space<vmem>>, vector<1x128xf32>,
    %get3A_643 = arith.constant 0 : index
    %get3A_644 = memref.load %arg1[%get3A_643] : memref<16xi32, #tpu.memory_space<smem>>
    %get3A_645 = arith.constant 64 : index
    %get3A_646 = arith.constant 0 : index
    %get3A_647 = vector.load %arg3[%get3A_645, %get3A_646] : memref<128x128xf32, #tpu.memory_space<vmem>>, vector<1x128xf32>
    %add3A_648 = arith.constant 8192 : i32
    %add3A_649 = arith.addi %add3A_648, %get3A_644 : i32
    %swap3A_650 = arith.index_cast %add3A_649 : i32 to index
    %swap3A_651 = arith.constant 0 : index
    %swap3A_652 = vector.load %arg4[%swap3A_650, %swap3A_651] : memref<16384x128xf32, #tpu.memory_space<vmem>>, vector<1x128xf32>
    tpu.vector_store %arg4[%swap3A_650, %swap3A_651], %get3A_647 {strides = array<i32>} : memref<16384x128xf32, #tpu.memory_space<vmem>>, vector<1x128xf32>,
    %get3A_653 = arith.constant 1 : index
    %get3A_654 = memref.load %arg1[%get3A_653] : memref<16xi32, #tpu.memory_space<smem>>
    %get3A_655 = arith.constant 65 : index
    %get3A_656 = arith.constant 0 : index
    %get3A_657 = vector.load %arg3[%get3A_655, %get3A_656] : memref<128x128xf32, #tpu.memory_space<vmem>>, vector<1x128xf32>
    %add3A_658 = arith.constant 8192 : i32
    %add3A_659 = arith.addi %add3A_658, %get3A_654 : i32
    %swap3A_660 = arith.index_cast %add3A_659 : i32 to index
    %swap3A_661 = arith.constant 0 : index
    %swap3A_662 = vector.load %arg4[%swap3A_660, %swap3A_661] : memref<16384x128xf32, #tpu.memory_space<vmem>>, vector<1x128xf32>
    tpu.vector_store %arg4[%swap3A_660, %swap3A_661], %get3A_657 {strides = array<i32>} : memref<16384x128xf32, #tpu.memory_space<vmem>>, vector<1x128xf32>,
    %get3A_663 = arith.constant 2 : index
    %get3A_664 = memref.load %arg1[%get3A_663] : memref<16xi32, #tpu.memory_space<smem>>
    %get3A_665 = arith.constant 66 : index
    %get3A_666 = arith.constant 0 : index
    %get3A_667 = vector.load %arg3[%get3A_665, %get3A_666] : memref<128x128xf32, #tpu.memory_space<vmem>>, vector<1x128xf32>
    %add3A_668 = arith.constant 8192 : i32
    %add3A_669 = arith.addi %add3A_668, %get3A_664 : i32
    %swap3A_670 = arith.index_cast %add3A_669 : i32 to index
    %swap3A_671 = arith.constant 0 : index
    %swap3A_672 = vector.load %arg4[%swap3A_670, %swap3A_671] : memref<16384x128xf32, #tpu.memory_space<vmem>>, vector<1x128xf32>
    tpu.vector_store %arg4[%swap3A_670, %swap3A_671], %get3A_667 {strides = array<i32>} : memref<16384x128xf32, #tpu.memory_space<vmem>>, vector<1x128xf32>,
    %get3A_673 = arith.constant 3 : index
    %get3A_674 = memref.load %arg1[%get3A_673] : memref<16xi32, #tpu.memory_space<smem>>
    %get3A_675 = arith.constant 67 : index
    %get3A_676 = arith.constant 0 : index
    %get3A_677 = vector.load %arg3[%get3A_675, %get3A_676] : memref<128x128xf32, #tpu.memory_space<vmem>>, vector<1x128xf32>
    %add3A_678 = arith.constant 8192 : i32
    %add3A_679 = arith.addi %add3A_678, %get3A_674 : i32
    %swap3A_680 = arith.index_cast %add3A_679 : i32 to index
    %swap3A_681 = arith.constant 0 : index
    %swap3A_682 = vector.load %arg4[%swap3A_680, %swap3A_681] : memref<16384x128xf32, #tpu.memory_space<vmem>>, vector<1x128xf32>
    tpu.vector_store %arg4[%swap3A_680, %swap3A_681], %get3A_677 {strides = array<i32>} : memref<16384x128xf32, #tpu.memory_space<vmem>>, vector<1x128xf32>,
    %get3A_683 = arith.constant 4 : index
    %get3A_684 = memref.load %arg1[%get3A_683] : memref<16xi32, #tpu.memory_space<smem>>
    %get3A_685 = arith.constant 68 : index
    %get3A_686 = arith.constant 0 : index
    %get3A_687 = vector.load %arg3[%get3A_685, %get3A_686] : memref<128x128xf32, #tpu.memory_space<vmem>>, vector<1x128xf32>
    %add3A_688 = arith.constant 8192 : i32
    %add3A_689 = arith.addi %add3A_688, %get3A_684 : i32
    %swap3A_690 = arith.index_cast %add3A_689 : i32 to index
    %swap3A_691 = arith.constant 0 : index
    %swap3A_692 = vector.load %arg4[%swap3A_690, %swap3A_691] : memref<16384x128xf32, #tpu.memory_space<vmem>>, vector<1x128xf32>
    tpu.vector_store %arg4[%swap3A_690, %swap3A_691], %get3A_687 {strides = array<i32>} : memref<16384x128xf32, #tpu.memory_space<vmem>>, vector<1x128xf32>,
    %get3A_693 = arith.constant 5 : index
    %get3A_694 = memref.load %arg1[%get3A_693] : memref<16xi32, #tpu.memory_space<smem>>
    %get3A_695 = arith.constant 69 : index
    %get3A_696 = arith.constant 0 : index
    %get3A_697 = vector.load %arg3[%get3A_695, %get3A_696] : memref<128x128xf32, #tpu.memory_space<vmem>>, vector<1x128xf32>
    %add3A_698 = arith.constant 8192 : i32
    %add3A_699 = arith.addi %add3A_698, %get3A_694 : i32
    %swap3A_700 = arith.index_cast %add3A_699 : i32 to index
    %swap3A_701 = arith.constant 0 : index
    %swap3A_702 = vector.load %arg4[%swap3A_700, %swap3A_701] : memref<16384x128xf32, #tpu.memory_space<vmem>>, vector<1x128xf32>
    tpu.vector_store %arg4[%swap3A_700, %swap3A_701], %get3A_697 {strides = array<i32>} : memref<16384x128xf32, #tpu.memory_space<vmem>>, vector<1x128xf32>,
    %get3A_703 = arith.constant 6 : index
    %get3A_704 = memref.load %arg1[%get3A_703] : memref<16xi32, #tpu.memory_space<smem>>
    %get3A_705 = arith.constant 70 : index
    %get3A_706 = arith.constant 0 : index
    %get3A_707 = vector.load %arg3[%get3A_705, %get3A_706] : memref<128x128xf32, #tpu.memory_space<vmem>>, vector<1x128xf32>
    %add3A_708 = arith.constant 8192 : i32
    %add3A_709 = arith.addi %add3A_708, %get3A_704 : i32
    %swap3A_710 = arith.index_cast %add3A_709 : i32 to index
    %swap3A_711 = arith.constant 0 : index
    %swap3A_712 = vector.load %arg4[%swap3A_710, %swap3A_711] : memref<16384x128xf32, #tpu.memory_space<vmem>>, vector<1x128xf32>
    tpu.vector_store %arg4[%swap3A_710, %swap3A_711], %get3A_707 {strides = array<i32>} : memref<16384x128xf32, #tpu.memory_space<vmem>>, vector<1x128xf32>,
    %get3A_713 = arith.constant 7 : index
    %get3A_714 = memref.load %arg1[%get3A_713] : memref<16xi32, #tpu.memory_space<smem>>
    %get3A_715 = arith.constant 71 : index
    %get3A_716 = arith.constant 0 : index
    %get3A_717 = vector.load %arg3[%get3A_715, %get3A_716] : memref<128x128xf32, #tpu.memory_space<vmem>>, vector<1x128xf32>
    %add3A_718 = arith.constant 8192 : i32
    %add3A_719 = arith.addi %add3A_718, %get3A_714 : i32
    %swap3A_720 = arith.index_cast %add3A_719 : i32 to index
    %swap3A_721 = arith.constant 0 : index
    %swap3A_722 = vector.load %arg4[%swap3A_720, %swap3A_721] : memref<16384x128xf32, #tpu.memory_space<vmem>>, vector<1x128xf32>
    tpu.vector_store %arg4[%swap3A_720, %swap3A_721], %get3A_717 {strides = array<i32>} : memref<16384x128xf32, #tpu.memory_space<vmem>>, vector<1x128xf32>,
    %get3A_723 = arith.constant 8 : index
    %get3A_724 = memref.load %arg1[%get3A_723] : memref<16xi32, #tpu.memory_space<smem>>
    %get3A_725 = arith.constant 72 : index
    %get3A_726 = arith.constant 0 : index
    %get3A_727 = vector.load %arg3[%get3A_725, %get3A_726] : memref<128x128xf32, #tpu.memory_space<vmem>>, vector<1x128xf32>
    %add3A_728 = arith.constant 8192 : i32
    %add3A_729 = arith.addi %add3A_728, %get3A_724 : i32
    %swap3A_730 = arith.index_cast %add3A_729 : i32 to index
    %swap3A_731 = arith.constant 0 : index
    %swap3A_732 = vector.load %arg4[%swap3A_730, %swap3A_731] : memref<16384x128xf32, #tpu.memory_space<vmem>>, vector<1x128xf32>
    tpu.vector_store %arg4[%swap3A_730, %swap3A_731], %get3A_727 {strides = array<i32>} : memref<16384x128xf32, #tpu.memory_space<vmem>>, vector<1x128xf32>,
    %get3A_733 = arith.constant 9 : index
    %get3A_734 = memref.load %arg1[%get3A_733] : memref<16xi32, #tpu.memory_space<smem>>
    %get3A_735 = arith.constant 73 : index
    %get3A_736 = arith.constant 0 : index
    %get3A_737 = vector.load %arg3[%get3A_735, %get3A_736] : memref<128x128xf32, #tpu.memory_space<vmem>>, vector<1x128xf32>
    %add3A_738 = arith.constant 8192 : i32
    %add3A_739 = arith.addi %add3A_738, %get3A_734 : i32
    %swap3A_740 = arith.index_cast %add3A_739 : i32 to index
    %swap3A_741 = arith.constant 0 : index
    %swap3A_742 = vector.load %arg4[%swap3A_740, %swap3A_741] : memref<16384x128xf32, #tpu.memory_space<vmem>>, vector<1x128xf32>
    tpu.vector_store %arg4[%swap3A_740, %swap3A_741], %get3A_737 {strides = array<i32>} : memref<16384x128xf32, #tpu.memory_space<vmem>>, vector<1x128xf32>,
    %get3A_743 = arith.constant 10 : index
    %get3A_744 = memref.load %arg1[%get3A_743] : memref<16xi32, #tpu.memory_space<smem>>
    %get3A_745 = arith.constant 74 : index
    %get3A_746 = arith.constant 0 : index
    %get3A_747 = vector.load %arg3[%get3A_745, %get3A_746] : memref<128x128xf32, #tpu.memory_space<vmem>>, vector<1x128xf32>
    %add3A_748 = arith.constant 8192 : i32
    %add3A_749 = arith.addi %add3A_748, %get3A_744 : i32
    %swap3A_750 = arith.index_cast %add3A_749 : i32 to index
    %swap3A_751 = arith.constant 0 : index
    %swap3A_752 = vector.load %arg4[%swap3A_750, %swap3A_751] : memref<16384x128xf32, #tpu.memory_space<vmem>>, vector<1x128xf32>
    tpu.vector_store %arg4[%swap3A_750, %swap3A_751], %get3A_747 {strides = array<i32>} : memref<16384x128xf32, #tpu.memory_space<vmem>>, vector<1x128xf32>,
    %get3A_753 = arith.constant 11 : index
    %get3A_754 = memref.load %arg1[%get3A_753] : memref<16xi32, #tpu.memory_space<smem>>
    %get3A_755 = arith.constant 75 : index
    %get3A_756 = arith.constant 0 : index
    %get3A_757 = vector.load %arg3[%get3A_755, %get3A_756] : memref<128x128xf32, #tpu.memory_space<vmem>>, vector<1x128xf32>
    %add3A_758 = arith.constant 8192 : i32
    %add3A_759 = arith.addi %add3A_758, %get3A_754 : i32
    %swap3A_760 = arith.index_cast %add3A_759 : i32 to index
    %swap3A_761 = arith.constant 0 : index
    %swap3A_762 = vector.load %arg4[%swap3A_760, %swap3A_761] : memref<16384x128xf32, #tpu.memory_space<vmem>>, vector<1x128xf32>
    tpu.vector_store %arg4[%swap3A_760, %swap3A_761], %get3A_757 {strides = array<i32>} : memref<16384x128xf32, #tpu.memory_space<vmem>>, vector<1x128xf32>,
    %get3A_763 = arith.constant 12 : index
    %get3A_764 = memref.load %arg1[%get3A_763] : memref<16xi32, #tpu.memory_space<smem>>
    %get3A_765 = arith.constant 76 : index
    %get3A_766 = arith.constant 0 : index
    %get3A_767 = vector.load %arg3[%get3A_765, %get3A_766] : memref<128x128xf32, #tpu.memory_space<vmem>>, vector<1x128xf32>
    %add3A_768 = arith.constant 8192 : i32
    %add3A_769 = arith.addi %add3A_768, %get3A_764 : i32
    %swap3A_770 = arith.index_cast %add3A_769 : i32 to index
    %swap3A_771 = arith.constant 0 : index
    %swap3A_772 = vector.load %arg4[%swap3A_770, %swap3A_771] : memref<16384x128xf32, #tpu.memory_space<vmem>>, vector<1x128xf32>
    tpu.vector_store %arg4[%swap3A_770, %swap3A_771], %get3A_767 {strides = array<i32>} : memref<16384x128xf32, #tpu.memory_space<vmem>>, vector<1x128xf32>,
    %get3A_773 = arith.constant 13 : index
    %get3A_774 = memref.load %arg1[%get3A_773] : memref<16xi32, #tpu.memory_space<smem>>
    %get3A_775 = arith.constant 77 : index
    %get3A_776 = arith.constant 0 : index
    %get3A_777 = vector.load %arg3[%get3A_775, %get3A_776] : memref<128x128xf32, #tpu.memory_space<vmem>>, vector<1x128xf32>
    %add3A_778 = arith.constant 8192 : i32
    %add3A_779 = arith.addi %add3A_778, %get3A_774 : i32
    %swap3A_780 = arith.index_cast %add3A_779 : i32 to index
    %swap3A_781 = arith.constant 0 : index
    %swap3A_782 = vector.load %arg4[%swap3A_780, %swap3A_781] : memref<16384x128xf32, #tpu.memory_space<vmem>>, vector<1x128xf32>
    tpu.vector_store %arg4[%swap3A_780, %swap3A_781], %get3A_777 {strides = array<i32>} : memref<16384x128xf32, #tpu.memory_space<vmem>>, vector<1x128xf32>,
    %get3A_783 = arith.constant 14 : index
    %get3A_784 = memref.load %arg1[%get3A_783] : memref<16xi32, #tpu.memory_space<smem>>
    %get3A_785 = arith.constant 78 : index
    %get3A_786 = arith.constant 0 : index
    %get3A_787 = vector.load %arg3[%get3A_785, %get3A_786] : memref<128x128xf32, #tpu.memory_space<vmem>>, vector<1x128xf32>
    %add3A_788 = arith.constant 8192 : i32
    %add3A_789 = arith.addi %add3A_788, %get3A_784 : i32
    %swap3A_790 = arith.index_cast %add3A_789 : i32 to index
    %swap3A_791 = arith.constant 0 : index
    %swap3A_792 = vector.load %arg4[%swap3A_790, %swap3A_791] : memref<16384x128xf32, #tpu.memory_space<vmem>>, vector<1x128xf32>
    tpu.vector_store %arg4[%swap3A_790, %swap3A_791], %get3A_787 {strides = array<i32>} : memref<16384x128xf32, #tpu.memory_space<vmem>>, vector<1x128xf32>,
    %get3A_793 = arith.constant 15 : index
    %get3A_794 = memref.load %arg1[%get3A_793] : memref<16xi32, #tpu.memory_space<smem>>
    %get3A_795 = arith.constant 79 : index
    %get3A_796 = arith.constant 0 : index
    %get3A_797 = vector.load %arg3[%get3A_795, %get3A_796] : memref<128x128xf32, #tpu.memory_space<vmem>>, vector<1x128xf32>
    %add3A_798 = arith.constant 8192 : i32
    %add3A_799 = arith.addi %add3A_798, %get3A_794 : i32
    %swap3A_800 = arith.index_cast %add3A_799 : i32 to index
    %swap3A_801 = arith.constant 0 : index
    %swap3A_802 = vector.load %arg4[%swap3A_800, %swap3A_801] : memref<16384x128xf32, #tpu.memory_space<vmem>>, vector<1x128xf32>
    tpu.vector_store %arg4[%swap3A_800, %swap3A_801], %get3A_797 {strides = array<i32>} : memref<16384x128xf32, #tpu.memory_space<vmem>>, vector<1x128xf32>,
    %get3A_803 = arith.constant 0 : index
    %get3A_804 = memref.load %arg1[%get3A_803] : memref<16xi32, #tpu.memory_space<smem>>
    %get3A_805 = arith.constant 80 : index
    %get3A_806 = arith.constant 0 : index
    %get3A_807 = vector.load %arg3[%get3A_805, %get3A_806] : memref<128x128xf32, #tpu.memory_space<vmem>>, vector<1x128xf32>
    %add3A_808 = arith.constant 10240 : i32
    %add3A_809 = arith.addi %add3A_808, %get3A_804 : i32
    %swap3A_810 = arith.index_cast %add3A_809 : i32 to index
    %swap3A_811 = arith.constant 0 : index
    %swap3A_812 = vector.load %arg4[%swap3A_810, %swap3A_811] : memref<16384x128xf32, #tpu.memory_space<vmem>>, vector<1x128xf32>
    tpu.vector_store %arg4[%swap3A_810, %swap3A_811], %get3A_807 {strides = array<i32>} : memref<16384x128xf32, #tpu.memory_space<vmem>>, vector<1x128xf32>,
    %get3A_813 = arith.constant 1 : index
    %get3A_814 = memref.load %arg1[%get3A_813] : memref<16xi32, #tpu.memory_space<smem>>
    %get3A_815 = arith.constant 81 : index
    %get3A_816 = arith.constant 0 : index
    %get3A_817 = vector.load %arg3[%get3A_815, %get3A_816] : memref<128x128xf32, #tpu.memory_space<vmem>>, vector<1x128xf32>
    %add3A_818 = arith.constant 10240 : i32
    %add3A_819 = arith.addi %add3A_818, %get3A_814 : i32
    %swap3A_820 = arith.index_cast %add3A_819 : i32 to index
    %swap3A_821 = arith.constant 0 : index
    %swap3A_822 = vector.load %arg4[%swap3A_820, %swap3A_821] : memref<16384x128xf32, #tpu.memory_space<vmem>>, vector<1x128xf32>
    tpu.vector_store %arg4[%swap3A_820, %swap3A_821], %get3A_817 {strides = array<i32>} : memref<16384x128xf32, #tpu.memory_space<vmem>>, vector<1x128xf32>,
    %get3A_823 = arith.constant 2 : index
    %get3A_824 = memref.load %arg1[%get3A_823] : memref<16xi32, #tpu.memory_space<smem>>
    %get3A_825 = arith.constant 82 : index
    %get3A_826 = arith.constant 0 : index
    %get3A_827 = vector.load %arg3[%get3A_825, %get3A_826] : memref<128x128xf32, #tpu.memory_space<vmem>>, vector<1x128xf32>
    %add3A_828 = arith.constant 10240 : i32
    %add3A_829 = arith.addi %add3A_828, %get3A_824 : i32
    %swap3A_830 = arith.index_cast %add3A_829 : i32 to index
    %swap3A_831 = arith.constant 0 : index
    %swap3A_832 = vector.load %arg4[%swap3A_830, %swap3A_831] : memref<16384x128xf32, #tpu.memory_space<vmem>>, vector<1x128xf32>
    tpu.vector_store %arg4[%swap3A_830, %swap3A_831], %get3A_827 {strides = array<i32>} : memref<16384x128xf32, #tpu.memory_space<vmem>>, vector<1x128xf32>,
    %get3A_833 = arith.constant 3 : index
    %get3A_834 = memref.load %arg1[%get3A_833] : memref<16xi32, #tpu.memory_space<smem>>
    %get3A_835 = arith.constant 83 : index
    %get3A_836 = arith.constant 0 : index
    %get3A_837 = vector.load %arg3[%get3A_835, %get3A_836] : memref<128x128xf32, #tpu.memory_space<vmem>>, vector<1x128xf32>
    %add3A_838 = arith.constant 10240 : i32
    %add3A_839 = arith.addi %add3A_838, %get3A_834 : i32
    %swap3A_840 = arith.index_cast %add3A_839 : i32 to index
    %swap3A_841 = arith.constant 0 : index
    %swap3A_842 = vector.load %arg4[%swap3A_840, %swap3A_841] : memref<16384x128xf32, #tpu.memory_space<vmem>>, vector<1x128xf32>
    tpu.vector_store %arg4[%swap3A_840, %swap3A_841], %get3A_837 {strides = array<i32>} : memref<16384x128xf32, #tpu.memory_space<vmem>>, vector<1x128xf32>,
    %get3A_843 = arith.constant 4 : index
    %get3A_844 = memref.load %arg1[%get3A_843] : memref<16xi32, #tpu.memory_space<smem>>
    %get3A_845 = arith.constant 84 : index
    %get3A_846 = arith.constant 0 : index
    %get3A_847 = vector.load %arg3[%get3A_845, %get3A_846] : memref<128x128xf32, #tpu.memory_space<vmem>>, vector<1x128xf32>
    %add3A_848 = arith.constant 10240 : i32
    %add3A_849 = arith.addi %add3A_848, %get3A_844 : i32
    %swap3A_850 = arith.index_cast %add3A_849 : i32 to index
    %swap3A_851 = arith.constant 0 : index
    %swap3A_852 = vector.load %arg4[%swap3A_850, %swap3A_851] : memref<16384x128xf32, #tpu.memory_space<vmem>>, vector<1x128xf32>
    tpu.vector_store %arg4[%swap3A_850, %swap3A_851], %get3A_847 {strides = array<i32>} : memref<16384x128xf32, #tpu.memory_space<vmem>>, vector<1x128xf32>,
    %get3A_853 = arith.constant 5 : index
    %get3A_854 = memref.load %arg1[%get3A_853] : memref<16xi32, #tpu.memory_space<smem>>
    %get3A_855 = arith.constant 85 : index
    %get3A_856 = arith.constant 0 : index
    %get3A_857 = vector.load %arg3[%get3A_855, %get3A_856] : memref<128x128xf32, #tpu.memory_space<vmem>>, vector<1x128xf32>
    %add3A_858 = arith.constant 10240 : i32
    %add3A_859 = arith.addi %add3A_858, %get3A_854 : i32
    %swap3A_860 = arith.index_cast %add3A_859 : i32 to index
    %swap3A_861 = arith.constant 0 : index
    %swap3A_862 = vector.load %arg4[%swap3A_860, %swap3A_861] : memref<16384x128xf32, #tpu.memory_space<vmem>>, vector<1x128xf32>
    tpu.vector_store %arg4[%swap3A_860, %swap3A_861], %get3A_857 {strides = array<i32>} : memref<16384x128xf32, #tpu.memory_space<vmem>>, vector<1x128xf32>,
    %get3A_863 = arith.constant 6 : index
    %get3A_864 = memref.load %arg1[%get3A_863] : memref<16xi32, #tpu.memory_space<smem>>
    %get3A_865 = arith.constant 86 : index
    %get3A_866 = arith.constant 0 : index
    %get3A_867 = vector.load %arg3[%get3A_865, %get3A_866] : memref<128x128xf32, #tpu.memory_space<vmem>>, vector<1x128xf32>
    %add3A_868 = arith.constant 10240 : i32
    %add3A_869 = arith.addi %add3A_868, %get3A_864 : i32
    %swap3A_870 = arith.index_cast %add3A_869 : i32 to index
    %swap3A_871 = arith.constant 0 : index
    %swap3A_872 = vector.load %arg4[%swap3A_870, %swap3A_871] : memref<16384x128xf32, #tpu.memory_space<vmem>>, vector<1x128xf32>
    tpu.vector_store %arg4[%swap3A_870, %swap3A_871], %get3A_867 {strides = array<i32>} : memref<16384x128xf32, #tpu.memory_space<vmem>>, vector<1x128xf32>,
    %get3A_873 = arith.constant 7 : index
    %get3A_874 = memref.load %arg1[%get3A_873] : memref<16xi32, #tpu.memory_space<smem>>
    %get3A_875 = arith.constant 87 : index
    %get3A_876 = arith.constant 0 : index
    %get3A_877 = vector.load %arg3[%get3A_875, %get3A_876] : memref<128x128xf32, #tpu.memory_space<vmem>>, vector<1x128xf32>
    %add3A_878 = arith.constant 10240 : i32
    %add3A_879 = arith.addi %add3A_878, %get3A_874 : i32
    %swap3A_880 = arith.index_cast %add3A_879 : i32 to index
    %swap3A_881 = arith.constant 0 : index
    %swap3A_882 = vector.load %arg4[%swap3A_880, %swap3A_881] : memref<16384x128xf32, #tpu.memory_space<vmem>>, vector<1x128xf32>
    tpu.vector_store %arg4[%swap3A_880, %swap3A_881], %get3A_877 {strides = array<i32>} : memref<16384x128xf32, #tpu.memory_space<vmem>>, vector<1x128xf32>,
    %get3A_883 = arith.constant 8 : index
    %get3A_884 = memref.load %arg1[%get3A_883] : memref<16xi32, #tpu.memory_space<smem>>
    %get3A_885 = arith.constant 88 : index
    %get3A_886 = arith.constant 0 : index
    %get3A_887 = vector.load %arg3[%get3A_885, %get3A_886] : memref<128x128xf32, #tpu.memory_space<vmem>>, vector<1x128xf32>
    %add3A_888 = arith.constant 10240 : i32
    %add3A_889 = arith.addi %add3A_888, %get3A_884 : i32
    %swap3A_890 = arith.index_cast %add3A_889 : i32 to index
    %swap3A_891 = arith.constant 0 : index
    %swap3A_892 = vector.load %arg4[%swap3A_890, %swap3A_891] : memref<16384x128xf32, #tpu.memory_space<vmem>>, vector<1x128xf32>
    tpu.vector_store %arg4[%swap3A_890, %swap3A_891], %get3A_887 {strides = array<i32>} : memref<16384x128xf32, #tpu.memory_space<vmem>>, vector<1x128xf32>,
    %get3A_893 = arith.constant 9 : index
    %get3A_894 = memref.load %arg1[%get3A_893] : memref<16xi32, #tpu.memory_space<smem>>
    %get3A_895 = arith.constant 89 : index
    %get3A_896 = arith.constant 0 : index
    %get3A_897 = vector.load %arg3[%get3A_895, %get3A_896] : memref<128x128xf32, #tpu.memory_space<vmem>>, vector<1x128xf32>
    %add3A_898 = arith.constant 10240 : i32
    %add3A_899 = arith.addi %add3A_898, %get3A_894 : i32
    %swap3A_900 = arith.index_cast %add3A_899 : i32 to index
    %swap3A_901 = arith.constant 0 : index
    %swap3A_902 = vector.load %arg4[%swap3A_900, %swap3A_901] : memref<16384x128xf32, #tpu.memory_space<vmem>>, vector<1x128xf32>
    tpu.vector_store %arg4[%swap3A_900, %swap3A_901], %get3A_897 {strides = array<i32>} : memref<16384x128xf32, #tpu.memory_space<vmem>>, vector<1x128xf32>,
    %get3A_903 = arith.constant 10 : index
    %get3A_904 = memref.load %arg1[%get3A_903] : memref<16xi32, #tpu.memory_space<smem>>
    %get3A_905 = arith.constant 90 : index
    %get3A_906 = arith.constant 0 : index
    %get3A_907 = vector.load %arg3[%get3A_905, %get3A_906] : memref<128x128xf32, #tpu.memory_space<vmem>>, vector<1x128xf32>
    %add3A_908 = arith.constant 10240 : i32
    %add3A_909 = arith.addi %add3A_908, %get3A_904 : i32
    %swap3A_910 = arith.index_cast %add3A_909 : i32 to index
    %swap3A_911 = arith.constant 0 : index
    %swap3A_912 = vector.load %arg4[%swap3A_910, %swap3A_911] : memref<16384x128xf32, #tpu.memory_space<vmem>>, vector<1x128xf32>
    tpu.vector_store %arg4[%swap3A_910, %swap3A_911], %get3A_907 {strides = array<i32>} : memref<16384x128xf32, #tpu.memory_space<vmem>>, vector<1x128xf32>,
    %get3A_913 = arith.constant 11 : index
    %get3A_914 = memref.load %arg1[%get3A_913] : memref<16xi32, #tpu.memory_space<smem>>
    %get3A_915 = arith.constant 91 : index
    %get3A_916 = arith.constant 0 : index
    %get3A_917 = vector.load %arg3[%get3A_915, %get3A_916] : memref<128x128xf32, #tpu.memory_space<vmem>>, vector<1x128xf32>
    %add3A_918 = arith.constant 10240 : i32
    %add3A_919 = arith.addi %add3A_918, %get3A_914 : i32
    %swap3A_920 = arith.index_cast %add3A_919 : i32 to index
    %swap3A_921 = arith.constant 0 : index
    %swap3A_922 = vector.load %arg4[%swap3A_920, %swap3A_921] : memref<16384x128xf32, #tpu.memory_space<vmem>>, vector<1x128xf32>
    tpu.vector_store %arg4[%swap3A_920, %swap3A_921], %get3A_917 {strides = array<i32>} : memref<16384x128xf32, #tpu.memory_space<vmem>>, vector<1x128xf32>,
    %get3A_923 = arith.constant 12 : index
    %get3A_924 = memref.load %arg1[%get3A_923] : memref<16xi32, #tpu.memory_space<smem>>
    %get3A_925 = arith.constant 92 : index
    %get3A_926 = arith.constant 0 : index
    %get3A_927 = vector.load %arg3[%get3A_925, %get3A_926] : memref<128x128xf32, #tpu.memory_space<vmem>>, vector<1x128xf32>
    %add3A_928 = arith.constant 10240 : i32
    %add3A_929 = arith.addi %add3A_928, %get3A_924 : i32
    %swap3A_930 = arith.index_cast %add3A_929 : i32 to index
    %swap3A_931 = arith.constant 0 : index
    %swap3A_932 = vector.load %arg4[%swap3A_930, %swap3A_931] : memref<16384x128xf32, #tpu.memory_space<vmem>>, vector<1x128xf32>
    tpu.vector_store %arg4[%swap3A_930, %swap3A_931], %get3A_927 {strides = array<i32>} : memref<16384x128xf32, #tpu.memory_space<vmem>>, vector<1x128xf32>,
    %get3A_933 = arith.constant 13 : index
    %get3A_934 = memref.load %arg1[%get3A_933] : memref<16xi32, #tpu.memory_space<smem>>
    %get3A_935 = arith.constant 93 : index
    %get3A_936 = arith.constant 0 : index
    %get3A_937 = vector.load %arg3[%get3A_935, %get3A_936] : memref<128x128xf32, #tpu.memory_space<vmem>>, vector<1x128xf32>
    %add3A_938 = arith.constant 10240 : i32
    %add3A_939 = arith.addi %add3A_938, %get3A_934 : i32
    %swap3A_940 = arith.index_cast %add3A_939 : i32 to index
    %swap3A_941 = arith.constant 0 : index
    %swap3A_942 = vector.load %arg4[%swap3A_940, %swap3A_941] : memref<16384x128xf32, #tpu.memory_space<vmem>>, vector<1x128xf32>
    tpu.vector_store %arg4[%swap3A_940, %swap3A_941], %get3A_937 {strides = array<i32>} : memref<16384x128xf32, #tpu.memory_space<vmem>>, vector<1x128xf32>,
    %get3A_943 = arith.constant 14 : index
    %get3A_944 = memref.load %arg1[%get3A_943] : memref<16xi32, #tpu.memory_space<smem>>
    %get3A_945 = arith.constant 94 : index
    %get3A_946 = arith.constant 0 : index
    %get3A_947 = vector.load %arg3[%get3A_945, %get3A_946] : memref<128x128xf32, #tpu.memory_space<vmem>>, vector<1x128xf32>
    %add3A_948 = arith.constant 10240 : i32
    %add3A_949 = arith.addi %add3A_948, %get3A_944 : i32
    %swap3A_950 = arith.index_cast %add3A_949 : i32 to index
    %swap3A_951 = arith.constant 0 : index
    %swap3A_952 = vector.load %arg4[%swap3A_950, %swap3A_951] : memref<16384x128xf32, #tpu.memory_space<vmem>>, vector<1x128xf32>
    tpu.vector_store %arg4[%swap3A_950, %swap3A_951], %get3A_947 {strides = array<i32>} : memref<16384x128xf32, #tpu.memory_space<vmem>>, vector<1x128xf32>,
    %get3A_953 = arith.constant 15 : index
    %get3A_954 = memref.load %arg1[%get3A_953] : memref<16xi32, #tpu.memory_space<smem>>
    %get3A_955 = arith.constant 95 : index
    %get3A_956 = arith.constant 0 : index
    %get3A_957 = vector.load %arg3[%get3A_955, %get3A_956] : memref<128x128xf32, #tpu.memory_space<vmem>>, vector<1x128xf32>
    %add3A_958 = arith.constant 10240 : i32
    %add3A_959 = arith.addi %add3A_958, %get3A_954 : i32
    %swap3A_960 = arith.index_cast %add3A_959 : i32 to index
    %swap3A_961 = arith.constant 0 : index
    %swap3A_962 = vector.load %arg4[%swap3A_960, %swap3A_961] : memref<16384x128xf32, #tpu.memory_space<vmem>>, vector<1x128xf32>
    tpu.vector_store %arg4[%swap3A_960, %swap3A_961], %get3A_957 {strides = array<i32>} : memref<16384x128xf32, #tpu.memory_space<vmem>>, vector<1x128xf32>,
    %get3A_963 = arith.constant 0 : index
    %get3A_964 = memref.load %arg1[%get3A_963] : memref<16xi32, #tpu.memory_space<smem>>
    %get3A_965 = arith.constant 96 : index
    %get3A_966 = arith.constant 0 : index
    %get3A_967 = vector.load %arg3[%get3A_965, %get3A_966] : memref<128x128xf32, #tpu.memory_space<vmem>>, vector<1x128xf32>
    %add3A_968 = arith.constant 12288 : i32
    %add3A_969 = arith.addi %add3A_968, %get3A_964 : i32
    %swap3A_970 = arith.index_cast %add3A_969 : i32 to index
    %swap3A_971 = arith.constant 0 : index
    %swap3A_972 = vector.load %arg4[%swap3A_970, %swap3A_971] : memref<16384x128xf32, #tpu.memory_space<vmem>>, vector<1x128xf32>
    tpu.vector_store %arg4[%swap3A_970, %swap3A_971], %get3A_967 {strides = array<i32>} : memref<16384x128xf32, #tpu.memory_space<vmem>>, vector<1x128xf32>,
    %get3A_973 = arith.constant 1 : index
    %get3A_974 = memref.load %arg1[%get3A_973] : memref<16xi32, #tpu.memory_space<smem>>
    %get3A_975 = arith.constant 97 : index
    %get3A_976 = arith.constant 0 : index
    %get3A_977 = vector.load %arg3[%get3A_975, %get3A_976] : memref<128x128xf32, #tpu.memory_space<vmem>>, vector<1x128xf32>
    %add3A_978 = arith.constant 12288 : i32
    %add3A_979 = arith.addi %add3A_978, %get3A_974 : i32
    %swap3A_980 = arith.index_cast %add3A_979 : i32 to index
    %swap3A_981 = arith.constant 0 : index
    %swap3A_982 = vector.load %arg4[%swap3A_980, %swap3A_981] : memref<16384x128xf32, #tpu.memory_space<vmem>>, vector<1x128xf32>
    tpu.vector_store %arg4[%swap3A_980, %swap3A_981], %get3A_977 {strides = array<i32>} : memref<16384x128xf32, #tpu.memory_space<vmem>>, vector<1x128xf32>,
    %get3A_983 = arith.constant 2 : index
    %get3A_984 = memref.load %arg1[%get3A_983] : memref<16xi32, #tpu.memory_space<smem>>
    %get3A_985 = arith.constant 98 : index
    %get3A_986 = arith.constant 0 : index
    %get3A_987 = vector.load %arg3[%get3A_985, %get3A_986] : memref<128x128xf32, #tpu.memory_space<vmem>>, vector<1x128xf32>
    %add3A_988 = arith.constant 12288 : i32
    %add3A_989 = arith.addi %add3A_988, %get3A_984 : i32
    %swap3A_990 = arith.index_cast %add3A_989 : i32 to index
    %swap3A_991 = arith.constant 0 : index
    %swap3A_992 = vector.load %arg4[%swap3A_990, %swap3A_991] : memref<16384x128xf32, #tpu.memory_space<vmem>>, vector<1x128xf32>
    tpu.vector_store %arg4[%swap3A_990, %swap3A_991], %get3A_987 {strides = array<i32>} : memref<16384x128xf32, #tpu.memory_space<vmem>>, vector<1x128xf32>,
    %get3A_993 = arith.constant 3 : index
    %get3A_994 = memref.load %arg1[%get3A_993] : memref<16xi32, #tpu.memory_space<smem>>
    %get3A_995 = arith.constant 99 : index
    %get3A_996 = arith.constant 0 : index
    %get3A_997 = vector.load %arg3[%get3A_995, %get3A_996] : memref<128x128xf32, #tpu.memory_space<vmem>>, vector<1x128xf32>
    %add3A_998 = arith.constant 12288 : i32
    %add3A_999 = arith.addi %add3A_998, %get3A_994 : i32
    %swap3A_1000 = arith.index_cast %add3A_999 : i32 to index
    %swap3A_1001 = arith.constant 0 : index
    %swap3A_1002 = vector.load %arg4[%swap3A_1000, %swap3A_1001] : memref<16384x128xf32, #tpu.memory_space<vmem>>, vector<1x128xf32>
    tpu.vector_store %arg4[%swap3A_1000, %swap3A_1001], %get3A_997 {strides = array<i32>} : memref<16384x128xf32, #tpu.memory_space<vmem>>, vector<1x128xf32>,
    %get3A_1003 = arith.constant 4 : index
    %get3A_1004 = memref.load %arg1[%get3A_1003] : memref<16xi32, #tpu.memory_space<smem>>
    %get3A_1005 = arith.constant 100 : index
    %get3A_1006 = arith.constant 0 : index
    %get3A_1007 = vector.load %arg3[%get3A_1005, %get3A_1006] : memref<128x128xf32, #tpu.memory_space<vmem>>, vector<1x128xf32>
    %add3A_1008 = arith.constant 12288 : i32
    %add3A_1009 = arith.addi %add3A_1008, %get3A_1004 : i32
    %swap3A_1010 = arith.index_cast %add3A_1009 : i32 to index
    %swap3A_1011 = arith.constant 0 : index
    %swap3A_1012 = vector.load %arg4[%swap3A_1010, %swap3A_1011] : memref<16384x128xf32, #tpu.memory_space<vmem>>, vector<1x128xf32>
    tpu.vector_store %arg4[%swap3A_1010, %swap3A_1011], %get3A_1007 {strides = array<i32>} : memref<16384x128xf32, #tpu.memory_space<vmem>>, vector<1x128xf32>,
    %get3A_1013 = arith.constant 5 : index
    %get3A_1014 = memref.load %arg1[%get3A_1013] : memref<16xi32, #tpu.memory_space<smem>>
    %get3A_1015 = arith.constant 101 : index
    %get3A_1016 = arith.constant 0 : index
    %get3A_1017 = vector.load %arg3[%get3A_1015, %get3A_1016] : memref<128x128xf32, #tpu.memory_space<vmem>>, vector<1x128xf32>
    %add3A_1018 = arith.constant 12288 : i32
    %add3A_1019 = arith.addi %add3A_1018, %get3A_1014 : i32
    %swap3A_1020 = arith.index_cast %add3A_1019 : i32 to index
    %swap3A_1021 = arith.constant 0 : index
    %swap3A_1022 = vector.load %arg4[%swap3A_1020, %swap3A_1021] : memref<16384x128xf32, #tpu.memory_space<vmem>>, vector<1x128xf32>
    tpu.vector_store %arg4[%swap3A_1020, %swap3A_1021], %get3A_1017 {strides = array<i32>} : memref<16384x128xf32, #tpu.memory_space<vmem>>, vector<1x128xf32>,
    %get3A_1023 = arith.constant 6 : index
    %get3A_1024 = memref.load %arg1[%get3A_1023] : memref<16xi32, #tpu.memory_space<smem>>
    %get3A_1025 = arith.constant 102 : index
    %get3A_1026 = arith.constant 0 : index
    %get3A_1027 = vector.load %arg3[%get3A_1025, %get3A_1026] : memref<128x128xf32, #tpu.memory_space<vmem>>, vector<1x128xf32>
    %add3A_1028 = arith.constant 12288 : i32
    %add3A_1029 = arith.addi %add3A_1028, %get3A_1024 : i32
    %swap3A_1030 = arith.index_cast %add3A_1029 : i32 to index
    %swap3A_1031 = arith.constant 0 : index
    %swap3A_1032 = vector.load %arg4[%swap3A_1030, %swap3A_1031] : memref<16384x128xf32, #tpu.memory_space<vmem>>, vector<1x128xf32>
    tpu.vector_store %arg4[%swap3A_1030, %swap3A_1031], %get3A_1027 {strides = array<i32>} : memref<16384x128xf32, #tpu.memory_space<vmem>>, vector<1x128xf32>,
    %get3A_1033 = arith.constant 7 : index
    %get3A_1034 = memref.load %arg1[%get3A_1033] : memref<16xi32, #tpu.memory_space<smem>>
    %get3A_1035 = arith.constant 103 : index
    %get3A_1036 = arith.constant 0 : index
    %get3A_1037 = vector.load %arg3[%get3A_1035, %get3A_1036] : memref<128x128xf32, #tpu.memory_space<vmem>>, vector<1x128xf32>
    %add3A_1038 = arith.constant 12288 : i32
    %add3A_1039 = arith.addi %add3A_1038, %get3A_1034 : i32
    %swap3A_1040 = arith.index_cast %add3A_1039 : i32 to index
    %swap3A_1041 = arith.constant 0 : index
    %swap3A_1042 = vector.load %arg4[%swap3A_1040, %swap3A_1041] : memref<16384x128xf32, #tpu.memory_space<vmem>>, vector<1x128xf32>
    tpu.vector_store %arg4[%swap3A_1040, %swap3A_1041], %get3A_1037 {strides = array<i32>} : memref<16384x128xf32, #tpu.memory_space<vmem>>, vector<1x128xf32>,
    %get3A_1043 = arith.constant 8 : index
    %get3A_1044 = memref.load %arg1[%get3A_1043] : memref<16xi32, #tpu.memory_space<smem>>
    %get3A_1045 = arith.constant 104 : index
    %get3A_1046 = arith.constant 0 : index
    %get3A_1047 = vector.load %arg3[%get3A_1045, %get3A_1046] : memref<128x128xf32, #tpu.memory_space<vmem>>, vector<1x128xf32>
    %add3A_1048 = arith.constant 12288 : i32
    %add3A_1049 = arith.addi %add3A_1048, %get3A_1044 : i32
    %swap3A_1050 = arith.index_cast %add3A_1049 : i32 to index
    %swap3A_1051 = arith.constant 0 : index
    %swap3A_1052 = vector.load %arg4[%swap3A_1050, %swap3A_1051] : memref<16384x128xf32, #tpu.memory_space<vmem>>, vector<1x128xf32>
    tpu.vector_store %arg4[%swap3A_1050, %swap3A_1051], %get3A_1047 {strides = array<i32>} : memref<16384x128xf32, #tpu.memory_space<vmem>>, vector<1x128xf32>,
    %get3A_1053 = arith.constant 9 : index
    %get3A_1054 = memref.load %arg1[%get3A_1053] : memref<16xi32, #tpu.memory_space<smem>>
    %get3A_1055 = arith.constant 105 : index
    %get3A_1056 = arith.constant 0 : index
    %get3A_1057 = vector.load %arg3[%get3A_1055, %get3A_1056] : memref<128x128xf32, #tpu.memory_space<vmem>>, vector<1x128xf32>
    %add3A_1058 = arith.constant 12288 : i32
    %add3A_1059 = arith.addi %add3A_1058, %get3A_1054 : i32
    %swap3A_1060 = arith.index_cast %add3A_1059 : i32 to index
    %swap3A_1061 = arith.constant 0 : index
    %swap3A_1062 = vector.load %arg4[%swap3A_1060, %swap3A_1061] : memref<16384x128xf32, #tpu.memory_space<vmem>>, vector<1x128xf32>
    tpu.vector_store %arg4[%swap3A_1060, %swap3A_1061], %get3A_1057 {strides = array<i32>} : memref<16384x128xf32, #tpu.memory_space<vmem>>, vector<1x128xf32>,
    %get3A_1063 = arith.constant 10 : index
    %get3A_1064 = memref.load %arg1[%get3A_1063] : memref<16xi32, #tpu.memory_space<smem>>
    %get3A_1065 = arith.constant 106 : index
    %get3A_1066 = arith.constant 0 : index
    %get3A_1067 = vector.load %arg3[%get3A_1065, %get3A_1066] : memref<128x128xf32, #tpu.memory_space<vmem>>, vector<1x128xf32>
    %add3A_1068 = arith.constant 12288 : i32
    %add3A_1069 = arith.addi %add3A_1068, %get3A_1064 : i32
    %swap3A_1070 = arith.index_cast %add3A_1069 : i32 to index
    %swap3A_1071 = arith.constant 0 : index
    %swap3A_1072 = vector.load %arg4[%swap3A_1070, %swap3A_1071] : memref<16384x128xf32, #tpu.memory_space<vmem>>, vector<1x128xf32>
    tpu.vector_store %arg4[%swap3A_1070, %swap3A_1071], %get3A_1067 {strides = array<i32>} : memref<16384x128xf32, #tpu.memory_space<vmem>>, vector<1x128xf32>,
    %get3A_1073 = arith.constant 11 : index
    %get3A_1074 = memref.load %arg1[%get3A_1073] : memref<16xi32, #tpu.memory_space<smem>>
    %get3A_1075 = arith.constant 107 : index
    %get3A_1076 = arith.constant 0 : index
    %get3A_1077 = vector.load %arg3[%get3A_1075, %get3A_1076] : memref<128x128xf32, #tpu.memory_space<vmem>>, vector<1x128xf32>
    %add3A_1078 = arith.constant 12288 : i32
    %add3A_1079 = arith.addi %add3A_1078, %get3A_1074 : i32
    %swap3A_1080 = arith.index_cast %add3A_1079 : i32 to index
    %swap3A_1081 = arith.constant 0 : index
    %swap3A_1082 = vector.load %arg4[%swap3A_1080, %swap3A_1081] : memref<16384x128xf32, #tpu.memory_space<vmem>>, vector<1x128xf32>
    tpu.vector_store %arg4[%swap3A_1080, %swap3A_1081], %get3A_1077 {strides = array<i32>} : memref<16384x128xf32, #tpu.memory_space<vmem>>, vector<1x128xf32>,
    %get3A_1083 = arith.constant 12 : index
    %get3A_1084 = memref.load %arg1[%get3A_1083] : memref<16xi32, #tpu.memory_space<smem>>
    %get3A_1085 = arith.constant 108 : index
    %get3A_1086 = arith.constant 0 : index
    %get3A_1087 = vector.load %arg3[%get3A_1085, %get3A_1086] : memref<128x128xf32, #tpu.memory_space<vmem>>, vector<1x128xf32>
    %add3A_1088 = arith.constant 12288 : i32
    %add3A_1089 = arith.addi %add3A_1088, %get3A_1084 : i32
    %swap3A_1090 = arith.index_cast %add3A_1089 : i32 to index
    %swap3A_1091 = arith.constant 0 : index
    %swap3A_1092 = vector.load %arg4[%swap3A_1090, %swap3A_1091] : memref<16384x128xf32, #tpu.memory_space<vmem>>, vector<1x128xf32>
    tpu.vector_store %arg4[%swap3A_1090, %swap3A_1091], %get3A_1087 {strides = array<i32>} : memref<16384x128xf32, #tpu.memory_space<vmem>>, vector<1x128xf32>,
    %get3A_1093 = arith.constant 13 : index
    %get3A_1094 = memref.load %arg1[%get3A_1093] : memref<16xi32, #tpu.memory_space<smem>>
    %get3A_1095 = arith.constant 109 : index
    %get3A_1096 = arith.constant 0 : index
    %get3A_1097 = vector.load %arg3[%get3A_1095, %get3A_1096] : memref<128x128xf32, #tpu.memory_space<vmem>>, vector<1x128xf32>
    %add3A_1098 = arith.constant 12288 : i32
    %add3A_1099 = arith.addi %add3A_1098, %get3A_1094 : i32
    %swap3A_1100 = arith.index_cast %add3A_1099 : i32 to index
    %swap3A_1101 = arith.constant 0 : index
    %swap3A_1102 = vector.load %arg4[%swap3A_1100, %swap3A_1101] : memref<16384x128xf32, #tpu.memory_space<vmem>>, vector<1x128xf32>
    tpu.vector_store %arg4[%swap3A_1100, %swap3A_1101], %get3A_1097 {strides = array<i32>} : memref<16384x128xf32, #tpu.memory_space<vmem>>, vector<1x128xf32>,
    %get3A_1103 = arith.constant 14 : index
    %get3A_1104 = memref.load %arg1[%get3A_1103] : memref<16xi32, #tpu.memory_space<smem>>
    %get3A_1105 = arith.constant 110 : index
    %get3A_1106 = arith.constant 0 : index
    %get3A_1107 = vector.load %arg3[%get3A_1105, %get3A_1106] : memref<128x128xf32, #tpu.memory_space<vmem>>, vector<1x128xf32>
    %add3A_1108 = arith.constant 12288 : i32
    %add3A_1109 = arith.addi %add3A_1108, %get3A_1104 : i32
    %swap3A_1110 = arith.index_cast %add3A_1109 : i32 to index
    %swap3A_1111 = arith.constant 0 : index
    %swap3A_1112 = vector.load %arg4[%swap3A_1110, %swap3A_1111] : memref<16384x128xf32, #tpu.memory_space<vmem>>, vector<1x128xf32>
    tpu.vector_store %arg4[%swap3A_1110, %swap3A_1111], %get3A_1107 {strides = array<i32>} : memref<16384x128xf32, #tpu.memory_space<vmem>>, vector<1x128xf32>,
    %get3A_1113 = arith.constant 15 : index
    %get3A_1114 = memref.load %arg1[%get3A_1113] : memref<16xi32, #tpu.memory_space<smem>>
    %get3A_1115 = arith.constant 111 : index
    %get3A_1116 = arith.constant 0 : index
    %get3A_1117 = vector.load %arg3[%get3A_1115, %get3A_1116] : memref<128x128xf32, #tpu.memory_space<vmem>>, vector<1x128xf32>
    %add3A_1118 = arith.constant 12288 : i32
    %add3A_1119 = arith.addi %add3A_1118, %get3A_1114 : i32
    %swap3A_1120 = arith.index_cast %add3A_1119 : i32 to index
    %swap3A_1121 = arith.constant 0 : index
    %swap3A_1122 = vector.load %arg4[%swap3A_1120, %swap3A_1121] : memref<16384x128xf32, #tpu.memory_space<vmem>>, vector<1x128xf32>
    tpu.vector_store %arg4[%swap3A_1120, %swap3A_1121], %get3A_1117 {strides = array<i32>} : memref<16384x128xf32, #tpu.memory_space<vmem>>, vector<1x128xf32>,
    %get3A_1123 = arith.constant 0 : index
    %get3A_1124 = memref.load %arg1[%get3A_1123] : memref<16xi32, #tpu.memory_space<smem>>
    %get3A_1125 = arith.constant 112 : index
    %get3A_1126 = arith.constant 0 : index
    %get3A_1127 = vector.load %arg3[%get3A_1125, %get3A_1126] : memref<128x128xf32, #tpu.memory_space<vmem>>, vector<1x128xf32>
    %add3A_1128 = arith.constant 14336 : i32
    %add3A_1129 = arith.addi %add3A_1128, %get3A_1124 : i32
    %swap3A_1130 = arith.index_cast %add3A_1129 : i32 to index
    %swap3A_1131 = arith.constant 0 : index
    %swap3A_1132 = vector.load %arg4[%swap3A_1130, %swap3A_1131] : memref<16384x128xf32, #tpu.memory_space<vmem>>, vector<1x128xf32>
    tpu.vector_store %arg4[%swap3A_1130, %swap3A_1131], %get3A_1127 {strides = array<i32>} : memref<16384x128xf32, #tpu.memory_space<vmem>>, vector<1x128xf32>,
    %get3A_1133 = arith.constant 1 : index
    %get3A_1134 = memref.load %arg1[%get3A_1133] : memref<16xi32, #tpu.memory_space<smem>>
    %get3A_1135 = arith.constant 113 : index
    %get3A_1136 = arith.constant 0 : index
    %get3A_1137 = vector.load %arg3[%get3A_1135, %get3A_1136] : memref<128x128xf32, #tpu.memory_space<vmem>>, vector<1x128xf32>
    %add3A_1138 = arith.constant 14336 : i32
    %add3A_1139 = arith.addi %add3A_1138, %get3A_1134 : i32
    %swap3A_1140 = arith.index_cast %add3A_1139 : i32 to index
    %swap3A_1141 = arith.constant 0 : index
    %swap3A_1142 = vector.load %arg4[%swap3A_1140, %swap3A_1141] : memref<16384x128xf32, #tpu.memory_space<vmem>>, vector<1x128xf32>
    tpu.vector_store %arg4[%swap3A_1140, %swap3A_1141], %get3A_1137 {strides = array<i32>} : memref<16384x128xf32, #tpu.memory_space<vmem>>, vector<1x128xf32>,
    %get3A_1143 = arith.constant 2 : index
    %get3A_1144 = memref.load %arg1[%get3A_1143] : memref<16xi32, #tpu.memory_space<smem>>
    %get3A_1145 = arith.constant 114 : index
    %get3A_1146 = arith.constant 0 : index
    %get3A_1147 = vector.load %arg3[%get3A_1145, %get3A_1146] : memref<128x128xf32, #tpu.memory_space<vmem>>, vector<1x128xf32>
    %add3A_1148 = arith.constant 14336 : i32
    %add3A_1149 = arith.addi %add3A_1148, %get3A_1144 : i32
    %swap3A_1150 = arith.index_cast %add3A_1149 : i32 to index
    %swap3A_1151 = arith.constant 0 : index
    %swap3A_1152 = vector.load %arg4[%swap3A_1150, %swap3A_1151] : memref<16384x128xf32, #tpu.memory_space<vmem>>, vector<1x128xf32>
    tpu.vector_store %arg4[%swap3A_1150, %swap3A_1151], %get3A_1147 {strides = array<i32>} : memref<16384x128xf32, #tpu.memory_space<vmem>>, vector<1x128xf32>,
    %get3A_1153 = arith.constant 3 : index
    %get3A_1154 = memref.load %arg1[%get3A_1153] : memref<16xi32, #tpu.memory_space<smem>>
    %get3A_1155 = arith.constant 115 : index
    %get3A_1156 = arith.constant 0 : index
    %get3A_1157 = vector.load %arg3[%get3A_1155, %get3A_1156] : memref<128x128xf32, #tpu.memory_space<vmem>>, vector<1x128xf32>
    %add3A_1158 = arith.constant 14336 : i32
    %add3A_1159 = arith.addi %add3A_1158, %get3A_1154 : i32
    %swap3A_1160 = arith.index_cast %add3A_1159 : i32 to index
    %swap3A_1161 = arith.constant 0 : index
    %swap3A_1162 = vector.load %arg4[%swap3A_1160, %swap3A_1161] : memref<16384x128xf32, #tpu.memory_space<vmem>>, vector<1x128xf32>
    tpu.vector_store %arg4[%swap3A_1160, %swap3A_1161], %get3A_1157 {strides = array<i32>} : memref<16384x128xf32, #tpu.memory_space<vmem>>, vector<1x128xf32>,
    %get3A_1163 = arith.constant 4 : index
    %get3A_1164 = memref.load %arg1[%get3A_1163] : memref<16xi32, #tpu.memory_space<smem>>
    %get3A_1165 = arith.constant 116 : index
    %get3A_1166 = arith.constant 0 : index
    %get3A_1167 = vector.load %arg3[%get3A_1165, %get3A_1166] : memref<128x128xf32, #tpu.memory_space<vmem>>, vector<1x128xf32>
    %add3A_1168 = arith.constant 14336 : i32
    %add3A_1169 = arith.addi %add3A_1168, %get3A_1164 : i32
    %swap3A_1170 = arith.index_cast %add3A_1169 : i32 to index
    %swap3A_1171 = arith.constant 0 : index
    %swap3A_1172 = vector.load %arg4[%swap3A_1170, %swap3A_1171] : memref<16384x128xf32, #tpu.memory_space<vmem>>, vector<1x128xf32>
    tpu.vector_store %arg4[%swap3A_1170, %swap3A_1171], %get3A_1167 {strides = array<i32>} : memref<16384x128xf32, #tpu.memory_space<vmem>>, vector<1x128xf32>,
    %get3A_1173 = arith.constant 5 : index
    %get3A_1174 = memref.load %arg1[%get3A_1173] : memref<16xi32, #tpu.memory_space<smem>>
    %get3A_1175 = arith.constant 117 : index
    %get3A_1176 = arith.constant 0 : index
    %get3A_1177 = vector.load %arg3[%get3A_1175, %get3A_1176] : memref<128x128xf32, #tpu.memory_space<vmem>>, vector<1x128xf32>
    %add3A_1178 = arith.constant 14336 : i32
    %add3A_1179 = arith.addi %add3A_1178, %get3A_1174 : i32
    %swap3A_1180 = arith.index_cast %add3A_1179 : i32 to index
    %swap3A_1181 = arith.constant 0 : index
    %swap3A_1182 = vector.load %arg4[%swap3A_1180, %swap3A_1181] : memref<16384x128xf32, #tpu.memory_space<vmem>>, vector<1x128xf32>
    tpu.vector_store %arg4[%swap3A_1180, %swap3A_1181], %get3A_1177 {strides = array<i32>} : memref<16384x128xf32, #tpu.memory_space<vmem>>, vector<1x128xf32>,
    %get3A_1183 = arith.constant 6 : index
    %get3A_1184 = memref.load %arg1[%get3A_1183] : memref<16xi32, #tpu.memory_space<smem>>
    %get3A_1185 = arith.constant 118 : index
    %get3A_1186 = arith.constant 0 : index
    %get3A_1187 = vector.load %arg3[%get3A_1185, %get3A_1186] : memref<128x128xf32, #tpu.memory_space<vmem>>, vector<1x128xf32>
    %add3A_1188 = arith.constant 14336 : i32
    %add3A_1189 = arith.addi %add3A_1188, %get3A_1184 : i32
    %swap3A_1190 = arith.index_cast %add3A_1189 : i32 to index
    %swap3A_1191 = arith.constant 0 : index
    %swap3A_1192 = vector.load %arg4[%swap3A_1190, %swap3A_1191] : memref<16384x128xf32, #tpu.memory_space<vmem>>, vector<1x128xf32>
    tpu.vector_store %arg4[%swap3A_1190, %swap3A_1191], %get3A_1187 {strides = array<i32>} : memref<16384x128xf32, #tpu.memory_space<vmem>>, vector<1x128xf32>,
    %get3A_1193 = arith.constant 7 : index
    %get3A_1194 = memref.load %arg1[%get3A_1193] : memref<16xi32, #tpu.memory_space<smem>>
    %get3A_1195 = arith.constant 119 : index
    %get3A_1196 = arith.constant 0 : index
    %get3A_1197 = vector.load %arg3[%get3A_1195, %get3A_1196] : memref<128x128xf32, #tpu.memory_space<vmem>>, vector<1x128xf32>
    %add3A_1198 = arith.constant 14336 : i32
    %add3A_1199 = arith.addi %add3A_1198, %get3A_1194 : i32
    %swap3A_1200 = arith.index_cast %add3A_1199 : i32 to index
    %swap3A_1201 = arith.constant 0 : index
    %swap3A_1202 = vector.load %arg4[%swap3A_1200, %swap3A_1201] : memref<16384x128xf32, #tpu.memory_space<vmem>>, vector<1x128xf32>
    tpu.vector_store %arg4[%swap3A_1200, %swap3A_1201], %get3A_1197 {strides = array<i32>} : memref<16384x128xf32, #tpu.memory_space<vmem>>, vector<1x128xf32>,
    %get3A_1203 = arith.constant 8 : index
    %get3A_1204 = memref.load %arg1[%get3A_1203] : memref<16xi32, #tpu.memory_space<smem>>
    %get3A_1205 = arith.constant 120 : index
    %get3A_1206 = arith.constant 0 : index
    %get3A_1207 = vector.load %arg3[%get3A_1205, %get3A_1206] : memref<128x128xf32, #tpu.memory_space<vmem>>, vector<1x128xf32>
    %add3A_1208 = arith.constant 14336 : i32
    %add3A_1209 = arith.addi %add3A_1208, %get3A_1204 : i32
    %swap3A_1210 = arith.index_cast %add3A_1209 : i32 to index
    %swap3A_1211 = arith.constant 0 : index
    %swap3A_1212 = vector.load %arg4[%swap3A_1210, %swap3A_1211] : memref<16384x128xf32, #tpu.memory_space<vmem>>, vector<1x128xf32>
    tpu.vector_store %arg4[%swap3A_1210, %swap3A_1211], %get3A_1207 {strides = array<i32>} : memref<16384x128xf32, #tpu.memory_space<vmem>>, vector<1x128xf32>,
    %get3A_1213 = arith.constant 9 : index
    %get3A_1214 = memref.load %arg1[%get3A_1213] : memref<16xi32, #tpu.memory_space<smem>>
    %get3A_1215 = arith.constant 121 : index
    %get3A_1216 = arith.constant 0 : index
    %get3A_1217 = vector.load %arg3[%get3A_1215, %get3A_1216] : memref<128x128xf32, #tpu.memory_space<vmem>>, vector<1x128xf32>
    %add3A_1218 = arith.constant 14336 : i32
    %add3A_1219 = arith.addi %add3A_1218, %get3A_1214 : i32
    %swap3A_1220 = arith.index_cast %add3A_1219 : i32 to index
    %swap3A_1221 = arith.constant 0 : index
    %swap3A_1222 = vector.load %arg4[%swap3A_1220, %swap3A_1221] : memref<16384x128xf32, #tpu.memory_space<vmem>>, vector<1x128xf32>
    tpu.vector_store %arg4[%swap3A_1220, %swap3A_1221], %get3A_1217 {strides = array<i32>} : memref<16384x128xf32, #tpu.memory_space<vmem>>, vector<1x128xf32>,
    %get3A_1223 = arith.constant 10 : index
    %get3A_1224 = memref.load %arg1[%get3A_1223] : memref<16xi32, #tpu.memory_space<smem>>
    %get3A_1225 = arith.constant 122 : index
    %get3A_1226 = arith.constant 0 : index
    %get3A_1227 = vector.load %arg3[%get3A_1225, %get3A_1226] : memref<128x128xf32, #tpu.memory_space<vmem>>, vector<1x128xf32>
    %add3A_1228 = arith.constant 14336 : i32
    %add3A_1229 = arith.addi %add3A_1228, %get3A_1224 : i32
    %swap3A_1230 = arith.index_cast %add3A_1229 : i32 to index
    %swap3A_1231 = arith.constant 0 : index
    %swap3A_1232 = vector.load %arg4[%swap3A_1230, %swap3A_1231] : memref<16384x128xf32, #tpu.memory_space<vmem>>, vector<1x128xf32>
    tpu.vector_store %arg4[%swap3A_1230, %swap3A_1231], %get3A_1227 {strides = array<i32>} : memref<16384x128xf32, #tpu.memory_space<vmem>>, vector<1x128xf32>,
    %get3A_1233 = arith.constant 11 : index
    %get3A_1234 = memref.load %arg1[%get3A_1233] : memref<16xi32, #tpu.memory_space<smem>>
    %get3A_1235 = arith.constant 123 : index
    %get3A_1236 = arith.constant 0 : index
    %get3A_1237 = vector.load %arg3[%get3A_1235, %get3A_1236] : memref<128x128xf32, #tpu.memory_space<vmem>>, vector<1x128xf32>
    %add3A_1238 = arith.constant 14336 : i32
    %add3A_1239 = arith.addi %add3A_1238, %get3A_1234 : i32
    %swap3A_1240 = arith.index_cast %add3A_1239 : i32 to index
    %swap3A_1241 = arith.constant 0 : index
    %swap3A_1242 = vector.load %arg4[%swap3A_1240, %swap3A_1241] : memref<16384x128xf32, #tpu.memory_space<vmem>>, vector<1x128xf32>
    tpu.vector_store %arg4[%swap3A_1240, %swap3A_1241], %get3A_1237 {strides = array<i32>} : memref<16384x128xf32, #tpu.memory_space<vmem>>, vector<1x128xf32>,
    %get3A_1243 = arith.constant 12 : index
    %get3A_1244 = memref.load %arg1[%get3A_1243] : memref<16xi32, #tpu.memory_space<smem>>
    %get3A_1245 = arith.constant 124 : index
    %get3A_1246 = arith.constant 0 : index
    %get3A_1247 = vector.load %arg3[%get3A_1245, %get3A_1246] : memref<128x128xf32, #tpu.memory_space<vmem>>, vector<1x128xf32>
    %add3A_1248 = arith.constant 14336 : i32
    %add3A_1249 = arith.addi %add3A_1248, %get3A_1244 : i32
    %swap3A_1250 = arith.index_cast %add3A_1249 : i32 to index
    %swap3A_1251 = arith.constant 0 : index
    %swap3A_1252 = vector.load %arg4[%swap3A_1250, %swap3A_1251] : memref<16384x128xf32, #tpu.memory_space<vmem>>, vector<1x128xf32>
    tpu.vector_store %arg4[%swap3A_1250, %swap3A_1251], %get3A_1247 {strides = array<i32>} : memref<16384x128xf32, #tpu.memory_space<vmem>>, vector<1x128xf32>,
    %get3A_1253 = arith.constant 13 : index
    %get3A_1254 = memref.load %arg1[%get3A_1253] : memref<16xi32, #tpu.memory_space<smem>>
    %get3A_1255 = arith.constant 125 : index
    %get3A_1256 = arith.constant 0 : index
    %get3A_1257 = vector.load %arg3[%get3A_1255, %get3A_1256] : memref<128x128xf32, #tpu.memory_space<vmem>>, vector<1x128xf32>
    %add3A_1258 = arith.constant 14336 : i32
    %add3A_1259 = arith.addi %add3A_1258, %get3A_1254 : i32
    %swap3A_1260 = arith.index_cast %add3A_1259 : i32 to index
    %swap3A_1261 = arith.constant 0 : index
    %swap3A_1262 = vector.load %arg4[%swap3A_1260, %swap3A_1261] : memref<16384x128xf32, #tpu.memory_space<vmem>>, vector<1x128xf32>
    tpu.vector_store %arg4[%swap3A_1260, %swap3A_1261], %get3A_1257 {strides = array<i32>} : memref<16384x128xf32, #tpu.memory_space<vmem>>, vector<1x128xf32>,
    %get3A_1263 = arith.constant 14 : index
    %get3A_1264 = memref.load %arg1[%get3A_1263] : memref<16xi32, #tpu.memory_space<smem>>
    %get3A_1265 = arith.constant 126 : index
    %get3A_1266 = arith.constant 0 : index
    %get3A_1267 = vector.load %arg3[%get3A_1265, %get3A_1266] : memref<128x128xf32, #tpu.memory_space<vmem>>, vector<1x128xf32>
    %add3A_1268 = arith.constant 14336 : i32
    %add3A_1269 = arith.addi %add3A_1268, %get3A_1264 : i32
    %swap3A_1270 = arith.index_cast %add3A_1269 : i32 to index
    %swap3A_1271 = arith.constant 0 : index
    %swap3A_1272 = vector.load %arg4[%swap3A_1270, %swap3A_1271] : memref<16384x128xf32, #tpu.memory_space<vmem>>, vector<1x128xf32>
    tpu.vector_store %arg4[%swap3A_1270, %swap3A_1271], %get3A_1267 {strides = array<i32>} : memref<16384x128xf32, #tpu.memory_space<vmem>>, vector<1x128xf32>,
    %get3A_1273 = arith.constant 15 : index
    %get3A_1274 = memref.load %arg1[%get3A_1273] : memref<16xi32, #tpu.memory_space<smem>>
    %get3A_1275 = arith.constant 127 : index
    %get3A_1276 = arith.constant 0 : index
    %get3A_1277 = vector.load %arg3[%get3A_1275, %get3A_1276] : memref<128x128xf32, #tpu.memory_space<vmem>>, vector<1x128xf32>
    %add3A_1278 = arith.constant 14336 : i32
    %add3A_1279 = arith.addi %add3A_1278, %get3A_1274 : i32
    %swap3A_1280 = arith.index_cast %add3A_1279 : i32 to index
    %swap3A_1281 = arith.constant 0 : index
    %swap3A_1282 = vector.load %arg4[%swap3A_1280, %swap3A_1281] : memref<16384x128xf32, #tpu.memory_space<vmem>>, vector<1x128xf32>
    tpu.vector_store %arg4[%swap3A_1280, %swap3A_1281], %get3A_1277 {strides = array<i32>} : memref<16384x128xf32, #tpu.memory_space<vmem>>, vector<1x128xf32>,
    return
  }
  func.func @transform_0(%arg0: i32) -> i32 {
    %c0_i32 = arith.constant 0 : i32
    %c0_i32_0 = arith.constant 0 : i32
    return %c0_i32 : i32
  }
  func.func @transform_1(%arg0: i32) -> (i32, i32) {
    %c0_i32 = arith.constant 0 : i32
    %c0_i32_0 = arith.constant 0 : i32
    return %arg0, %c0_i32 : i32, i32
  }
  func.func @transform_2(%arg0: i32) -> (i32, i32) {
    %c0_i32 = arith.constant 0 : i32
    %c0_i32_0 = arith.constant 0 : i32
    return %arg0, %c0_i32 : i32, i32
  }
  func.func @transform_3(%arg0: i32) -> (i32, i32) {
    %c0_i32 = arith.constant 0 : i32
    %c0_i32_0 = arith.constant 0 : i32
    return %arg0, %c0_i32 : i32, i32
  }
}

</mosaic_0001>

<sc_bundles>
// kernel: kernel.5.cloned.1.call-start
scs
__scs_entry_jumppad:
0x0: {  	(pc) =	sbr.rel $0x88, $3  }
0x1: {  	(tag) =	ssettag $0x0;
	lr =	simm.s32 $0x1  }
0x2: {  	[smem:$0x3F9C] =	sst lr;
	_ =	strace $0xD0000000  }
0x3: {  	_ = 	snop  }
0x4: {  	_ = 	snop  }
0x5: {  	_ = 	snop  }
0x6: {  	_ = 	snop  }
0x7: {  	_ = 	snop  }
__scs_overlays_trampoline_lowered:
0x8: {  	[smem:$0x3FAB] =	sst s0  }
0x9: {  	[smem:$0x3FAC] =	sst s1  }
0xa: {  	[smem:$0x3FAD] =	sst s2  }
0xb: {  	[smem:$0x3FAE] =	sst s3  }
0xc: {  	[smem:$0x3FAF] =	sst s4  }
0xd: {  	[smem:$0x3FB0] =	sst s5  }
0xe: {  	[smem:$0x3FB1] =	sst s6  }
0xf: {  	[smem:$0x3FB2] =	sst s7  }
0x10: {  	[smem:$0x3FB3] =	sst s8  }
0x11: {  	[smem:$0x3FB4] =	sst s9;
	s0 =	simm.s32 @!p0 $0x0  }
0x12: {  	s1 =	sld [smem:$0x3F9A];
	s0 =	simm.s32 @p0 $0x1  }
0x13: {  	[smem:$0x3FB5] =	sst s0;
	s0 =	simm.s32 @!p1 $0x0  }
0x14: {  	s2 =	sld [smem:$0x3F99];
	s0 =	simm.s32 @p1 $0x1  }
0x15: {  	[smem:$0x3FB6] =	sst s0;
	s0 =	simm.s32 @!p2 $0x0  }
0x16: {  	s3 =	sld [smem:$0x3FDB];
	s0 =	simm.s32 @p2 $0x1  }
0x17: {  	s4 =	simm.s32 $0x1BF5;
	[smem:$0x3FB8] =	sst s0  }
0x18: {  	s0 =	sld [smem:$0x3F9B];
	_ =	swait.ge [sflag:s4], $0x0  }
0x19: {  	s7 =	sld [smem:$0x3F9C]  }
0x1a: {  	s8 =	sadd.s32 $0xFFFFE003, lr  }
0x1b: {  	s9 =	sadd.s32 $0xFFFFFEF7, lr;
	s5 =	simm.s32 $0xFFFFFFFF;
	p2 =	slt.u32 s8, $0xFFFFF086  }
0x1c: {  	p1 =	slt.u32 s9, $0xF7A;
	s5 =	simm.s32 @!p2 $0x0  }
0x1d: {  	s5 =	simm.s32 @p1 $0x1;
	p0 =	seq.s32 s7, s2  }
0x1e: {  	s7 =	smul.u32 @!p0 $0xF7A, s2;
	p2 =	seq.s32 @!p0 s5, $0x0  }
0x1f: {  	s9 =	smul.u32 $0xF7A, s1;
	s8 =	simm.s32 @!p0 $0x1BF5;
	p2 =	por !p2, p0  }
0x20: {  	[sflag:s8] =	ssyncset.s32 @!p0 $0xFFFFF086;
	s6 =	sadd.s32 @!p0 s3, s7;
	s7 =	simm.s32 @!p0 $0x108  }
0x21: {  	s3 =	sadd.s32 s3, s9;
	s6 =	sadd.s32 @!p0 $0x88, s6;
	s7 =	simm.s32 @p2 $0x1082  }
0x22: {  	[simem:s7], [sflag:s8] =	dma.local @!p0 [hbm:s6], $0xF7A  }
0x23: {  	s9 =	sor.u32 $0xD0000000, s2;
	s6 =	simm.s32 $0x108;
	_ =	swait.ge @!p0 [sflag:s8], $0x0  }
0x24: {  	s3 =	sadd.s32 $0x88, s3;
	s6 =	simm.s32 @!p1 $0x1082;
	[sflag:s4] =	ssyncset.s32 $0xFFFFF086  }
0x25: {  	[simem:s6], [sflag:s4] =	dma.local [hbm:s3], $0xF7A  }
0x26: {  	[smem:$0x3F9C] =	sst s1;
	(tag) =	ssettag s2;
	_ =	strace s9  }
0x27: {  	s1 =	sld [smem:$0x3FAC]  }
0x28: {  	s2 =	sld [smem:$0x3FAD]  }
0x29: {  	s4 =	sld [smem:$0x3FAF]  }
0x2a: {  	p0 =	seq.s32 s5, $0x0;
	s5 =	sld [smem:$0x3FB0]  }
0x2b: {  	s6 =	sld [smem:$0x3FB1]  }
0x2c: {  	s7 =	sld [smem:$0x3FB2]  }
0x2d: {  	s3 =	simm.s32 $0x108;
	s8 =	sld [smem:$0x3FB3]  }
0x2e: {  	s3 =	simm.s32 @!p0 $0x1082;
	s9 =	sld [smem:$0x3FB4]  }
0x2f: {  	lr =	sadd.s32 s0, s3;
	s0 =	sld [smem:$0x3FAB]  }
0x30: {  	s3 =	sld [smem:$0x3FAE]  }
0x31: {  	[smem:$0x3FB7] =	sst s10  }
0x32: {  	s10 =	sld [smem:$0x3FB5];
	_ =	sdelay $0x3  }
0x33: {  	p0 =	seq.s32 s10, $0x1;
	s10 =	sld [smem:$0x3FB7];
	_ =	sdelay $0x3  }
0x34: {  	[smem:$0x3FB7] =	sst s10  }
0x35: {  	s10 =	sld [smem:$0x3FB6];
	_ =	sdelay $0x3  }
0x36: {  	p1 =	seq.s32 s10, $0x1;
	s10 =	sld [smem:$0x3FB7];
	_ =	sdelay $0x3  }
0x37: {  	[smem:$0x3FB7] =	sst s10  }
0x38: {  	s10 =	sld [smem:$0x3FB8]  }
0x39: {  	_ = 	snop;
	(pc) =	sbr.ind lr, $3  }
0x3a: {  	_ = 	snop  }
0x3b: {  	_ = 	snop  }
0x3c: {  	p2 =	seq.s32 s10, $0x1;
	s10 =	sld [smem:$0x3FB7]  }
0x3d: {  	_ =	shalt  }
0x3e: {  	_ =	shalt  }
0x3f: {  	_ =	shalt  }
0x40: {  	_ =	shalt  }
0x41: {  	_ =	shalt  }
0x42: {  	_ =	shalt  }
0x43: {  	_ =	shalt  }
0x44: {  	_ =	shalt  }
0x45: {  	_ =	shalt  }
0x46: {  	_ =	shalt  }
0x47: {  	_ =	shalt  }
0x48: {  	_ =	shalt  }
0x49: {  	_ =	shalt  }
0x4a: {  	_ =	shalt  }
0x4b: {  	_ =	shalt  }
0x4c: {  	_ =	shalt  }
0x4d: {  	_ =	shalt  }
0x4e: {  	_ =	shalt  }
0x4f: {  	_ =	shalt  }
0x50: {  	_ =	shalt  }
0x51: {  	_ =	shalt  }
0x52: {  	_ =	shalt  }
0x53: {  	_ =	shalt  }
0x54: {  	_ =	shalt  }
0x55: {  	_ =	shalt  }
0x56: {  	_ =	shalt  }
0x57: {  	_ =	shalt  }
0x58: {  	_ =	shalt  }
0x59: {  	_ =	shalt  }
0x5a: {  	_ =	shalt  }
0x5b: {  	_ =	shalt  }
0x5c: {  	_ =	shalt  }
0x5d: {  	_ =	shalt  }
0x5e: {  	_ =	shalt  }
0x5f: {  	_ =	shalt  }
0x60: {  	_ =	shalt  }
0x61: {  	_ =	shalt  }
0x62: {  	_ =	shalt  }
0x63: {  	_ =	shalt  }
0x64: {  	_ =	shalt  }
0x65: {  	_ =	shalt  }
0x66: {  	_ =	shalt  }
0x67: {  	_ =	shalt  }
0x68: {  	_ =	shalt  }
0x69: {  	_ =	shalt  }
0x6a: {  	_ =	shalt  }
0x6b: {  	_ =	shalt  }
0x6c: {  	_ =	shalt  }
0x6d: {  	_ =	shalt  }
0x6e: {  	_ =	shalt  }
0x6f: {  	_ =	shalt  }
0x70: {  	_ =	shalt  }
0x71: {  	_ =	shalt  }
0x72: {  	_ =	shalt  }
0x73: {  	_ =	shalt  }
0x74: {  	_ =	shalt  }
0x75: {  	_ =	shalt  }
0x76: {  	_ =	shalt  }
0x77: {  	_ =	shalt  }
0x78: {  	_ =	shalt  }
0x79: {  	_ =	shalt  }
0x7a: {  	_ =	shalt  }
0x7b: {  	_ =	shalt  }
0x7c: {  	_ =	shalt  }
0x7d: {  	_ =	shalt  }
0x7e: {  	_ =	shalt  }
0x7f: {  	_ =	shalt  }
0x80: {  	_ =	shalt  }
0x81: {  	_ =	shalt  }
0x82: {  	_ =	shalt  }
0x83: {  	_ =	shalt  }
0x84: {  	_ =	shalt  }
0x85: {  	_ =	shalt  }
0x86: {  	_ =	shalt  }
0x87: {  	_ =	shalt  }
.Lfunc_end0:
.L_simem_size_0:
called_computation_lowered:
.L_overlay_start_0:
0x88: {  	s2 =	sld [smem:$0x3FD9]  }
0x89: {  	s3 =	sld [smem:$0x3FFE];
	_ =	sdelay $0x1  }
0x8a: {  	s1 =	srdreg.scid  }
0x8b: {  	s0 =	sand.u32 $0x1, s1  }
0x8c: {  	s15 =	sshll.u32 s0, $0xA;
	s2 =	sadd.s32 s3, s2  }
0x8d: {  	s2 =	sadd.s32 s2, s15  }
0x8e: {  	[smem:$0x3FC3] =	sst s2  }
0x8f: {  	_ = 	snop  }
0x90: {  	s2 =	sld [smem:$0x3FD0]  }
0x91: {  	s16 =	sld [smem:$0x3FC8]  }
0x92: {  	s4 =	sld [smem:$0x3FC7]  }
0x93: {  	s6 =	simm.s32 $0xA;
	s7 =	simm.s32 $0x10;
	s5 =	sld [smem:$0x3FC5]  }
0x94: {  	[smem:s7], [sflag:s6] =	dma.local [hbm:s2], $0x1  }
0x95: {  	_ =	swait.eq [sflag:s6], $0x1  }
0x96: {  	[sflag:s6] =	ssyncset.done $0x0  }
0x97: {  	[sflag:s6] =	ssyncadd.s32 $0xFFFFFFFF  }
0x98: {  	s17 =	sld [smem:$0x11];
	(tm) =	ssettm $0x1  }
0x99: {  	s18 =	sld [smem:$0x3FFB];
	_ =	sdelay $0x3  }
0x9a: {  	_ =	strace s18  }
0x9b: {  	s6 =	sld [smem:$0x3FFC];
	_ =	sdelay $0x3  }
0x9c: {  	_ =	strace s6  }
0x9d: {  	s6 =	sld [smem:$0x3FFD];
	_ =	sdelay $0x3  }
0x9e: {  	_ =	strace s6  }
0x9f: {  	_ =	strace $0x8FFFFFFF  }
0xa0: {  	s19 =	sld [smem:$0x3FDB];
	_ =	sdelay $0x1  }
0xa1: {  	s20 =	simm.s32 $_scs_section_size  }
0xa2: {  	s8 =	simm.s32 $_size__tile_overlayer_lowered;
	s9 =	simm.s32 $_tile_overlayer_lowered  }
0xa3: {  	s23 =	simm.s32 $0x1BFF;
	s22 =	sshll.u32 s9, $0x1;
	s6 =	sadd.s32 s20, s19  }
0xa4: {  	s10 =	simm.s32 $0x0;
	s21 =	sshll.u32 s8, $0x1;
	s8 =	sadd.s32 s22, s6  }
0xa5: {  	[timem:s10], [sflag:s23] =	dma.local [hbm:s8], s21  }
0xa6: {  	_ =	swait.ge [sflag:s23], s21  }
0xa7: {  	s7 =	ssub.s32 $0x0, s21;
	[sflag:s23] =	ssyncset.done $0x0  }
0xa8: {  	[sflag:s23] =	ssyncadd.s32 s7;
	_ =	sdelay $0x1  }
0xa9: {  	s24 =	simm.s32 $0x1B8B  }
0xaa: {  	_ =	swait.ge [sflag:s24], $0x1  }
0xab: {  	[sflag:s24] =	ssyncset.done $0x0  }
0xac: {  	s25 =	simm.s32 $0x1B8E;
	[sflag:s24] =	ssyncadd.s32 $0xFFFFFFFF  }
0xad: {  	s26 =	simm.s32 $execute0_lowered;
	[smem:$0x3FD2] =	sst s25  }
0xae: {  	s7 =	sshll.u32 s26, $0x1;
	_ =	strace $0x80000046;
	[dreg:$0x1] =	wrdreg $0xFFFFFFFF  }
0xaf: {  	s28 =	simm.s32 $_size_execute0_lowered;
	s6 =	sadd.s32 s6, s7;
	[dreg:$0x0] =	wrdreg $0x0  }
0xb0: {  	s7 =	sshll.u32 s28, $0x1;
	[dreg:$0x2] =	wrdreg s6  }
0xb1: {  	[dreg:$0x3] =	wrdreg s7  }
0xb2: {  	[dreg:$0x4] =	wrdreg $0xC0  }
0xb3: {  	_ =	task [dreg:s10], $0x5FFFF  }
0xb4: {  	[dreg:$0x1] =	wrdreg $0xFFFFFFFF  }
0xb5: {  	[dreg:$0x0] =	wrdreg $0x60  }
0xb6: {  	[dreg:$0x2] =	wrdreg s16  }
0xb7: {  	[dreg:$0x3] =	wrdreg s4  }
0xb8: {  	[dreg:$0x4] =	wrdreg s5  }
0xb9: {  	[dreg:$0x5] =	wrdreg s17  }
0xba: {  	[dreg:$0x6] =	wrdreg $0x9  }
0xbb: {  	_ =	task.clear_ibuf [dreg:s10], $0x7FFFF;
	_ =	strace $0x90000046  }
0xbc: {  	s29 =	simm.s32 $0x9;
	_ =	strace $0x80000048  }
0xbd: {  	_ =	swait.ge [sflag:s29], $0x1  }
0xbe: {  	[sflag:s29] =	ssyncadd.s32 $0xFFFFFFFF  }
0xbf: {  	_ =	strace $0x90000048  }
0xc0: {  	_ =	sfence  }
0xc1: {  	s30 =	sld [smem:$0x0];
	_ =	sdelay $0x2  }
0xc2: {  	s31 =	sshll.u32 s1, $0xD;
	s1 =	sshrl.u32 s1, $0x2  }
0xc3: {  	s3 =	sand.u32 $0x4000, s31;
	s1 =	sadd.s32 s1, s30  }
0xc4: {  	s0 =	sor.u32 s3, s0;
	s1 =	sshll.u32 s1, $0x11  }
0xc5: {  	s0 =	sor.u32 s1, s0  }
0xc6: {  	s0 =	sadd.s32 $0x8F2B, s0  }
0xc7: {  	[sflag:s0] =	ssyncadd.remote.s32 $0x1  }
0xc8: {  	_ =	sfence.sel $0xFFFF  }
0xc9: {  	[dreg:$0x0] =	wrdreg $0xFFFFFFFF;
	(pc) =	sbr.abs _section_cstart, $3  }
0xca: {  	[dreg:$0x1] =	wrdreg $0xFFFFFFFF  }
0xcb: {  	_ =	task.clear_ibuf [dreg:s10], $0x2FFFF;
	_ =	strace $0x9FFFFFFF  }
0xcc: {  	(tm) =	ssettm $0x7FFFFFFF  }
0xcd: {  	_ =	shalt  }
tec
execute0_lowered:
.L_overlay_start_1:
0x0: {  	(tag) =	ssettag $0x1  }
0x1: {  	s0 =	rddreg [dreg:$0x0];
	s5 =	stileid.u32  }
0x2: {  	s1 =	rddreg [dreg:$0x1];
	p0 =	sgt.u32 s5, $0x7  }
.Ltmp0:
0x3: {  	s4 =	rddreg [dreg:$0x2];
	(pc) =	sbr.rel @p0 .LBB2_5-.Ltmp0, $4  }
0x4: {  	s2 =	rddreg [dreg:$0x3]  }
0x5: {  	s3 =	simm.s32 $0x0;
	[dreg:$0x5] =	wrdreg s1  }
0x6: {  	[smem:$0x7FF] =	sst s3  }
0x7: {  	s1 =	rddreg [dreg:$0x4];
	_ =	strace $0x80000047  }
0x8: {  	s1 =	srdreg.scid;
	s5 =	stileid.u32;
	s13 =	sadd.s32 $0x4000, s0  }
0x9: {  	s31 =	simm.s32 $0x18880;
	s1 =	sand.u32 $0x1, s1;
	s5 =	sshll.u32 s5, $0x1  }
0xa: {  	s30 =	simm.s32 $0x4;
	s11 =	simm.s32 $0x8000;
	s7 =	sor.u32 s1, s5  }
0xb: {  	p0 =	por $0x0, $0x0;
	s1 =	ssub.s32 $0x2, s1;
	s8 =	sshll.u32 s7, $0xF  }
0xc: {  	s10 =	sshll.u32 s7, $0xB;
	s7 =	sshll.u32 s7, $0x8;
	s9 =	sshrl.u32 s1, $0x1  }
0xd: {  	s22 =	sadd.s32 s0, s8;
	s12 =	sadd.s32 s8, s2;
	s4 =	sadd.s32 s4, s7  }
0xe: {  	s1 =	ssub.s32 s1, s9;
	s29 =	sadd.s32 s2, s8;
	s15 =	sor.u32 $0x3000, s8  }
0xf: {  	s21 =	sadd.s32 s8, s13;
	s20 =	sadd.s32 s8, s0;
	s9 =	simm.s32 $0x2  }
0x10: {  	s7 =	simm.s32 $0x18000;
	s8 =	simm.s32 $0x3;
	v0 =	vmov s10;
	s10 =	simm.s32 $0x10  }
0x11: {  	s23 =	sadd.s32 $0x1000, s22;
	s24 =	sadd.s32 $0x2000, s22;
	s1 =	smax.u32 s1, $0x1  }
0x12: {  	s14 =	sadd.s32 $0x5000, s22;
	s6 =	sadd.s32 $0x6000, s12;
	p1 =	sne.s32 s1, $0x1  }
.Ltmp1:
0x13: {  	s5 =	sadd.s32 $0x7000, s12;
	s28 =	sadd.s32 $0x1000, s29;
	(pc) =	sbr.rel @!p1 .LBB2_4-.Ltmp1, $4  }
0x14: {  	s26 =	sadd.s32 $0x2000, s29;
	s25 =	sadd.s32 s0, s15;
	s19 =	sadd.s32 s2, s15  }
0x15: {  	s18 =	sadd.s32 $0x4000, s29;
	s17 =	sadd.s32 $0x5000, s29;
	s16 =	sadd.s32 $0x6000, s20  }
0x16: {  	s15 =	sadd.s32 s15, s13;
	s20 =	simm.s32 $0x10000;
	s13 =	simm.s32 $0x1  }
0x17: {  	s12 =	simm.s32 $0x18800;
	s0 =	sadd.s32 $0xFFFFFFFF, s1;
	s1 =	rddreg [dreg:$0x5]  }
0x18: {  	[tilespmem:s31], [sflag:$0x4] =	stream.linear.gather [hbm4b:s1+s3], $0x80, $0x38;
	[tilespmem:$0x18900] =	vst v63  }
0x19: {  	_ =	swait.ge [sflag:s30], $0x80  }
0x1a: {  	[sflag:s30] =	ssyncset.done $0x0  }
0x1b: {  	[sflag:s30] =	ssyncadd.s32 $0xFFFFFF80  }
0x1c: {  	v1 =	vld [tilespmem:$0x18880];
	_ =	sdelay $0x4  }
0x1d: {  	v1 =	vadd.s32 v0, v1  }
0x1e: {  	[tilespmem:$0x18800] =	vst v1  }
0x1f: {  	[tilespmem:s3], [sflag:$0x1] =	stream.linear.gather [hbm4b:s22+s3], $0x8000, $0x38;
	[tilespmem:$0x18900] =	vst v63  }
0x20: {  	_ = 	snop  }
0x21: {  	[tilespmem:s11], [sflag:$0x1] =	stream.linear.gather [hbm4b:s23+s3], $0x8000, $0x38;
	[tilespmem:$0x18900] =	vst v63  }
0x22: {  	_ = 	snop  }
0x23: {  	[tilespmem:s20], [sflag:$0x1] =	stream.linear.gather [hbm4b:s24+s3], $0x8000, $0x38;
	[tilespmem:$0x18900] =	vst v63  }
0x24: {  	_ =	swait.ge [sflag:s13], $0x8000  }
0x25: {  	[sflag:s13] =	ssyncset.done $0x0  }
0x26: {  	[sflag:s13] =	ssyncadd.s32 $0xFFFF8000  }
0x27: {  	[hbm4b:s29+s3] =	stream.linear.scatter [tilespmem:s3], [sflag:$0x2], $0x8000, $0x38;
	[tilespmem:$0x18900] =	vst v63  }
0x28: {  	_ =	swait.ge [sflag:s13], $0x8000  }
0x29: {  	[sflag:s13] =	ssyncset.done $0x0  }
0x2a: {  	[sflag:s13] =	ssyncadd.s32 $0xFFFF8000  }
0x2b: {  	[hbm4b:s28+s3] =	stream.linear.scatter [tilespmem:s11], [sflag:$0x2], $0x8000, $0x38;
	[tilespmem:$0x18900] =	vst v63  }
0x2c: {  	_ =	swait.ge [sflag:s13], $0x8000  }
0x2d: {  	[sflag:s13] =	ssyncset.done $0x0  }
0x2e: {  	[sflag:s13] =	ssyncadd.s32 $0xFFFF8000  }
0x2f: {  	[hbm4b:s26+s3] =	stream.linear.scatter [tilespmem:s20], [sflag:$0x2], $0x8000, $0x38;
	[tilespmem:$0x18900] =	vst v63  }
0x30: {  	_ =	swait.ge [sflag:s9], $0x8000  }
0x31: {  	[sflag:s9] =	ssyncset.done $0x0  }
0x32: {  	[sflag:s9] =	ssyncadd.s32 $0xFFFF8000  }
0x33: {  	[tilespmem:s3], [sflag:$0x1] =	stream.linear.gather [hbm4b:s25+s3], $0x8000, $0x38;
	[tilespmem:$0x18900] =	vst v63  }
0x34: {  	_ =	swait.ge [sflag:s9], $0x8000  }
0x35: {  	[sflag:s9] =	ssyncset.done $0x0  }
0x36: {  	[sflag:s9] =	ssyncadd.s32 $0xFFFF8000  }
0x37: {  	[tilespmem:s11], [sflag:$0x1] =	stream.linear.gather [hbm4b:s21+s3], $0x8000, $0x38;
	[tilespmem:$0x18900] =	vst v63  }
0x38: {  	_ =	swait.ge [sflag:s9], $0x8000  }
0x39: {  	[sflag:s9] =	ssyncset.done $0x0  }
0x3a: {  	[sflag:s9] =	ssyncadd.s32 $0xFFFF8000  }
0x3b: {  	[tilespmem:s20], [sflag:$0x1] =	stream.linear.gather [hbm4b:s14+s3], $0x8000, $0x38;
	[tilespmem:$0x18900] =	vst v63  }
0x3c: {  	_ =	swait.ge [sflag:s13], $0x8000  }
0x3d: {  	[sflag:s13] =	ssyncset.done $0x0  }
0x3e: {  	[sflag:s13] =	ssyncadd.s32 $0xFFFF8000  }
0x3f: {  	[hbm4b:s19+s3] =	stream.linear.scatter [tilespmem:s3], [sflag:$0x2], $0x8000, $0x38;
	[tilespmem:$0x18900] =	vst v63  }
0x40: {  	_ =	swait.ge [sflag:s13], $0x8000  }
0x41: {  	[sflag:s13] =	ssyncset.done $0x0  }
0x42: {  	[sflag:s13] =	ssyncadd.s32 $0xFFFF8000  }
0x43: {  	[hbm4b:s18+s3] =	stream.linear.scatter [tilespmem:s11], [sflag:$0x2], $0x8000, $0x38;
	[tilespmem:$0x18900] =	vst v63  }
0x44: {  	_ =	swait.ge [sflag:s13], $0x8000  }
0x45: {  	[sflag:s13] =	ssyncset.done $0x0  }
0x46: {  	[sflag:s13] =	ssyncadd.s32 $0xFFFF8000  }
0x47: {  	[hbm4b:s17+s3] =	stream.linear.scatter [tilespmem:s20], [sflag:$0x2], $0x8000, $0x38;
	[tilespmem:$0x18900] =	vst v63  }
0x48: {  	_ =	swait.ge [sflag:s9], $0x8000  }
0x49: {  	[sflag:s9] =	ssyncset.done $0x0  }
0x4a: {  	[sflag:s9] =	ssyncadd.s32 $0xFFFF8000  }
0x4b: {  	[tilespmem:s3], [sflag:$0x1] =	stream.linear.gather [hbm4b:s16+s3], $0x8000, $0x38;
	[tilespmem:$0x18900] =	vst v63  }
0x4c: {  	_ =	swait.ge [sflag:s9], $0x8000  }
0x4d: {  	[sflag:s9] =	ssyncset.done $0x0  }
0x4e: {  	[sflag:s9] =	ssyncadd.s32 $0xFFFF8000  }
0x4f: {  	[tilespmem:s11], [sflag:$0x1] =	stream.linear.gather [hbm4b:s15+s3], $0x8000, $0x38;
	[tilespmem:$0x18900] =	vst v63  }
0x50: {  	_ =	swait.ge [sflag:s9], $0x8000  }
0x51: {  	[sflag:s9] =	ssyncset.done $0x0  }
0x52: {  	[sflag:s9] =	ssyncadd.s32 $0xFFFF8000  }
0x53: {  	_ =	swait.ge [sflag:s13], $0x8000  }
0x54: {  	[sflag:s13] =	ssyncset.done $0x0  }
0x55: {  	[sflag:s13] =	ssyncadd.s32 $0xFFFF8000  }
0x56: {  	[hbm4b:s6+s3] =	stream.linear.scatter [tilespmem:s3], [sflag:$0x2], $0x8000, $0x38;
	[tilespmem:$0x18900] =	vst v63  }
0x57: {  	_ =	swait.ge [sflag:s13], $0x8000  }
0x58: {  	[sflag:s13] =	ssyncset.done $0x0  }
0x59: {  	[sflag:s13] =	ssyncadd.s32 $0xFFFF8000  }
0x5a: {  	[hbm4b:s5+s3] =	stream.linear.scatter [tilespmem:s11], [sflag:$0x2], $0x8000, $0x38;
	[tilespmem:$0x18900] =	vst v63  }
0x5b: {  	_ =	swait.ge [sflag:s9], $0x8000  }
0x5c: {  	[sflag:s9] =	ssyncset.done $0x0  }
0x5d: {  	[sflag:s9] =	ssyncadd.s32 $0xFFFF8000  }
0x5e: {  	_ =	swait.ge [sflag:s9], $0x8000  }
0x5f: {  	[sflag:s9] =	ssyncset.done $0x0  }
0x60: {  	[sflag:s9] =	ssyncadd.s32 $0xFFFF8000  }
0x61: {  	[tilespmem:s7], [sflag:$0x3] =	stream.linear.gather [hbm4b:s4+s3], $0x800, $0x38;
	[tilespmem:$0x18900] =	vst v63  }
0x62: {  	p1 =	sne.s32 s0, $0x1;
	_ =	swait.ge [sflag:s8], $0x800  }
.Ltmp2:
0x63: {  	[sflag:s8] =	ssyncset.done $0x0;
	(pc) =	sbr.rel @!p1 .LBB2_4-.Ltmp2, $4  }
0x64: {  	[sflag:s8] =	ssyncadd.s32 $0xFFFFF800  }
0x65: {  	[hbm4b:s2+s10] =	stream.indirect.scatter [tilespmem:s7], [sflag:$0x3], $0x80, s12, s10, $0xb8;
	[tilespmem:$0x18900] =	vst v63  }
0x66: {  	s0 =	sadd.s32 $0xFFFFFFFF, s0;
	_ =	swait.ge [sflag:s8], $0x800  }
0x67: {  	p0 =	por $0x1, $0x1;
	s1 =	rddreg [dreg:$0x5];
	[sflag:s8] =	ssyncset.done $0x0  }
.LBB2_3:
0x68: {  	[sflag:s8] =	ssyncadd.s32 $0xFFFFF800  }
0x69: {  	[tilespmem:s31], [sflag:$0x4] =	stream.linear.gather [hbm4b:s1+s3], $0x80, $0x38;
	[tilespmem:$0x18900] =	vst v63  }
0x6a: {  	_ =	swait.ge [sflag:s30], $0x80  }
0x6b: {  	[sflag:s30] =	ssyncset.done $0x0  }
0x6c: {  	[sflag:s30] =	ssyncadd.s32 $0xFFFFFF80  }
0x6d: {  	v1 =	vld [tilespmem:$0x18880];
	_ =	sdelay $0x4  }
0x6e: {  	v1 =	vadd.s32 v0, v1  }
0x6f: {  	[tilespmem:$0x18800] =	vst v1  }
0x70: {  	[tilespmem:s3], [sflag:$0x1] =	stream.linear.gather [hbm4b:s22+s3], $0x8000, $0x38;
	[tilespmem:$0x18900] =	vst v63  }
0x71: {  	_ = 	snop  }
0x72: {  	[tilespmem:s11], [sflag:$0x1] =	stream.linear.gather [hbm4b:s23+s3], $0x8000, $0x38;
	[tilespmem:$0x18900] =	vst v63  }
0x73: {  	_ = 	snop  }
0x74: {  	[tilespmem:s20], [sflag:$0x1] =	stream.linear.gather [hbm4b:s24+s3], $0x8000, $0x38;
	[tilespmem:$0x18900] =	vst v63  }
0x75: {  	_ =	swait.ge [sflag:s13], $0x8000  }
0x76: {  	[sflag:s13] =	ssyncset.done $0x0  }
0x77: {  	[sflag:s13] =	ssyncadd.s32 $0xFFFF8000  }
0x78: {  	[hbm4b:s29+s3] =	stream.linear.scatter [tilespmem:s3], [sflag:$0x2], $0x8000, $0x38;
	[tilespmem:$0x18900] =	vst v63  }
0x79: {  	_ =	swait.ge [sflag:s13], $0x8000  }
0x7a: {  	[sflag:s13] =	ssyncset.done $0x0  }
0x7b: {  	[sflag:s13] =	ssyncadd.s32 $0xFFFF8000  }
0x7c: {  	[hbm4b:s28+s3] =	stream.linear.scatter [tilespmem:s11], [sflag:$0x2], $0x8000, $0x38;
	[tilespmem:$0x18900] =	vst v63  }
0x7d: {  	_ =	swait.ge [sflag:s13], $0x8000  }
0x7e: {  	[sflag:s13] =	ssyncset.done $0x0  }
0x7f: {  	[sflag:s13] =	ssyncadd.s32 $0xFFFF8000  }
0x80: {  	[hbm4b:s26+s3] =	stream.linear.scatter [tilespmem:s20], [sflag:$0x2], $0x8000, $0x38;
	[tilespmem:$0x18900] =	vst v63  }
0x81: {  	_ =	swait.ge [sflag:s9], $0x8000  }
0x82: {  	[sflag:s9] =	ssyncset.done $0x0  }
0x83: {  	[sflag:s9] =	ssyncadd.s32 $0xFFFF8000  }
0x84: {  	[tilespmem:s3], [sflag:$0x1] =	stream.linear.gather [hbm4b:s25+s3], $0x8000, $0x38;
	[tilespmem:$0x18900] =	vst v63  }
0x85: {  	_ =	swait.ge [sflag:s9], $0x8000  }
0x86: {  	[sflag:s9] =	ssyncset.done $0x0  }
0x87: {  	[sflag:s9] =	ssyncadd.s32 $0xFFFF8000  }
0x88: {  	[tilespmem:s11], [sflag:$0x1] =	stream.linear.gather [hbm4b:s21+s3], $0x8000, $0x38;
	[tilespmem:$0x18900] =	vst v63  }
0x89: {  	_ =	swait.ge [sflag:s9], $0x8000  }
0x8a: {  	[sflag:s9] =	ssyncset.done $0x0  }
0x8b: {  	[sflag:s9] =	ssyncadd.s32 $0xFFFF8000  }
0x8c: {  	[tilespmem:s20], [sflag:$0x1] =	stream.linear.gather [hbm4b:s14+s3], $0x8000, $0x38;
	[tilespmem:$0x18900] =	vst v63  }
0x8d: {  	_ =	swait.ge [sflag:s13], $0x8000  }
0x8e: {  	[sflag:s13] =	ssyncset.done $0x0  }
0x8f: {  	[sflag:s13] =	ssyncadd.s32 $0xFFFF8000  }
0x90: {  	[hbm4b:s19+s3] =	stream.linear.scatter [tilespmem:s3], [sflag:$0x2], $0x8000, $0x38;
	[tilespmem:$0x18900] =	vst v63  }
0x91: {  	_ =	swait.ge [sflag:s13], $0x8000  }
0x92: {  	[sflag:s13] =	ssyncset.done $0x0  }
0x93: {  	[sflag:s13] =	ssyncadd.s32 $0xFFFF8000  }
0x94: {  	[hbm4b:s18+s3] =	stream.linear.scatter [tilespmem:s11], [sflag:$0x2], $0x8000, $0x38;
	[tilespmem:$0x18900] =	vst v63  }
0x95: {  	_ =	swait.ge [sflag:s13], $0x8000  }
0x96: {  	[sflag:s13] =	ssyncset.done $0x0  }
0x97: {  	[sflag:s13] =	ssyncadd.s32 $0xFFFF8000  }
0x98: {  	[hbm4b:s17+s3] =	stream.linear.scatter [tilespmem:s20], [sflag:$0x2], $0x8000, $0x38;
	[tilespmem:$0x18900] =	vst v63  }
0x99: {  	_ =	swait.ge [sflag:s9], $0x8000  }
0x9a: {  	[sflag:s9] =	ssyncset.done $0x0  }
0x9b: {  	[sflag:s9] =	ssyncadd.s32 $0xFFFF8000  }
0x9c: {  	[tilespmem:s3], [sflag:$0x1] =	stream.linear.gather [hbm4b:s16+s3], $0x8000, $0x38;
	[tilespmem:$0x18900] =	vst v63  }
0x9d: {  	_ =	swait.ge [sflag:s9], $0x8000  }
0x9e: {  	[sflag:s9] =	ssyncset.done $0x0  }
0x9f: {  	[sflag:s9] =	ssyncadd.s32 $0xFFFF8000  }
0xa0: {  	[tilespmem:s11], [sflag:$0x1] =	stream.linear.gather [hbm4b:s15+s3], $0x8000, $0x38;
	[tilespmem:$0x18900] =	vst v63  }
0xa1: {  	_ =	swait.ge [sflag:s9], $0x8000  }
0xa2: {  	[sflag:s9] =	ssyncset.done $0x0  }
0xa3: {  	[sflag:s9] =	ssyncadd.s32 $0xFFFF8000  }
0xa4: {  	_ =	swait.ge [sflag:s13], $0x8000  }
0xa5: {  	[sflag:s13] =	ssyncset.done $0x0  }
0xa6: {  	[sflag:s13] =	ssyncadd.s32 $0xFFFF8000  }
0xa7: {  	[hbm4b:s6+s3] =	stream.linear.scatter [tilespmem:s3], [sflag:$0x2], $0x8000, $0x38;
	[tilespmem:$0x18900] =	vst v63  }
0xa8: {  	_ =	swait.ge [sflag:s13], $0x8000  }
0xa9: {  	[sflag:s13] =	ssyncset.done $0x0  }
0xaa: {  	[sflag:s13] =	ssyncadd.s32 $0xFFFF8000  }
0xab: {  	[hbm4b:s5+s3] =	stream.linear.scatter [tilespmem:s11], [sflag:$0x2], $0x8000, $0x38;
	[tilespmem:$0x18900] =	vst v63  }
0xac: {  	_ =	swait.ge [sflag:s9], $0x8000  }
0xad: {  	[sflag:s9] =	ssyncset.done $0x0  }
0xae: {  	[sflag:s9] =	ssyncadd.s32 $0xFFFF8000  }
0xaf: {  	_ =	swait.ge [sflag:s9], $0x8000  }
0xb0: {  	[sflag:s9] =	ssyncset.done $0x0  }
0xb1: {  	[sflag:s9] =	ssyncadd.s32 $0xFFFF8000  }
0xb2: {  	[tilespmem:s7], [sflag:$0x3] =	stream.linear.gather [hbm4b:s4+s3], $0x800, $0x38;
	[tilespmem:$0x18900] =	vst v63  }
0xb3: {  	p1 =	sne.s32 s0, $0x1;
	_ =	swait.ge [sflag:s8], $0x800  }
.Ltmp3:
0xb4: {  	[sflag:s8] =	ssyncset.done $0x0;
	(pc) =	sbr.rel @p1 .LBB2_3-.Ltmp3, $4  }
0xb5: {  	[sflag:s8] =	ssyncadd.s32 $0xFFFFF800  }
0xb6: {  	[hbm4b:s2+s10] =	stream.indirect.scatter [tilespmem:s7], [sflag:$0x3], $0x80, s12, s10, $0xb8;
	[tilespmem:$0x18900] =	vst v63  }
0xb7: {  	_ =	swait.ge [sflag:s8], $0x800  }
0xb8: {  	s0 =	sadd.s32 $0xFFFFFFFF, s0;
	s1 =	rddreg [dreg:$0x5];
	[sflag:s8] =	ssyncset.done $0x0  }
.LBB2_4:
0xb9: {  	[sflag:s8] =	ssyncadd.s32 @p0 $0xFFFFF800  }
0xba: {  	[tilespmem:s31], [sflag:$0x4] =	stream.linear.gather [hbm4b:s1+s3], $0x80, $0x38;
	[tilespmem:$0x18900] =	vst v63  }
0xbb: {  	_ =	swait.ge [sflag:s30], $0x80  }
0xbc: {  	[sflag:s30] =	ssyncset.done $0x0  }
0xbd: {  	[sflag:s30] =	ssyncadd.s32 $0xFFFFFF80  }
0xbe: {  	v1 =	vld [tilespmem:$0x18880];
	_ =	sdelay $0x4  }
0xbf: {  	v0 =	vadd.s32 v0, v1  }
0xc0: {  	[tilespmem:$0x18800] =	vst v0  }
0xc1: {  	[tilespmem:s3], [sflag:$0x1] =	stream.linear.gather [hbm4b:s22+s3], $0x8000, $0x38;
	[tilespmem:$0x18900] =	vst v63  }
0xc2: {  	_ = 	snop  }
0xc3: {  	[tilespmem:s11], [sflag:$0x1] =	stream.linear.gather [hbm4b:s23+s3], $0x8000, $0x38;
	[tilespmem:$0x18900] =	vst v63  }
0xc4: {  	_ = 	snop  }
0xc5: {  	[tilespmem:s20], [sflag:$0x1] =	stream.linear.gather [hbm4b:s24+s3], $0x8000, $0x38;
	[tilespmem:$0x18900] =	vst v63  }
0xc6: {  	_ =	swait.ge [sflag:s13], $0x8000  }
0xc7: {  	[sflag:s13] =	ssyncset.done $0x0  }
0xc8: {  	[sflag:s13] =	ssyncadd.s32 $0xFFFF8000  }
0xc9: {  	[hbm4b:s29+s3] =	stream.linear.scatter [tilespmem:s3], [sflag:$0x2], $0x8000, $0x38;
	[tilespmem:$0x18900] =	vst v63  }
0xca: {  	_ =	swait.ge [sflag:s13], $0x8000  }
0xcb: {  	[sflag:s13] =	ssyncset.done $0x0  }
0xcc: {  	[sflag:s13] =	ssyncadd.s32 $0xFFFF8000  }
0xcd: {  	[hbm4b:s28+s3] =	stream.linear.scatter [tilespmem:s11], [sflag:$0x2], $0x8000, $0x38;
	[tilespmem:$0x18900] =	vst v63  }
0xce: {  	_ =	swait.ge [sflag:s13], $0x8000  }
0xcf: {  	[sflag:s13] =	ssyncset.done $0x0  }
0xd0: {  	[sflag:s13] =	ssyncadd.s32 $0xFFFF8000  }
0xd1: {  	[hbm4b:s26+s3] =	stream.linear.scatter [tilespmem:s20], [sflag:$0x2], $0x8000, $0x38;
	[tilespmem:$0x18900] =	vst v63  }
0xd2: {  	_ =	swait.ge [sflag:s9], $0x8000  }
0xd3: {  	[sflag:s9] =	ssyncset.done $0x0  }
0xd4: {  	[sflag:s9] =	ssyncadd.s32 $0xFFFF8000  }
0xd5: {  	[tilespmem:s3], [sflag:$0x1] =	stream.linear.gather [hbm4b:s25+s3], $0x8000, $0x38;
	[tilespmem:$0x18900] =	vst v63  }
0xd6: {  	_ =	swait.ge [sflag:s9], $0x8000  }
0xd7: {  	[sflag:s9] =	ssyncset.done $0x0  }
0xd8: {  	[sflag:s9] =	ssyncadd.s32 $0xFFFF8000  }
0xd9: {  	[tilespmem:s11], [sflag:$0x1] =	stream.linear.gather [hbm4b:s21+s3], $0x8000, $0x38;
	[tilespmem:$0x18900] =	vst v63  }
0xda: {  	_ =	swait.ge [sflag:s9], $0x8000  }
0xdb: {  	[sflag:s9] =	ssyncset.done $0x0  }
0xdc: {  	[sflag:s9] =	ssyncadd.s32 $0xFFFF8000  }
0xdd: {  	[tilespmem:s20], [sflag:$0x1] =	stream.linear.gather [hbm4b:s14+s3], $0x8000, $0x38;
	[tilespmem:$0x18900] =	vst v63  }
0xde: {  	_ =	swait.ge [sflag:s13], $0x8000  }
0xdf: {  	[sflag:s13] =	ssyncset.done $0x0  }
0xe0: {  	[sflag:s13] =	ssyncadd.s32 $0xFFFF8000  }
0xe1: {  	[hbm4b:s19+s3] =	stream.linear.scatter [tilespmem:s3], [sflag:$0x2], $0x8000, $0x38;
	[tilespmem:$0x18900] =	vst v63  }
0xe2: {  	_ =	swait.ge [sflag:s13], $0x8000  }
0xe3: {  	[sflag:s13] =	ssyncset.done $0x0  }
0xe4: {  	[sflag:s13] =	ssyncadd.s32 $0xFFFF8000  }
0xe5: {  	[hbm4b:s18+s3] =	stream.linear.scatter [tilespmem:s11], [sflag:$0x2], $0x8000, $0x38;
	[tilespmem:$0x18900] =	vst v63  }
0xe6: {  	_ =	swait.ge [sflag:s13], $0x8000  }
0xe7: {  	[sflag:s13] =	ssyncset.done $0x0  }
0xe8: {  	[sflag:s13] =	ssyncadd.s32 $0xFFFF8000  }
0xe9: {  	[hbm4b:s17+s3] =	stream.linear.scatter [tilespmem:s20], [sflag:$0x2], $0x8000, $0x38;
	[tilespmem:$0x18900] =	vst v63  }
0xea: {  	_ =	swait.ge [sflag:s9], $0x8000  }
0xeb: {  	[sflag:s9] =	ssyncset.done $0x0  }
0xec: {  	[sflag:s9] =	ssyncadd.s32 $0xFFFF8000  }
0xed: {  	[tilespmem:s3], [sflag:$0x1] =	stream.linear.gather [hbm4b:s16+s3], $0x8000, $0x38;
	[tilespmem:$0x18900] =	vst v63  }
0xee: {  	_ =	swait.ge [sflag:s9], $0x8000  }
0xef: {  	[sflag:s9] =	ssyncset.done $0x0  }
0xf0: {  	[sflag:s9] =	ssyncadd.s32 $0xFFFF8000  }
0xf1: {  	[tilespmem:s11], [sflag:$0x1] =	stream.linear.gather [hbm4b:s15+s3], $0x8000, $0x38;
	[tilespmem:$0x18900] =	vst v63  }
0xf2: {  	_ =	swait.ge [sflag:s9], $0x8000  }
0xf3: {  	[sflag:s9] =	ssyncset.done $0x0  }
0xf4: {  	[sflag:s9] =	ssyncadd.s32 $0xFFFF8000  }
0xf5: {  	_ =	swait.ge [sflag:s13], $0x8000  }
0xf6: {  	[sflag:s13] =	ssyncset.done $0x0  }
0xf7: {  	[sflag:s13] =	ssyncadd.s32 $0xFFFF8000  }
0xf8: {  	[hbm4b:s6+s3] =	stream.linear.scatter [tilespmem:s3], [sflag:$0x2], $0x8000, $0x38;
	[tilespmem:$0x18900] =	vst v63  }
0xf9: {  	_ =	swait.ge [sflag:s13], $0x8000  }
0xfa: {  	[sflag:s13] =	ssyncset.done $0x0  }
0xfb: {  	[sflag:s13] =	ssyncadd.s32 $0xFFFF8000  }
0xfc: {  	[hbm4b:s5+s3] =	stream.linear.scatter [tilespmem:s11], [sflag:$0x2], $0x8000, $0x38;
	[tilespmem:$0x18900] =	vst v63  }
0xfd: {  	_ =	swait.ge [sflag:s9], $0x8000  }
0xfe: {  	[sflag:s9] =	ssyncset.done $0x0  }
0xff: {  	[sflag:s9] =	ssyncadd.s32 $0xFFFF8000  }
0x100: {  	_ =	swait.ge [sflag:s9], $0x8000  }
0x101: {  	[sflag:s9] =	ssyncset.done $0x0  }
0x102: {  	[sflag:s9] =	ssyncadd.s32 $0xFFFF8000  }
0x103: {  	[tilespmem:s7], [sflag:$0x3] =	stream.linear.gather [hbm4b:s4+s3], $0x800, $0x38;
	[tilespmem:$0x18900] =	vst v63  }
0x104: {  	_ =	swait.ge [sflag:s8], $0x800  }
0x105: {  	[sflag:s8] =	ssyncset.done $0x0  }
0x106: {  	[sflag:s8] =	ssyncadd.s32 $0xFFFFF800  }
0x107: {  	[hbm4b:s2+s10] =	stream.indirect.scatter [tilespmem:s7], [sflag:$0x3], $0x80, s12, s10, $0xb8;
	[tilespmem:$0x18900] =	vst v63  }
0x108: {  	_ =	swait.ge [sflag:s8], $0x800  }
0x109: {  	[sflag:s8] =	ssyncset.done $0x0  }
0x10a: {  	[sflag:s8] =	ssyncadd.s32 $0xFFFFF800  }
0x10b: {  	s5 =	stileid.u32;
	s1 =	rddreg [dreg:$0x4]  }
.LBB2_5:
0x10c: {  	_ =	sfence.sel $0x180000  }
0x10d: {  	[bflag:$0x0] =	sbarrier.arrive $0xFFFF  }
0x10e: {  	p0 =	sne.s32 s5, $0x0;
	_ =	strace $0x90000047  }
0x10f: {  	s0 =	sadd.s32 @!p0 $0x100000, s1;
	[bflag:$0x2] =	sbarrier.arrive $0xFFFF  }
0x110: {  	[sflag:s0] =	ssyncadd.tile.s32 @!p0 $0x1;
	_ =	shalt  }
.Lfunc_end2:
_tile_overlayer_lowered:
.L_overlay_start_2:
0x111: {  	(tag) =	ssettag $0x2  }
0x112: {  	s0 =	rddreg [dreg:$0x0];
	s2 =	stileid.u32  }
0x113: {  	s1 =	rddreg [dreg:$0x1];
	p0 =	sne.s32 s2, $0x0  }
0x114: {  	s3 =	rddreg [dreg:$0x2];
	[bflag:$0x3] =	sbarrier.arrive $0xFFFF;
	s2 =	simm.s32 @!p0 $0x1C04  }
0x115: {  	[timem:s3], [sflag:s2] =	dma.local @!p0 [hbm:s0], s1  }
0x116: {  	s0 =	simm.s32 @!p0 $0x4  }
0x117: {  	_ =	swait.ge @!p0 [sflag:s0], s1  }
0x118: {  	s1 =	ssub.s32 @!p0 $0x0, s1;
	[sflag:s0] =	ssyncset.done @!p0 $0x0  }
0x119: {  	[sflag:s0] =	ssyncadd.s32 @!p0 s1  }
0x11a: {  	[bflag:$0x3] =	sbarrier.arrive $0xFFFF  }
0x11b: {  	_ =	shalt  }

</sc_bundles>
